<compile_context>
chip_gen: v7x
topology: tpu7x:2x2x1
jax: 0.10.2.dev20260603
libtpu: 0.0.44.dev20260713+nightly
codegen_flags: <defaults>
</compile_context>

<pallas_src>
import functools

import jax
import jax.numpy as jnp
from jax import lax
from jax.experimental import pallas as pl
from jax.experimental.pallas import tpu as pltpu
from jax.experimental.pallas import tpu_sc as plsc

N = 10000
DH = 64
G = 64
NP = 10016
RPS = NP // 16
CHUNK = 128
CH = 80
CH2 = 160
HC = DH // 2
NW = 32
EPAD = NW * CH * CHUNK
DEGW = 8
NBUF = 4
EPS = 1e-5

def _deg_body(dst_hbm, ones_hbm, z_hbm, out_hbm, idx_v, ones_v, acc, *sems):
    c = lax.axis_index("c")
    s = lax.axis_index("s")
    w = s * 2 + c
    pltpu.sync_copy(z_hbm, acc.at[pl.ds(s * RPS, RPS)])
    pltpu.sync_copy(ones_hbm, ones_v)
    pltpu.sync_copy(dst_hbm.at[w], idx_v)
    plsc.subcore_barrier()

    for b in range(4):
        pltpu.async_copy(ones_v, acc.at[idx_v.at[b]], sems[b], add=True)

    def body(i, carry):
        for b in range(4):
            j = (i + 1) * 4 + b
            pltpu.make_async_copy(ones_v, acc.at[idx_v.at[0]], sems[b]).wait()
            pltpu.async_copy(ones_v, acc.at[idx_v.at[j]], sems[b], add=True)
        return carry

    lax.fori_loop(0, CH // 4 - 1, body, 0)
    for b in range(4):
        pltpu.make_async_copy(ones_v, acc.at[idx_v.at[0]], sems[b]).wait()
    plsc.subcore_barrier()
    pltpu.sync_copy(acc.at[pl.ds(s * RPS, RPS)], out_hbm.at[c, pl.ds(s * RPS, RPS)])


def _scatter_body(h_hbm, src_hbm, dst_hbm, z_hbm, out_hbm, isrc, idst, buf, acc,
                  h_s, *sems):
    c = lax.axis_index("c")
    s = lax.axis_index("s")
    col = c * HC
    pltpu.sync_copy(z_hbm, acc.at[pl.ds(s * RPS, RPS)])
    pltpu.sync_copy(src_hbm.at[s], isrc)
    pltpu.sync_copy(dst_hbm.at[s], idst)
    pltpu.sync_copy(h_hbm.at[pl.ds(s * (N // 16), N // 16), pl.ds(col, HC)],
                    h_s.at[pl.ds(s * (N // 16), N // 16)])
    plsc.subcore_barrier()

    gsems = sems[:NBUF]
    ssems = sems[NBUF:]
    for b in range(NBUF):
        pltpu.async_copy(h_s.at[isrc.at[b]], buf.at[b], gsems[b])

    def body(i, carry):
        for b in range(NBUF):
            j = i * NBUF + b
            bp = (b - 1) % NBUF
            pltpu.make_async_copy(h_s.at[isrc.at[j]], buf.at[b], gsems[b]).wait()
            pltpu.async_copy(buf.at[b], acc.at[idst.at[j]], ssems[b], add=True)
            regather = j + NBUF - 1 < CH2
            if b == 0:
                @pl.when(i > 0)
                def _():
                    pltpu.make_async_copy(buf.at[bp], acc.at[idst.at[0]],
                                          ssems[bp]).wait()

                @pl.when((i > 0) & regather)
                def _():
                    pltpu.async_copy(h_s.at[isrc.at[j + NBUF - 1]],
                                     buf.at[bp], gsems[bp])
            else:
                pltpu.make_async_copy(buf.at[bp], acc.at[idst.at[0]],
                                      ssems[bp]).wait()

                @pl.when(regather)
                def _():
                    pltpu.async_copy(h_s.at[isrc.at[j + NBUF - 1]],
                                     buf.at[bp], gsems[bp])
        return carry

    lax.fori_loop(0, CH2 // NBUF, body, 0)
    pltpu.make_async_copy(buf.at[NBUF - 1], acc.at[idst.at[0]],
                          ssems[NBUF - 1]).wait()
    plsc.subcore_barrier()
    pltpu.sync_copy(acc.at[pl.ds(s * RPS, RPS)],
                    out_hbm.at[pl.ds(s * RPS, RPS), pl.ds(col, HC)])


@functools.cache
def _sc_kernels():
    mesh = plsc.VectorSubcoreMesh(
        core_axis_name="c", subcore_axis_name="s", num_cores=2, num_subcores=16)
    params = pltpu.CompilerParams(use_tc_tiling_on_sc=False)
    deg_k = pl.kernel(
        _deg_body,
        out_type=jax.ShapeDtypeStruct((2, NP, DEGW), jnp.float32),
        mesh=mesh,
        compiler_params=params,
        scratch_types=[
            pltpu.VMEM((CH, CHUNK), jnp.int32),
            pltpu.VMEM((CHUNK, DEGW), jnp.float32),
            pltpu.VMEM_SHARED((NP, DEGW), jnp.float32),
        ] + [pltpu.SemaphoreType.DMA] * 4,
    )
    scat_k = pl.kernel(
        _scatter_body,
        out_type=jax.ShapeDtypeStruct((NP, DH), jnp.float32),
        mesh=mesh,
        compiler_params=params,
        scratch_types=[
            pltpu.VMEM((CH2, CHUNK), jnp.int32),
            pltpu.VMEM((CH2, CHUNK), jnp.int32),
            pltpu.VMEM((NBUF, CHUNK, HC), jnp.float32),
            pltpu.VMEM_SHARED((NP, HC), jnp.float32),
            pltpu.VMEM_SHARED((N, HC), jnp.float32),
        ] + [pltpu.SemaphoreType.DMA] * (2 * NBUF),
    )
    return deg_k, scat_k


def _dinv_from(deg_all):
    d = deg_all[0, :N, 0:1] + deg_all[1, :N, 0:1] + 1.0
    return 1.0 / jnp.sqrt(d)


def _tc_first_body(deg_ref, x_ref, w_ref, out_ref):
    dinv = _dinv_from(deg_ref[...])
    mm = jnp.dot(x_ref[...], w_ref[...], preferred_element_type=jnp.float32)
    out_ref[...] = dinv * mm


def _post_conv(deg_ref, acc_ref, hp_ref, b_ref, g_ref, be_ref):
    dinv = _dinv_from(deg_ref[...])
    z = dinv * (acc_ref[...][:N, :] + hp_ref[...]) + b_ref[...]
    z = jnp.maximum(z, 0.0)
    m = jnp.mean(z, axis=0, keepdims=True)
    zc = z - m
    v = jnp.mean(zc * zc, axis=0, keepdims=True)
    z = zc / jnp.sqrt(v + EPS) * g_ref[...] + be_ref[...]
    return dinv, z


def _tc_mid_body(deg_ref, acc_ref, hp_ref, b_ref, g_ref, be_ref, w_ref, out_ref):
    dinv, z = _post_conv(deg_ref, acc_ref, hp_ref, b_ref, g_ref, be_ref)
    out_ref[...] = dinv * jnp.dot(z, w_ref[...], preferred_element_type=jnp.float32)


def _tc_final_body(deg_ref, acc_ref, hp_ref, b_ref, g_ref, be_ref, bat_ref, out_ref):
    _, z = _post_conv(deg_ref, acc_ref, hp_ref, b_ref, g_ref, be_ref)
    gid = lax.broadcasted_iota(jnp.int32, (G, N), 0)
    oh = jnp.where(gid == bat_ref[...], 1.0, 0.0)
    sums = jnp.dot(oh, z, preferred_element_type=jnp.float32)
    ones_col = jnp.full((N, 1), 1.0, jnp.float32)
    cnt = jnp.dot(oh, ones_col, preferred_element_type=jnp.float32)
    out_ref[...] = sums / jnp.maximum(cnt, 1.0)


_tc_first = pl.pallas_call(
    _tc_first_body, out_shape=jax.ShapeDtypeStruct((N, DH), jnp.float32))
_tc_mid = pl.pallas_call(
    _tc_mid_body, out_shape=jax.ShapeDtypeStruct((N, DH), jnp.float32))
_tc_final = pl.pallas_call(
    _tc_final_body, out_shape=jax.ShapeDtypeStruct((G, DH), jnp.float32))


def kernel(x, edge_index, batch, W1, b1, g1, be1, W2, b2, g2, be2, W3, b3, g3, be3):
    src = edge_index[0]
    dst = edge_index[1]
    pad = EPAD - src.shape[0]
    spad = jnp.concatenate([src, jnp.zeros((pad,), jnp.int32)])
    dpad = jnp.concatenate([dst, jnp.full((pad,), N, jnp.int32)])
    dstp = dpad.reshape(NW, CH, CHUNK)
    srcp2 = spad.reshape(16, CH2, CHUNK)
    dstp2 = dpad.reshape(16, CH2, CHUNK)
    ones16 = jnp.zeros((CHUNK, DEGW), jnp.float32).at[:, 0].set(1.0)
    z16 = jnp.zeros((RPS, DEGW), jnp.float32)
    z32 = jnp.zeros((RPS, HC), jnp.float32)
    b1r, g1r, be1r = b1.reshape(1, DH), g1.reshape(1, DH), be1.reshape(1, DH)
    b2r, g2r, be2r = b2.reshape(1, DH), g2.reshape(1, DH), be2.reshape(1, DH)
    b3r, g3r, be3r = b3.reshape(1, DH), g3.reshape(1, DH), be3.reshape(1, DH)
    batr = batch.reshape(1, N)

    _deg_kernel, _scatter_kernel = _sc_kernels()
    degp = _deg_kernel(dstp, ones16, z16)
    h1p = _tc_first(degp, x, W1)
    acc1 = _scatter_kernel(h1p, srcp2, dstp2, z32)
    h2p = _tc_mid(degp, acc1, h1p, b1r, g1r, be1r, W2)
    acc2 = _scatter_kernel(h2p, srcp2, dstp2, z32)
    h3p = _tc_mid(degp, acc2, h2p, b2r, g2r, be2r, W3)
    acc3 = _scatter_kernel(h3p, srcp2, dstp2, z32)
    out = _tc_final(degp, acc3, h3p, b3r, g3r, be3r, batr)
    return out

# --- scband reference (transcript-rebuilt; emitter-appended) ---
"""Pipeline reference for scband-gcnlayer-63393717289685 (READ-ONLY COPY).

The authoritative reference and input builder live on the scoring server;
editing this copy changes nothing except your own understanding.
"""

import jax, jax.numpy as jnp
import numpy as np

N = 10000
E = 320000
D_IN = 128
D_H = 64
NUM_GRAPHS = 64
EPS = 1e-5


def setup_inputs(seed: int = 0) -> dict:
    key = jax.random.key(seed)
    ks = jax.random.split(key, 16)
    x = jax.random.normal(ks[0], (N, D_IN), dtype=jnp.float32)
    edge_index = jax.random.randint(ks[1], (2, E), 0, N, dtype=jnp.int32)
    batch = jnp.sort(jax.random.randint(ks[2], (N,), 0, NUM_GRAPHS, dtype=jnp.int32))
    W1 = jax.random.normal(ks[3], (D_IN, D_H), dtype=jnp.float32) / np.sqrt(D_IN)
    b1 = jnp.zeros((D_H,), jnp.float32)
    g1 = jnp.ones((D_H,), jnp.float32)
    be1 = jnp.zeros((D_H,), jnp.float32)
    W2 = jax.random.normal(ks[4], (D_H, D_H), dtype=jnp.float32) / np.sqrt(D_H)
    b2 = jnp.zeros((D_H,), jnp.float32)
    g2 = jnp.ones((D_H,), jnp.float32)
    be2 = jnp.zeros((D_H,), jnp.float32)
    W3 = jax.random.normal(ks[5], (D_H, D_H), dtype=jnp.float32) / np.sqrt(D_H)
    b3 = jnp.zeros((D_H,), jnp.float32)
    g3 = jnp.ones((D_H,), jnp.float32)
    be3 = jnp.zeros((D_H,), jnp.float32)
    return {"x": x, "edge_index": edge_index, "batch": batch,
            "W1": W1, "b1": b1, "g1": g1, "be1": be1,
            "W2": W2, "b2": b2, "g2": g2, "be2": be2,
            "W3": W3, "b3": b3, "g3": g3, "be3": be3}


def gcn_conv(x, edge_index, W, b):
    # GCNConv: D^{-1/2} (A + I) D^{-1/2} X W + b
    src = edge_index[0]
    dst = edge_index[1]
    loop = jnp.arange(x.shape[0], dtype=src.dtype)
    src = jnp.concatenate([src, loop])
    dst = jnp.concatenate([dst, loop])
    deg = jnp.zeros((x.shape[0],), x.dtype).at[dst].add(1.0)
    dinv = jnp.where(deg > 0, 1.0 / jnp.sqrt(deg), 0.0)
    norm = dinv[src] * dinv[dst]
    h = x @ W
    msg = h[src] * norm[:, None]
    out = jnp.zeros((x.shape[0], W.shape[1]), x.dtype).at[dst].add(msg)
    return out + b


def batchnorm(x, g, b):
    m = x.mean(axis=0)
    v = x.var(axis=0)
    return (x - m) / jnp.sqrt(v + EPS) * g + b


def reference(x, edge_index, batch, W1, b1, g1, be1, W2, b2, g2, be2, W3, b3, g3, be3):
    h = gcn_conv(x, edge_index, W1, b1)
    h = jax.nn.relu(h)
    h = batchnorm(h, g1, be1)
    h = gcn_conv(h, edge_index, W2, b2)
    h = jax.nn.relu(h)
    h = batchnorm(h, g2, be2)
    h = gcn_conv(h, edge_index, W3, b3)
    h = jax.nn.relu(h)
    h = batchnorm(h, g3, be3)
    sums = jax.ops.segment_sum(h, batch, num_segments=NUM_GRAPHS)
    cnt = jax.ops.segment_sum(jnp.ones((h.shape[0], 1), h.dtype), batch, num_segments=NUM_GRAPHS)
    out = sums / jnp.maximum(cnt, 1.0)
    # dropout p=0.0 -> identity
    return out

if __name__ == "__main__":
    import jax
    _d = setup_inputs()
    print(jax.jit(kernel)(*tuple(_d.values())))

</pallas_src>

<mosaic_0001>
#map = affine_map<(d0, d1) -> (0, 0)>
#map1 = affine_map<(d0, d1) -> (0, 0, 0)>
module attributes {stable_mosaic.version = 14 : i64} {
  func.func @_scatter_body(%arg0: i32, %arg1: i32, %arg2: memref<10000x64xf32, #tpu.memory_space<hbm>>, %arg3: memref<16x160x128xi32, #tpu.memory_space<hbm>>, %arg4: memref<16x160x128xi32, #tpu.memory_space<hbm>>, %arg5: memref<626x32xf32, #tpu.memory_space<hbm>>, %arg6: memref<10016x64xf32, #tpu.memory_space<hbm>>, %arg7: memref<160x128xi32, #tpu.memory_space<vmem>>, %arg8: memref<160x128xi32, #tpu.memory_space<vmem>>, %arg9: memref<4x128x32xf32, #tpu.memory_space<vmem>>, %arg10: memref<10016x32xf32, #tpu.memory_space<vmem_shared>>, %arg11: memref<10000x32xf32, #tpu.memory_space<vmem_shared>>, %arg12: memref<!tpu.dma_semaphore, #tpu.memory_space<semaphore_mem>>, %arg13: memref<!tpu.dma_semaphore, #tpu.memory_space<semaphore_mem>>, %arg14: memref<!tpu.dma_semaphore, #tpu.memory_space<semaphore_mem>>, %arg15: memref<!tpu.dma_semaphore, #tpu.memory_space<semaphore_mem>>, %arg16: memref<!tpu.dma_semaphore, #tpu.memory_space<semaphore_mem>>, %arg17: memref<!tpu.dma_semaphore, #tpu.memory_space<semaphore_mem>>, %arg18: memref<!tpu.dma_semaphore, #tpu.memory_space<semaphore_mem>>, %arg19: memref<!tpu.dma_semaphore, #tpu.memory_space<semaphore_mem>>) attributes {dimension_semantics = [#tpu.dimension_semantics<core_parallel>, #tpu.dimension_semantics<subcore_parallel>], iteration_bounds = array<i64: 2, 16>, scalar_prefetch = 0 : i64, scratch_operands = 13 : i64, tpu.core_type = #tpu.core_type<sc_vector_subcore>, window_params = [{transform_indices = #map}, {transform_indices = #map1}, {transform_indices = #map1}, {transform_indices = #map}, {transform_indices = #map}]} {
    %mul3A = arith.constant 32 : i32
    %mul3A_0 = arith.muli %arg0, %mul3A : i32
    %mul3A_1 = arith.constant 626 : i32
    %mul3A_2 = arith.muli %arg1, %mul3A_1 : i32
    "tpu.region"() ({
      %run_scoped3A = tpu.sem_alloc : memref<!tpu.dma_semaphore, #tpu.memory_space<semaphore_mem>>
      %dma_start3A_75 = arith.constant 0 : i32
      %dma_start3A_76 = tpu.memref_slice %arg10[%mul3A_2, %dma_start3A_75] : memref<10016x32xf32, #tpu.memory_space<vmem_shared>> -> memref<626x32xf32, #tpu.memory_space<vmem_shared>>
      tpu.enqueue_dma source(%arg5 : memref<626x32xf32, #tpu.memory_space<hbm>>) target(%dma_start3A_76 : memref<626x32xf32, #tpu.memory_space<vmem_shared>>) target_semaphore(%run_scoped3A : memref<!tpu.dma_semaphore, #tpu.memory_space<semaphore_mem>>)
      %dma_wait3A_77 = arith.constant 0 : i32
      %dma_wait3A_78 = tpu.memref_slice %arg10[%mul3A_2, %dma_wait3A_77] : memref<10016x32xf32, #tpu.memory_space<vmem_shared>> -> memref<626x32xf32, #tpu.memory_space<vmem_shared>>
      tpu.wait_dma2 semaphore(%run_scoped3A : memref<!tpu.dma_semaphore, #tpu.memory_space<semaphore_mem>>) src(%arg5 : memref<626x32xf32, #tpu.memory_space<hbm>>) dst(%dma_wait3A_78 : memref<626x32xf32, #tpu.memory_space<vmem_shared>>)
      tpu.yield
    }) : () -> ()
    "tpu.region"() ({
      %run_scoped3A = tpu.sem_alloc : memref<!tpu.dma_semaphore, #tpu.memory_space<semaphore_mem>>
      %dma_start3A_75 = arith.constant 0 : i32
      %dma_start3A_76 = arith.constant 0 : i32
      %dma_start3A_77 = tpu.memref_slice %arg3[%arg1, %dma_start3A_75, %dma_start3A_76] : memref<16x160x128xi32, #tpu.memory_space<hbm>> -> memref<1x160x128xi32, #tpu.memory_space<hbm>>
      %dma_start3A_78 = tpu.memref_squeeze %dma_start3A_77 : memref<1x160x128xi32, #tpu.memory_space<hbm>> -> memref<160x128xi32, #tpu.memory_space<hbm>>
      %dma_start3A_79 = arith.constant 0 : i32
      %dma_start3A_80 = arith.constant 0 : i32
      %dma_start3A_81 = tpu.memref_slice %arg3[%arg1, %dma_start3A_79, %dma_start3A_80] : memref<16x160x128xi32, #tpu.memory_space<hbm>> -> memref<1x160x128xi32, #tpu.memory_space<hbm>>
      %dma_start3A_82 = tpu.memref_squeeze %dma_start3A_81 : memref<1x160x128xi32, #tpu.memory_space<hbm>> -> memref<160x128xi32, #tpu.memory_space<hbm>>
      tpu.enqueue_dma source(%dma_start3A_82 : memref<160x128xi32, #tpu.memory_space<hbm>>) target(%arg7 : memref<160x128xi32, #tpu.memory_space<vmem>>) target_semaphore(%run_scoped3A : memref<!tpu.dma_semaphore, #tpu.memory_space<semaphore_mem>>)
      %dma_wait3A_83 = arith.constant 0 : i32
      %dma_wait3A_84 = arith.constant 0 : i32
      %dma_wait3A_85 = tpu.memref_slice %arg3[%arg1, %dma_wait3A_83, %dma_wait3A_84] : memref<16x160x128xi32, #tpu.memory_space<hbm>> -> memref<1x160x128xi32, #tpu.memory_space<hbm>>
      %dma_wait3A_86 = tpu.memref_squeeze %dma_wait3A_85 : memref<1x160x128xi32, #tpu.memory_space<hbm>> -> memref<160x128xi32, #tpu.memory_space<hbm>>
      %dma_wait3A_87 = arith.constant 0 : i32
      %dma_wait3A_88 = arith.constant 0 : i32
      %dma_wait3A_89 = tpu.memref_slice %arg3[%arg1, %dma_wait3A_87, %dma_wait3A_88] : memref<16x160x128xi32, #tpu.memory_space<hbm>> -> memref<1x160x128xi32, #tpu.memory_space<hbm>>
      %dma_wait3A_90 = tpu.memref_squeeze %dma_wait3A_89 : memref<1x160x128xi32, #tpu.memory_space<hbm>> -> memref<160x128xi32, #tpu.memory_space<hbm>>
      tpu.wait_dma2 semaphore(%run_scoped3A : memref<!tpu.dma_semaphore, #tpu.memory_space<semaphore_mem>>) src(%dma_wait3A_90 : memref<160x128xi32, #tpu.memory_space<hbm>>) dst(%arg7 : memref<160x128xi32, #tpu.memory_space<vmem>>)
      tpu.yield
    }) : () -> ()
    "tpu.region"() ({
      %run_scoped3A = tpu.sem_alloc : memref<!tpu.dma_semaphore, #tpu.memory_space<semaphore_mem>>
      %dma_start3A_75 = arith.constant 0 : i32
      %dma_start3A_76 = arith.constant 0 : i32
      %dma_start3A_77 = tpu.memref_slice %arg4[%arg1, %dma_start3A_75, %dma_start3A_76] : memref<16x160x128xi32, #tpu.memory_space<hbm>> -> memref<1x160x128xi32, #tpu.memory_space<hbm>>
      %dma_start3A_78 = tpu.memref_squeeze %dma_start3A_77 : memref<1x160x128xi32, #tpu.memory_space<hbm>> -> memref<160x128xi32, #tpu.memory_space<hbm>>
      %dma_start3A_79 = arith.constant 0 : i32
      %dma_start3A_80 = arith.constant 0 : i32
      %dma_start3A_81 = tpu.memref_slice %arg4[%arg1, %dma_start3A_79, %dma_start3A_80] : memref<16x160x128xi32, #tpu.memory_space<hbm>> -> memref<1x160x128xi32, #tpu.memory_space<hbm>>
      %dma_start3A_82 = tpu.memref_squeeze %dma_start3A_81 : memref<1x160x128xi32, #tpu.memory_space<hbm>> -> memref<160x128xi32, #tpu.memory_space<hbm>>
      tpu.enqueue_dma source(%dma_start3A_82 : memref<160x128xi32, #tpu.memory_space<hbm>>) target(%arg8 : memref<160x128xi32, #tpu.memory_space<vmem>>) target_semaphore(%run_scoped3A : memref<!tpu.dma_semaphore, #tpu.memory_space<semaphore_mem>>)
      %dma_wait3A_83 = arith.constant 0 : i32
      %dma_wait3A_84 = arith.constant 0 : i32
      %dma_wait3A_85 = tpu.memref_slice %arg4[%arg1, %dma_wait3A_83, %dma_wait3A_84] : memref<16x160x128xi32, #tpu.memory_space<hbm>> -> memref<1x160x128xi32, #tpu.memory_space<hbm>>
      %dma_wait3A_86 = tpu.memref_squeeze %dma_wait3A_85 : memref<1x160x128xi32, #tpu.memory_space<hbm>> -> memref<160x128xi32, #tpu.memory_space<hbm>>
      %dma_wait3A_87 = arith.constant 0 : i32
      %dma_wait3A_88 = arith.constant 0 : i32
      %dma_wait3A_89 = tpu.memref_slice %arg4[%arg1, %dma_wait3A_87, %dma_wait3A_88] : memref<16x160x128xi32, #tpu.memory_space<hbm>> -> memref<1x160x128xi32, #tpu.memory_space<hbm>>
      %dma_wait3A_90 = tpu.memref_squeeze %dma_wait3A_89 : memref<1x160x128xi32, #tpu.memory_space<hbm>> -> memref<160x128xi32, #tpu.memory_space<hbm>>
      tpu.wait_dma2 semaphore(%run_scoped3A : memref<!tpu.dma_semaphore, #tpu.memory_space<semaphore_mem>>) src(%dma_wait3A_90 : memref<160x128xi32, #tpu.memory_space<hbm>>) dst(%arg8 : memref<160x128xi32, #tpu.memory_space<vmem>>)
      tpu.yield
    }) : () -> ()
    %mul3A_3 = arith.constant 625 : i32
    %mul3A_4 = arith.muli %arg1, %mul3A_3 : i32
    %mul3A_5 = arith.constant 625 : i32
    %mul3A_6 = arith.muli %arg1, %mul3A_5 : i32
    "tpu.region"() ({
      %run_scoped3A = tpu.sem_alloc : memref<!tpu.dma_semaphore, #tpu.memory_space<semaphore_mem>>
      %dma_start3A_75 = arith.constant 0 : i32
      %dma_start3A_76 = tpu.memref_slice %arg11[%mul3A_6, %dma_start3A_75] : memref<10000x32xf32, #tpu.memory_space<vmem_shared>> -> memref<625x32xf32, #tpu.memory_space<vmem_shared>>
      %dma_start3A_77 = tpu.memref_slice %arg2[%mul3A_4, %mul3A_0] : memref<10000x64xf32, #tpu.memory_space<hbm>> -> memref<625x32xf32, #tpu.memory_space<hbm>>
      tpu.enqueue_dma source(%dma_start3A_77 : memref<625x32xf32, #tpu.memory_space<hbm>>) target(%dma_start3A_76 : memref<625x32xf32, #tpu.memory_space<vmem_shared>>) target_semaphore(%run_scoped3A : memref<!tpu.dma_semaphore, #tpu.memory_space<semaphore_mem>>)
      %dma_wait3A_78 = arith.constant 0 : i32
      %dma_wait3A_79 = tpu.memref_slice %arg11[%mul3A_6, %dma_wait3A_78] : memref<10000x32xf32, #tpu.memory_space<vmem_shared>> -> memref<625x32xf32, #tpu.memory_space<vmem_shared>>
      %dma_wait3A_80 = tpu.memref_slice %arg2[%mul3A_4, %mul3A_0] : memref<10000x64xf32, #tpu.memory_space<hbm>> -> memref<625x32xf32, #tpu.memory_space<hbm>>
      tpu.wait_dma2 semaphore(%run_scoped3A : memref<!tpu.dma_semaphore, #tpu.memory_space<semaphore_mem>>) src(%dma_wait3A_80 : memref<625x32xf32, #tpu.memory_space<hbm>>) dst(%dma_wait3A_79 : memref<625x32xf32, #tpu.memory_space<vmem_shared>>)
      tpu.yield
    }) : () -> ()
    %barrier3A = arith.constant 0 : index
    tpu.barrier barrier_id(%barrier3A)
    %dma_start3A = arith.constant 0 : i32
    %dma_start3A_7 = arith.constant 0 : i32
    %dma_start3A_8 = arith.constant 0 : i32
    %dma_start3A_9 = arith.constant 0 : i32
    %dma_start3A_10 = tpu.memref_slice %arg9[%dma_start3A_7, %dma_start3A_8, %dma_start3A_9] : memref<4x128x32xf32, #tpu.memory_space<vmem>> -> memref<1x128x32xf32, #tpu.memory_space<vmem>>
    %dma_start3A_11 = tpu.memref_squeeze %dma_start3A_10 : memref<1x128x32xf32, #tpu.memory_space<vmem>> -> memref<128x32xf32, #tpu.memory_space<vmem>>
    %dma_start3A_12 = arith.constant 0 : i32
    %dma_start3A_13 = tpu.memref_slice %arg7[%dma_start3A, %dma_start3A_12] : memref<160x128xi32, #tpu.memory_space<vmem>> -> memref<1x128xi32, #tpu.memory_space<vmem>>
    %dma_start3A_14 = tpu.memref_squeeze %dma_start3A_13 : memref<1x128xi32, #tpu.memory_space<vmem>> -> memref<128xi32, #tpu.memory_space<vmem>>
    %dma_start3A_15 = arith.constant 0 : i32
    %dma_start3A_16 = arith.constant 0 : i32
    %dma_start3A_17 = tpu.memref_slice %arg11[%dma_start3A_15, %dma_start3A_16] : memref<10000x32xf32, #tpu.memory_space<vmem_shared>> -> memref<10000x32xf32, #tpu.memory_space<vmem_shared>>
    tpu.enqueue_indirect_dma source(%dma_start3A_17 : memref<10000x32xf32, #tpu.memory_space<vmem_shared>>) target(%dma_start3A_11 : memref<128x32xf32, #tpu.memory_space<vmem>>) offsets(%dma_start3A_14 : memref<128xi32, #tpu.memory_space<vmem>>) semaphore(%arg12 : memref<!tpu.dma_semaphore, #tpu.memory_space<semaphore_mem>>)
    %dma_start3A_18 = arith.constant 1 : i32
    %dma_start3A_19 = arith.constant 1 : i32
    %dma_start3A_20 = arith.constant 0 : i32
    %dma_start3A_21 = arith.constant 0 : i32
    %dma_start3A_22 = tpu.memref_slice %arg9[%dma_start3A_19, %dma_start3A_20, %dma_start3A_21] : memref<4x128x32xf32, #tpu.memory_space<vmem>> -> memref<1x128x32xf32, #tpu.memory_space<vmem>>
    %dma_start3A_23 = tpu.memref_squeeze %dma_start3A_22 : memref<1x128x32xf32, #tpu.memory_space<vmem>> -> memref<128x32xf32, #tpu.memory_space<vmem>>
    %dma_start3A_24 = arith.constant 0 : i32
    %dma_start3A_25 = tpu.memref_slice %arg7[%dma_start3A_18, %dma_start3A_24] : memref<160x128xi32, #tpu.memory_space<vmem>> -> memref<1x128xi32, #tpu.memory_space<vmem>>
    %dma_start3A_26 = tpu.memref_squeeze %dma_start3A_25 : memref<1x128xi32, #tpu.memory_space<vmem>> -> memref<128xi32, #tpu.memory_space<vmem>>
    %dma_start3A_27 = arith.constant 0 : i32
    %dma_start3A_28 = arith.constant 0 : i32
    %dma_start3A_29 = tpu.memref_slice %arg11[%dma_start3A_27, %dma_start3A_28] : memref<10000x32xf32, #tpu.memory_space<vmem_shared>> -> memref<10000x32xf32, #tpu.memory_space<vmem_shared>>
    tpu.enqueue_indirect_dma source(%dma_start3A_29 : memref<10000x32xf32, #tpu.memory_space<vmem_shared>>) target(%dma_start3A_23 : memref<128x32xf32, #tpu.memory_space<vmem>>) offsets(%dma_start3A_26 : memref<128xi32, #tpu.memory_space<vmem>>) semaphore(%arg13 : memref<!tpu.dma_semaphore, #tpu.memory_space<semaphore_mem>>)
    %dma_start3A_30 = arith.constant 2 : i32
    %dma_start3A_31 = arith.constant 2 : i32
    %dma_start3A_32 = arith.constant 0 : i32
    %dma_start3A_33 = arith.constant 0 : i32
    %dma_start3A_34 = tpu.memref_slice %arg9[%dma_start3A_31, %dma_start3A_32, %dma_start3A_33] : memref<4x128x32xf32, #tpu.memory_space<vmem>> -> memref<1x128x32xf32, #tpu.memory_space<vmem>>
    %dma_start3A_35 = tpu.memref_squeeze %dma_start3A_34 : memref<1x128x32xf32, #tpu.memory_space<vmem>> -> memref<128x32xf32, #tpu.memory_space<vmem>>
    %dma_start3A_36 = arith.constant 0 : i32
    %dma_start3A_37 = tpu.memref_slice %arg7[%dma_start3A_30, %dma_start3A_36] : memref<160x128xi32, #tpu.memory_space<vmem>> -> memref<1x128xi32, #tpu.memory_space<vmem>>
    %dma_start3A_38 = tpu.memref_squeeze %dma_start3A_37 : memref<1x128xi32, #tpu.memory_space<vmem>> -> memref<128xi32, #tpu.memory_space<vmem>>
    %dma_start3A_39 = arith.constant 0 : i32
    %dma_start3A_40 = arith.constant 0 : i32
    %dma_start3A_41 = tpu.memref_slice %arg11[%dma_start3A_39, %dma_start3A_40] : memref<10000x32xf32, #tpu.memory_space<vmem_shared>> -> memref<10000x32xf32, #tpu.memory_space<vmem_shared>>
    tpu.enqueue_indirect_dma source(%dma_start3A_41 : memref<10000x32xf32, #tpu.memory_space<vmem_shared>>) target(%dma_start3A_35 : memref<128x32xf32, #tpu.memory_space<vmem>>) offsets(%dma_start3A_38 : memref<128xi32, #tpu.memory_space<vmem>>) semaphore(%arg14 : memref<!tpu.dma_semaphore, #tpu.memory_space<semaphore_mem>>)
    %dma_start3A_42 = arith.constant 3 : i32
    %dma_start3A_43 = arith.constant 3 : i32
    %dma_start3A_44 = arith.constant 0 : i32
    %dma_start3A_45 = arith.constant 0 : i32
    %dma_start3A_46 = tpu.memref_slice %arg9[%dma_start3A_43, %dma_start3A_44, %dma_start3A_45] : memref<4x128x32xf32, #tpu.memory_space<vmem>> -> memref<1x128x32xf32, #tpu.memory_space<vmem>>
    %dma_start3A_47 = tpu.memref_squeeze %dma_start3A_46 : memref<1x128x32xf32, #tpu.memory_space<vmem>> -> memref<128x32xf32, #tpu.memory_space<vmem>>
    %dma_start3A_48 = arith.constant 0 : i32
    %dma_start3A_49 = tpu.memref_slice %arg7[%dma_start3A_42, %dma_start3A_48] : memref<160x128xi32, #tpu.memory_space<vmem>> -> memref<1x128xi32, #tpu.memory_space<vmem>>
    %dma_start3A_50 = tpu.memref_squeeze %dma_start3A_49 : memref<1x128xi32, #tpu.memory_space<vmem>> -> memref<128xi32, #tpu.memory_space<vmem>>
    %dma_start3A_51 = arith.constant 0 : i32
    %dma_start3A_52 = arith.constant 0 : i32
    %dma_start3A_53 = tpu.memref_slice %arg11[%dma_start3A_51, %dma_start3A_52] : memref<10000x32xf32, #tpu.memory_space<vmem_shared>> -> memref<10000x32xf32, #tpu.memory_space<vmem_shared>>
    tpu.enqueue_indirect_dma source(%dma_start3A_53 : memref<10000x32xf32, #tpu.memory_space<vmem_shared>>) target(%dma_start3A_47 : memref<128x32xf32, #tpu.memory_space<vmem>>) offsets(%dma_start3A_50 : memref<128xi32, #tpu.memory_space<vmem>>) semaphore(%arg15 : memref<!tpu.dma_semaphore, #tpu.memory_space<semaphore_mem>>)
    %scan3A = arith.constant 0 : i32
    %scan3A_54 = arith.constant 0 : i32
    %scan3A_55 = arith.constant 40 : i32
    %scan3A_56 = arith.addi %scan3A_54, %scan3A_55 : i32
    %scan3A_57 = arith.constant 1 : i32
    scf.for %scan3A_75 = %scan3A_54 to %scan3A_56 step %scan3A_57  : i32 {
      %mul3A_76 = arith.constant 4 : i32
      %mul3A_77 = arith.muli %scan3A_75, %mul3A_76 : i32
      %add3A = arith.constant 0 : i32
      %add3A_78 = arith.addi %mul3A_77, %add3A : i32
      %dma_wait3A_79 = arith.constant 0 : i32
      %dma_wait3A_80 = arith.constant 0 : i32
      %dma_wait3A_81 = arith.constant 0 : i32
      %dma_wait3A_82 = tpu.memref_slice %arg9[%dma_wait3A_79, %dma_wait3A_80, %dma_wait3A_81] : memref<4x128x32xf32, #tpu.memory_space<vmem>> -> memref<1x128x32xf32, #tpu.memory_space<vmem>>
      %dma_wait3A_83 = tpu.memref_squeeze %dma_wait3A_82 : memref<1x128x32xf32, #tpu.memory_space<vmem>> -> memref<128x32xf32, #tpu.memory_space<vmem>>
      %dma_wait3A_84 = arith.constant 0 : i32
      %dma_wait3A_85 = tpu.memref_slice %arg7[%add3A_78, %dma_wait3A_84] : memref<160x128xi32, #tpu.memory_space<vmem>> -> memref<1x128xi32, #tpu.memory_space<vmem>>
      %dma_wait3A_86 = tpu.memref_squeeze %dma_wait3A_85 : memref<1x128xi32, #tpu.memory_space<vmem>> -> memref<128xi32, #tpu.memory_space<vmem>>
      %dma_wait3A_87 = arith.constant 0 : i32
      %dma_wait3A_88 = arith.constant 0 : i32
      %dma_wait3A_89 = tpu.memref_slice %arg11[%dma_wait3A_87, %dma_wait3A_88] : memref<10000x32xf32, #tpu.memory_space<vmem_shared>> -> memref<10000x32xf32, #tpu.memory_space<vmem_shared>>
      tpu.wait_indirect_dma semaphore(%arg12 : memref<!tpu.dma_semaphore, #tpu.memory_space<semaphore_mem>>) src(%dma_wait3A_89 : memref<10000x32xf32, #tpu.memory_space<vmem_shared>>) dst(%dma_wait3A_83 : memref<128x32xf32, #tpu.memory_space<vmem>>)
      %dma_start3A_90 = arith.constant 0 : i32
      %dma_start3A_91 = arith.constant 0 : i32
      %dma_start3A_92 = arith.constant 0 : i32
      %dma_start3A_93 = tpu.memref_slice %arg9[%dma_start3A_90, %dma_start3A_91, %dma_start3A_92] : memref<4x128x32xf32, #tpu.memory_space<vmem>> -> memref<1x128x32xf32, #tpu.memory_space<vmem>>
      %dma_start3A_94 = tpu.memref_squeeze %dma_start3A_93 : memref<1x128x32xf32, #tpu.memory_space<vmem>> -> memref<128x32xf32, #tpu.memory_space<vmem>>
      %dma_start3A_95 = arith.constant 0 : i32
      %dma_start3A_96 = tpu.memref_slice %arg8[%add3A_78, %dma_start3A_95] : memref<160x128xi32, #tpu.memory_space<vmem>> -> memref<1x128xi32, #tpu.memory_space<vmem>>
      %dma_start3A_97 = tpu.memref_squeeze %dma_start3A_96 : memref<1x128xi32, #tpu.memory_space<vmem>> -> memref<128xi32, #tpu.memory_space<vmem>>
      %dma_start3A_98 = arith.constant 0 : i32
      %dma_start3A_99 = arith.constant 0 : i32
      %dma_start3A_100 = tpu.memref_slice %arg10[%dma_start3A_98, %dma_start3A_99] : memref<10016x32xf32, #tpu.memory_space<vmem_shared>> -> memref<10016x32xf32, #tpu.memory_space<vmem_shared>>
      tpu.enqueue_indirect_dma source(%dma_start3A_94 : memref<128x32xf32, #tpu.memory_space<vmem>>) target(%dma_start3A_100 : memref<10016x32xf32, #tpu.memory_space<vmem_shared>>) offsets(%dma_start3A_97 : memref<128xi32, #tpu.memory_space<vmem>>) semaphore(%arg16 : memref<!tpu.dma_semaphore, #tpu.memory_space<semaphore_mem>>) {add = true}
      %add3A_101 = arith.constant 4 : i32
      %add3A_102 = arith.addi %add3A_78, %add3A_101 : i32
      %sub3A = arith.constant 1 : i32
      %sub3A_103 = arith.subi %add3A_102, %sub3A : i32
      %lt3A = arith.constant 160 : i32
      %lt3A_104 = arith.cmpi slt, %sub3A_103, %lt3A : i32
      %gt3A = arith.constant 0 : i32
      %gt3A_105 = arith.cmpi sgt, %scan3A_75, %gt3A : i32
      %convert_element_type3A = arith.extui %gt3A_105 : i1 to i32
      %cond3A = arith.constant 0 : i32
      %cond3A_106 = arith.cmpi ne, %convert_element_type3A, %cond3A : i32
      scf.if %cond3A_106 {
        %dma_wait3A_253 = arith.constant 3 : i32
        %dma_wait3A_254 = arith.constant 0 : i32
        %dma_wait3A_255 = arith.constant 0 : i32
        %dma_wait3A_256 = arith.constant 0 : i32
        %dma_wait3A_257 = tpu.memref_slice %arg9[%dma_wait3A_253, %dma_wait3A_255, %dma_wait3A_256] : memref<4x128x32xf32, #tpu.memory_space<vmem>> -> memref<1x128x32xf32, #tpu.memory_space<vmem>>
        %dma_wait3A_258 = tpu.memref_squeeze %dma_wait3A_257 : memref<1x128x32xf32, #tpu.memory_space<vmem>> -> memref<128x32xf32, #tpu.memory_space<vmem>>
        %dma_wait3A_259 = arith.constant 0 : i32
        %dma_wait3A_260 = tpu.memref_slice %arg8[%dma_wait3A_254, %dma_wait3A_259] : memref<160x128xi32, #tpu.memory_space<vmem>> -> memref<1x128xi32, #tpu.memory_space<vmem>>
        %dma_wait3A_261 = tpu.memref_squeeze %dma_wait3A_260 : memref<1x128xi32, #tpu.memory_space<vmem>> -> memref<128xi32, #tpu.memory_space<vmem>>
        %dma_wait3A_262 = arith.constant 0 : i32
        %dma_wait3A_263 = arith.constant 0 : i32
        %dma_wait3A_264 = tpu.memref_slice %arg10[%dma_wait3A_262, %dma_wait3A_263] : memref<10016x32xf32, #tpu.memory_space<vmem_shared>> -> memref<10016x32xf32, #tpu.memory_space<vmem_shared>>
        tpu.wait_indirect_dma semaphore(%arg19 : memref<!tpu.dma_semaphore, #tpu.memory_space<semaphore_mem>>) src(%dma_wait3A_258 : memref<128x32xf32, #tpu.memory_space<vmem>>) dst(%dma_wait3A_264 : memref<10016x32xf32, #tpu.memory_space<vmem_shared>>)
      } else {
      }
      %gt3A_107 = arith.constant 0 : i32
      %gt3A_108 = arith.cmpi sgt, %scan3A_75, %gt3A_107 : i32
      %and3A = arith.andi %gt3A_108, %lt3A_104 : i1
      %convert_element_type3A_109 = arith.extui %and3A : i1 to i32
      %cond3A_110 = arith.constant 0 : i32
      %cond3A_111 = arith.cmpi ne, %convert_element_type3A_109, %cond3A_110 : i32
      scf.if %cond3A_111 {
        %add3A_253 = arith.constant 4 : i32
        %add3A_254 = arith.addi %add3A_78, %add3A_253 : i32
        %sub3A_255 = arith.constant 1 : i32
        %sub3A_256 = arith.subi %add3A_254, %sub3A_255 : i32
        %dma_start3A_257 = arith.constant 3 : i32
        %dma_start3A_258 = arith.constant 0 : i32
        %dma_start3A_259 = arith.constant 0 : i32
        %dma_start3A_260 = tpu.memref_slice %arg9[%dma_start3A_257, %dma_start3A_258, %dma_start3A_259] : memref<4x128x32xf32, #tpu.memory_space<vmem>> -> memref<1x128x32xf32, #tpu.memory_space<vmem>>
        %dma_start3A_261 = tpu.memref_squeeze %dma_start3A_260 : memref<1x128x32xf32, #tpu.memory_space<vmem>> -> memref<128x32xf32, #tpu.memory_space<vmem>>
        %dma_start3A_262 = arith.constant 0 : i32
        %dma_start3A_263 = tpu.memref_slice %arg7[%sub3A_256, %dma_start3A_262] : memref<160x128xi32, #tpu.memory_space<vmem>> -> memref<1x128xi32, #tpu.memory_space<vmem>>
        %dma_start3A_264 = tpu.memref_squeeze %dma_start3A_263 : memref<1x128xi32, #tpu.memory_space<vmem>> -> memref<128xi32, #tpu.memory_space<vmem>>
        %dma_start3A_265 = arith.constant 0 : i32
        %dma_start3A_266 = arith.constant 0 : i32
        %dma_start3A_267 = tpu.memref_slice %arg11[%dma_start3A_265, %dma_start3A_266] : memref<10000x32xf32, #tpu.memory_space<vmem_shared>> -> memref<10000x32xf32, #tpu.memory_space<vmem_shared>>
        tpu.enqueue_indirect_dma source(%dma_start3A_267 : memref<10000x32xf32, #tpu.memory_space<vmem_shared>>) target(%dma_start3A_261 : memref<128x32xf32, #tpu.memory_space<vmem>>) offsets(%dma_start3A_264 : memref<128xi32, #tpu.memory_space<vmem>>) semaphore(%arg15 : memref<!tpu.dma_semaphore, #tpu.memory_space<semaphore_mem>>)
      } else {
      }
      %mul3A_112 = arith.constant 4 : i32
      %mul3A_113 = arith.muli %scan3A_75, %mul3A_112 : i32
      %add3A_114 = arith.constant 1 : i32
      %add3A_115 = arith.addi %mul3A_113, %add3A_114 : i32
      %dma_wait3A_116 = arith.constant 1 : i32
      %dma_wait3A_117 = arith.constant 0 : i32
      %dma_wait3A_118 = arith.constant 0 : i32
      %dma_wait3A_119 = tpu.memref_slice %arg9[%dma_wait3A_116, %dma_wait3A_117, %dma_wait3A_118] : memref<4x128x32xf32, #tpu.memory_space<vmem>> -> memref<1x128x32xf32, #tpu.memory_space<vmem>>
      %dma_wait3A_120 = tpu.memref_squeeze %dma_wait3A_119 : memref<1x128x32xf32, #tpu.memory_space<vmem>> -> memref<128x32xf32, #tpu.memory_space<vmem>>
      %dma_wait3A_121 = arith.constant 0 : i32
      %dma_wait3A_122 = tpu.memref_slice %arg7[%add3A_115, %dma_wait3A_121] : memref<160x128xi32, #tpu.memory_space<vmem>> -> memref<1x128xi32, #tpu.memory_space<vmem>>
      %dma_wait3A_123 = tpu.memref_squeeze %dma_wait3A_122 : memref<1x128xi32, #tpu.memory_space<vmem>> -> memref<128xi32, #tpu.memory_space<vmem>>
      %dma_wait3A_124 = arith.constant 0 : i32
      %dma_wait3A_125 = arith.constant 0 : i32
      %dma_wait3A_126 = tpu.memref_slice %arg11[%dma_wait3A_124, %dma_wait3A_125] : memref<10000x32xf32, #tpu.memory_space<vmem_shared>> -> memref<10000x32xf32, #tpu.memory_space<vmem_shared>>
      tpu.wait_indirect_dma semaphore(%arg13 : memref<!tpu.dma_semaphore, #tpu.memory_space<semaphore_mem>>) src(%dma_wait3A_126 : memref<10000x32xf32, #tpu.memory_space<vmem_shared>>) dst(%dma_wait3A_120 : memref<128x32xf32, #tpu.memory_space<vmem>>)
      %dma_start3A_127 = arith.constant 1 : i32
      %dma_start3A_128 = arith.constant 0 : i32
      %dma_start3A_129 = arith.constant 0 : i32
      %dma_start3A_130 = tpu.memref_slice %arg9[%dma_start3A_127, %dma_start3A_128, %dma_start3A_129] : memref<4x128x32xf32, #tpu.memory_space<vmem>> -> memref<1x128x32xf32, #tpu.memory_space<vmem>>
      %dma_start3A_131 = tpu.memref_squeeze %dma_start3A_130 : memref<1x128x32xf32, #tpu.memory_space<vmem>> -> memref<128x32xf32, #tpu.memory_space<vmem>>
      %dma_start3A_132 = arith.constant 0 : i32
      %dma_start3A_133 = tpu.memref_slice %arg8[%add3A_115, %dma_start3A_132] : memref<160x128xi32, #tpu.memory_space<vmem>> -> memref<1x128xi32, #tpu.memory_space<vmem>>
      %dma_start3A_134 = tpu.memref_squeeze %dma_start3A_133 : memref<1x128xi32, #tpu.memory_space<vmem>> -> memref<128xi32, #tpu.memory_space<vmem>>
      %dma_start3A_135 = arith.constant 0 : i32
      %dma_start3A_136 = arith.constant 0 : i32
      %dma_start3A_137 = tpu.memref_slice %arg10[%dma_start3A_135, %dma_start3A_136] : memref<10016x32xf32, #tpu.memory_space<vmem_shared>> -> memref<10016x32xf32, #tpu.memory_space<vmem_shared>>
      tpu.enqueue_indirect_dma source(%dma_start3A_131 : memref<128x32xf32, #tpu.memory_space<vmem>>) target(%dma_start3A_137 : memref<10016x32xf32, #tpu.memory_space<vmem_shared>>) offsets(%dma_start3A_134 : memref<128xi32, #tpu.memory_space<vmem>>) semaphore(%arg17 : memref<!tpu.dma_semaphore, #tpu.memory_space<semaphore_mem>>) {add = true}
      %add3A_138 = arith.constant 4 : i32
      %add3A_139 = arith.addi %add3A_115, %add3A_138 : i32
      %sub3A_140 = arith.constant 1 : i32
      %sub3A_141 = arith.subi %add3A_139, %sub3A_140 : i32
      %lt3A_142 = arith.constant 160 : i32
      %lt3A_143 = arith.cmpi slt, %sub3A_141, %lt3A_142 : i32
      %dma_wait3A_144 = arith.constant 0 : i32
      %dma_wait3A_145 = arith.constant 0 : i32
      %dma_wait3A_146 = arith.constant 0 : i32
      %dma_wait3A_147 = arith.constant 0 : i32
      %dma_wait3A_148 = tpu.memref_slice %arg9[%dma_wait3A_144, %dma_wait3A_146, %dma_wait3A_147] : memref<4x128x32xf32, #tpu.memory_space<vmem>> -> memref<1x128x32xf32, #tpu.memory_space<vmem>>
      %dma_wait3A_149 = tpu.memref_squeeze %dma_wait3A_148 : memref<1x128x32xf32, #tpu.memory_space<vmem>> -> memref<128x32xf32, #tpu.memory_space<vmem>>
      %dma_wait3A_150 = arith.constant 0 : i32
      %dma_wait3A_151 = tpu.memref_slice %arg8[%dma_wait3A_145, %dma_wait3A_150] : memref<160x128xi32, #tpu.memory_space<vmem>> -> memref<1x128xi32, #tpu.memory_space<vmem>>
      %dma_wait3A_152 = tpu.memref_squeeze %dma_wait3A_151 : memref<1x128xi32, #tpu.memory_space<vmem>> -> memref<128xi32, #tpu.memory_space<vmem>>
      %dma_wait3A_153 = arith.constant 0 : i32
      %dma_wait3A_154 = arith.constant 0 : i32
      %dma_wait3A_155 = tpu.memref_slice %arg10[%dma_wait3A_153, %dma_wait3A_154] : memref<10016x32xf32, #tpu.memory_space<vmem_shared>> -> memref<10016x32xf32, #tpu.memory_space<vmem_shared>>
      tpu.wait_indirect_dma semaphore(%arg16 : memref<!tpu.dma_semaphore, #tpu.memory_space<semaphore_mem>>) src(%dma_wait3A_149 : memref<128x32xf32, #tpu.memory_space<vmem>>) dst(%dma_wait3A_155 : memref<10016x32xf32, #tpu.memory_space<vmem_shared>>)
      %convert_element_type3A_156 = arith.extui %lt3A_143 : i1 to i32
      %cond3A_157 = arith.constant 0 : i32
      %cond3A_158 = arith.cmpi ne, %convert_element_type3A_156, %cond3A_157 : i32
      scf.if %cond3A_158 {
        %add3A_253 = arith.constant 4 : i32
        %add3A_254 = arith.addi %add3A_115, %add3A_253 : i32
        %sub3A_255 = arith.constant 1 : i32
        %sub3A_256 = arith.subi %add3A_254, %sub3A_255 : i32
        %dma_start3A_257 = arith.constant 0 : i32
        %dma_start3A_258 = arith.constant 0 : i32
        %dma_start3A_259 = arith.constant 0 : i32
        %dma_start3A_260 = tpu.memref_slice %arg9[%dma_start3A_257, %dma_start3A_258, %dma_start3A_259] : memref<4x128x32xf32, #tpu.memory_space<vmem>> -> memref<1x128x32xf32, #tpu.memory_space<vmem>>
        %dma_start3A_261 = tpu.memref_squeeze %dma_start3A_260 : memref<1x128x32xf32, #tpu.memory_space<vmem>> -> memref<128x32xf32, #tpu.memory_space<vmem>>
        %dma_start3A_262 = arith.constant 0 : i32
        %dma_start3A_263 = tpu.memref_slice %arg7[%sub3A_256, %dma_start3A_262] : memref<160x128xi32, #tpu.memory_space<vmem>> -> memref<1x128xi32, #tpu.memory_space<vmem>>
        %dma_start3A_264 = tpu.memref_squeeze %dma_start3A_263 : memref<1x128xi32, #tpu.memory_space<vmem>> -> memref<128xi32, #tpu.memory_space<vmem>>
        %dma_start3A_265 = arith.constant 0 : i32
        %dma_start3A_266 = arith.constant 0 : i32
        %dma_start3A_267 = tpu.memref_slice %arg11[%dma_start3A_265, %dma_start3A_266] : memref<10000x32xf32, #tpu.memory_space<vmem_shared>> -> memref<10000x32xf32, #tpu.memory_space<vmem_shared>>
        tpu.enqueue_indirect_dma source(%dma_start3A_267 : memref<10000x32xf32, #tpu.memory_space<vmem_shared>>) target(%dma_start3A_261 : memref<128x32xf32, #tpu.memory_space<vmem>>) offsets(%dma_start3A_264 : memref<128xi32, #tpu.memory_space<vmem>>) semaphore(%arg12 : memref<!tpu.dma_semaphore, #tpu.memory_space<semaphore_mem>>)
      } else {
      }
      %mul3A_159 = arith.constant 4 : i32
      %mul3A_160 = arith.muli %scan3A_75, %mul3A_159 : i32
      %add3A_161 = arith.constant 2 : i32
      %add3A_162 = arith.addi %mul3A_160, %add3A_161 : i32
      %dma_wait3A_163 = arith.constant 2 : i32
      %dma_wait3A_164 = arith.constant 0 : i32
      %dma_wait3A_165 = arith.constant 0 : i32
      %dma_wait3A_166 = tpu.memref_slice %arg9[%dma_wait3A_163, %dma_wait3A_164, %dma_wait3A_165] : memref<4x128x32xf32, #tpu.memory_space<vmem>> -> memref<1x128x32xf32, #tpu.memory_space<vmem>>
      %dma_wait3A_167 = tpu.memref_squeeze %dma_wait3A_166 : memref<1x128x32xf32, #tpu.memory_space<vmem>> -> memref<128x32xf32, #tpu.memory_space<vmem>>
      %dma_wait3A_168 = arith.constant 0 : i32
      %dma_wait3A_169 = tpu.memref_slice %arg7[%add3A_162, %dma_wait3A_168] : memref<160x128xi32, #tpu.memory_space<vmem>> -> memref<1x128xi32, #tpu.memory_space<vmem>>
      %dma_wait3A_170 = tpu.memref_squeeze %dma_wait3A_169 : memref<1x128xi32, #tpu.memory_space<vmem>> -> memref<128xi32, #tpu.memory_space<vmem>>
      %dma_wait3A_171 = arith.constant 0 : i32
      %dma_wait3A_172 = arith.constant 0 : i32
      %dma_wait3A_173 = tpu.memref_slice %arg11[%dma_wait3A_171, %dma_wait3A_172] : memref<10000x32xf32, #tpu.memory_space<vmem_shared>> -> memref<10000x32xf32, #tpu.memory_space<vmem_shared>>
      tpu.wait_indirect_dma semaphore(%arg14 : memref<!tpu.dma_semaphore, #tpu.memory_space<semaphore_mem>>) src(%dma_wait3A_173 : memref<10000x32xf32, #tpu.memory_space<vmem_shared>>) dst(%dma_wait3A_167 : memref<128x32xf32, #tpu.memory_space<vmem>>)
      %dma_start3A_174 = arith.constant 2 : i32
      %dma_start3A_175 = arith.constant 0 : i32
      %dma_start3A_176 = arith.constant 0 : i32
      %dma_start3A_177 = tpu.memref_slice %arg9[%dma_start3A_174, %dma_start3A_175, %dma_start3A_176] : memref<4x128x32xf32, #tpu.memory_space<vmem>> -> memref<1x128x32xf32, #tpu.memory_space<vmem>>
      %dma_start3A_178 = tpu.memref_squeeze %dma_start3A_177 : memref<1x128x32xf32, #tpu.memory_space<vmem>> -> memref<128x32xf32, #tpu.memory_space<vmem>>
      %dma_start3A_179 = arith.constant 0 : i32
      %dma_start3A_180 = tpu.memref_slice %arg8[%add3A_162, %dma_start3A_179] : memref<160x128xi32, #tpu.memory_space<vmem>> -> memref<1x128xi32, #tpu.memory_space<vmem>>
      %dma_start3A_181 = tpu.memref_squeeze %dma_start3A_180 : memref<1x128xi32, #tpu.memory_space<vmem>> -> memref<128xi32, #tpu.memory_space<vmem>>
      %dma_start3A_182 = arith.constant 0 : i32
      %dma_start3A_183 = arith.constant 0 : i32
      %dma_start3A_184 = tpu.memref_slice %arg10[%dma_start3A_182, %dma_start3A_183] : memref<10016x32xf32, #tpu.memory_space<vmem_shared>> -> memref<10016x32xf32, #tpu.memory_space<vmem_shared>>
      tpu.enqueue_indirect_dma source(%dma_start3A_178 : memref<128x32xf32, #tpu.memory_space<vmem>>) target(%dma_start3A_184 : memref<10016x32xf32, #tpu.memory_space<vmem_shared>>) offsets(%dma_start3A_181 : memref<128xi32, #tpu.memory_space<vmem>>) semaphore(%arg18 : memref<!tpu.dma_semaphore, #tpu.memory_space<semaphore_mem>>) {add = true}
      %add3A_185 = arith.constant 4 : i32
      %add3A_186 = arith.addi %add3A_162, %add3A_185 : i32
      %sub3A_187 = arith.constant 1 : i32
      %sub3A_188 = arith.subi %add3A_186, %sub3A_187 : i32
      %lt3A_189 = arith.constant 160 : i32
      %lt3A_190 = arith.cmpi slt, %sub3A_188, %lt3A_189 : i32
      %dma_wait3A_191 = arith.constant 1 : i32
      %dma_wait3A_192 = arith.constant 0 : i32
      %dma_wait3A_193 = arith.constant 0 : i32
      %dma_wait3A_194 = arith.constant 0 : i32
      %dma_wait3A_195 = tpu.memref_slice %arg9[%dma_wait3A_191, %dma_wait3A_193, %dma_wait3A_194] : memref<4x128x32xf32, #tpu.memory_space<vmem>> -> memref<1x128x32xf32, #tpu.memory_space<vmem>>
      %dma_wait3A_196 = tpu.memref_squeeze %dma_wait3A_195 : memref<1x128x32xf32, #tpu.memory_space<vmem>> -> memref<128x32xf32, #tpu.memory_space<vmem>>
      %dma_wait3A_197 = arith.constant 0 : i32
      %dma_wait3A_198 = tpu.memref_slice %arg8[%dma_wait3A_192, %dma_wait3A_197] : memref<160x128xi32, #tpu.memory_space<vmem>> -> memref<1x128xi32, #tpu.memory_space<vmem>>
      %dma_wait3A_199 = tpu.memref_squeeze %dma_wait3A_198 : memref<1x128xi32, #tpu.memory_space<vmem>> -> memref<128xi32, #tpu.memory_space<vmem>>
      %dma_wait3A_200 = arith.constant 0 : i32
      %dma_wait3A_201 = arith.constant 0 : i32
      %dma_wait3A_202 = tpu.memref_slice %arg10[%dma_wait3A_200, %dma_wait3A_201] : memref<10016x32xf32, #tpu.memory_space<vmem_shared>> -> memref<10016x32xf32, #tpu.memory_space<vmem_shared>>
      tpu.wait_indirect_dma semaphore(%arg17 : memref<!tpu.dma_semaphore, #tpu.memory_space<semaphore_mem>>) src(%dma_wait3A_196 : memref<128x32xf32, #tpu.memory_space<vmem>>) dst(%dma_wait3A_202 : memref<10016x32xf32, #tpu.memory_space<vmem_shared>>)
      %convert_element_type3A_203 = arith.extui %lt3A_190 : i1 to i32
      %cond3A_204 = arith.constant 0 : i32
      %cond3A_205 = arith.cmpi ne, %convert_element_type3A_203, %cond3A_204 : i32
      scf.if %cond3A_205 {
        %add3A_253 = arith.constant 4 : i32
        %add3A_254 = arith.addi %add3A_162, %add3A_253 : i32
        %sub3A_255 = arith.constant 1 : i32
        %sub3A_256 = arith.subi %add3A_254, %sub3A_255 : i32
        %dma_start3A_257 = arith.constant 1 : i32
        %dma_start3A_258 = arith.constant 0 : i32
        %dma_start3A_259 = arith.constant 0 : i32
        %dma_start3A_260 = tpu.memref_slice %arg9[%dma_start3A_257, %dma_start3A_258, %dma_start3A_259] : memref<4x128x32xf32, #tpu.memory_space<vmem>> -> memref<1x128x32xf32, #tpu.memory_space<vmem>>
        %dma_start3A_261 = tpu.memref_squeeze %dma_start3A_260 : memref<1x128x32xf32, #tpu.memory_space<vmem>> -> memref<128x32xf32, #tpu.memory_space<vmem>>
        %dma_start3A_262 = arith.constant 0 : i32
        %dma_start3A_263 = tpu.memref_slice %arg7[%sub3A_256, %dma_start3A_262] : memref<160x128xi32, #tpu.memory_space<vmem>> -> memref<1x128xi32, #tpu.memory_space<vmem>>
        %dma_start3A_264 = tpu.memref_squeeze %dma_start3A_263 : memref<1x128xi32, #tpu.memory_space<vmem>> -> memref<128xi32, #tpu.memory_space<vmem>>
        %dma_start3A_265 = arith.constant 0 : i32
        %dma_start3A_266 = arith.constant 0 : i32
        %dma_start3A_267 = tpu.memref_slice %arg11[%dma_start3A_265, %dma_start3A_266] : memref<10000x32xf32, #tpu.memory_space<vmem_shared>> -> memref<10000x32xf32, #tpu.memory_space<vmem_shared>>
        tpu.enqueue_indirect_dma source(%dma_start3A_267 : memref<10000x32xf32, #tpu.memory_space<vmem_shared>>) target(%dma_start3A_261 : memref<128x32xf32, #tpu.memory_space<vmem>>) offsets(%dma_start3A_264 : memref<128xi32, #tpu.memory_space<vmem>>) semaphore(%arg13 : memref<!tpu.dma_semaphore, #tpu.memory_space<semaphore_mem>>)
      } else {
      }
      %mul3A_206 = arith.constant 4 : i32
      %mul3A_207 = arith.muli %scan3A_75, %mul3A_206 : i32
      %add3A_208 = arith.constant 3 : i32
      %add3A_209 = arith.addi %mul3A_207, %add3A_208 : i32
      %dma_wait3A_210 = arith.constant 3 : i32
      %dma_wait3A_211 = arith.constant 0 : i32
      %dma_wait3A_212 = arith.constant 0 : i32
      %dma_wait3A_213 = tpu.memref_slice %arg9[%dma_wait3A_210, %dma_wait3A_211, %dma_wait3A_212] : memref<4x128x32xf32, #tpu.memory_space<vmem>> -> memref<1x128x32xf32, #tpu.memory_space<vmem>>
      %dma_wait3A_214 = tpu.memref_squeeze %dma_wait3A_213 : memref<1x128x32xf32, #tpu.memory_space<vmem>> -> memref<128x32xf32, #tpu.memory_space<vmem>>
      %dma_wait3A_215 = arith.constant 0 : i32
      %dma_wait3A_216 = tpu.memref_slice %arg7[%add3A_209, %dma_wait3A_215] : memref<160x128xi32, #tpu.memory_space<vmem>> -> memref<1x128xi32, #tpu.memory_space<vmem>>
      %dma_wait3A_217 = tpu.memref_squeeze %dma_wait3A_216 : memref<1x128xi32, #tpu.memory_space<vmem>> -> memref<128xi32, #tpu.memory_space<vmem>>
      %dma_wait3A_218 = arith.constant 0 : i32
      %dma_wait3A_219 = arith.constant 0 : i32
      %dma_wait3A_220 = tpu.memref_slice %arg11[%dma_wait3A_218, %dma_wait3A_219] : memref<10000x32xf32, #tpu.memory_space<vmem_shared>> -> memref<10000x32xf32, #tpu.memory_space<vmem_shared>>
      tpu.wait_indirect_dma semaphore(%arg15 : memref<!tpu.dma_semaphore, #tpu.memory_space<semaphore_mem>>) src(%dma_wait3A_220 : memref<10000x32xf32, #tpu.memory_space<vmem_shared>>) dst(%dma_wait3A_214 : memref<128x32xf32, #tpu.memory_space<vmem>>)
      %dma_start3A_221 = arith.constant 3 : i32
      %dma_start3A_222 = arith.constant 0 : i32
      %dma_start3A_223 = arith.constant 0 : i32
      %dma_start3A_224 = tpu.memref_slice %arg9[%dma_start3A_221, %dma_start3A_222, %dma_start3A_223] : memref<4x128x32xf32, #tpu.memory_space<vmem>> -> memref<1x128x32xf32, #tpu.memory_space<vmem>>
      %dma_start3A_225 = tpu.memref_squeeze %dma_start3A_224 : memref<1x128x32xf32, #tpu.memory_space<vmem>> -> memref<128x32xf32, #tpu.memory_space<vmem>>
      %dma_start3A_226 = arith.constant 0 : i32
      %dma_start3A_227 = tpu.memref_slice %arg8[%add3A_209, %dma_start3A_226] : memref<160x128xi32, #tpu.memory_space<vmem>> -> memref<1x128xi32, #tpu.memory_space<vmem>>
      %dma_start3A_228 = tpu.memref_squeeze %dma_start3A_227 : memref<1x128xi32, #tpu.memory_space<vmem>> -> memref<128xi32, #tpu.memory_space<vmem>>
      %dma_start3A_229 = arith.constant 0 : i32
      %dma_start3A_230 = arith.constant 0 : i32
      %dma_start3A_231 = tpu.memref_slice %arg10[%dma_start3A_229, %dma_start3A_230] : memref<10016x32xf32, #tpu.memory_space<vmem_shared>> -> memref<10016x32xf32, #tpu.memory_space<vmem_shared>>
      tpu.enqueue_indirect_dma source(%dma_start3A_225 : memref<128x32xf32, #tpu.memory_space<vmem>>) target(%dma_start3A_231 : memref<10016x32xf32, #tpu.memory_space<vmem_shared>>) offsets(%dma_start3A_228 : memref<128xi32, #tpu.memory_space<vmem>>) semaphore(%arg19 : memref<!tpu.dma_semaphore, #tpu.memory_space<semaphore_mem>>) {add = true}
      %add3A_232 = arith.constant 4 : i32
      %add3A_233 = arith.addi %add3A_209, %add3A_232 : i32
      %sub3A_234 = arith.constant 1 : i32
      %sub3A_235 = arith.subi %add3A_233, %sub3A_234 : i32
      %lt3A_236 = arith.constant 160 : i32
      %lt3A_237 = arith.cmpi slt, %sub3A_235, %lt3A_236 : i32
      %dma_wait3A_238 = arith.constant 2 : i32
      %dma_wait3A_239 = arith.constant 0 : i32
      %dma_wait3A_240 = arith.constant 0 : i32
      %dma_wait3A_241 = arith.constant 0 : i32
      %dma_wait3A_242 = tpu.memref_slice %arg9[%dma_wait3A_238, %dma_wait3A_240, %dma_wait3A_241] : memref<4x128x32xf32, #tpu.memory_space<vmem>> -> memref<1x128x32xf32, #tpu.memory_space<vmem>>
      %dma_wait3A_243 = tpu.memref_squeeze %dma_wait3A_242 : memref<1x128x32xf32, #tpu.memory_space<vmem>> -> memref<128x32xf32, #tpu.memory_space<vmem>>
      %dma_wait3A_244 = arith.constant 0 : i32
      %dma_wait3A_245 = tpu.memref_slice %arg8[%dma_wait3A_239, %dma_wait3A_244] : memref<160x128xi32, #tpu.memory_space<vmem>> -> memref<1x128xi32, #tpu.memory_space<vmem>>
      %dma_wait3A_246 = tpu.memref_squeeze %dma_wait3A_245 : memref<1x128xi32, #tpu.memory_space<vmem>> -> memref<128xi32, #tpu.memory_space<vmem>>
      %dma_wait3A_247 = arith.constant 0 : i32
      %dma_wait3A_248 = arith.constant 0 : i32
      %dma_wait3A_249 = tpu.memref_slice %arg10[%dma_wait3A_247, %dma_wait3A_248] : memref<10016x32xf32, #tpu.memory_space<vmem_shared>> -> memref<10016x32xf32, #tpu.memory_space<vmem_shared>>
      tpu.wait_indirect_dma semaphore(%arg18 : memref<!tpu.dma_semaphore, #tpu.memory_space<semaphore_mem>>) src(%dma_wait3A_243 : memref<128x32xf32, #tpu.memory_space<vmem>>) dst(%dma_wait3A_249 : memref<10016x32xf32, #tpu.memory_space<vmem_shared>>)
      %convert_element_type3A_250 = arith.extui %lt3A_237 : i1 to i32
      %cond3A_251 = arith.constant 0 : i32
      %cond3A_252 = arith.cmpi ne, %convert_element_type3A_250, %cond3A_251 : i32
      scf.if %cond3A_252 {
        %add3A_253 = arith.constant 4 : i32
        %add3A_254 = arith.addi %add3A_209, %add3A_253 : i32
        %sub3A_255 = arith.constant 1 : i32
        %sub3A_256 = arith.subi %add3A_254, %sub3A_255 : i32
        %dma_start3A_257 = arith.constant 2 : i32
        %dma_start3A_258 = arith.constant 0 : i32
        %dma_start3A_259 = arith.constant 0 : i32
        %dma_start3A_260 = tpu.memref_slice %arg9[%dma_start3A_257, %dma_start3A_258, %dma_start3A_259] : memref<4x128x32xf32, #tpu.memory_space<vmem>> -> memref<1x128x32xf32, #tpu.memory_space<vmem>>
        %dma_start3A_261 = tpu.memref_squeeze %dma_start3A_260 : memref<1x128x32xf32, #tpu.memory_space<vmem>> -> memref<128x32xf32, #tpu.memory_space<vmem>>
        %dma_start3A_262 = arith.constant 0 : i32
        %dma_start3A_263 = tpu.memref_slice %arg7[%sub3A_256, %dma_start3A_262] : memref<160x128xi32, #tpu.memory_space<vmem>> -> memref<1x128xi32, #tpu.memory_space<vmem>>
        %dma_start3A_264 = tpu.memref_squeeze %dma_start3A_263 : memref<1x128xi32, #tpu.memory_space<vmem>> -> memref<128xi32, #tpu.memory_space<vmem>>
        %dma_start3A_265 = arith.constant 0 : i32
        %dma_start3A_266 = arith.constant 0 : i32
        %dma_start3A_267 = tpu.memref_slice %arg11[%dma_start3A_265, %dma_start3A_266] : memref<10000x32xf32, #tpu.memory_space<vmem_shared>> -> memref<10000x32xf32, #tpu.memory_space<vmem_shared>>
        tpu.enqueue_indirect_dma source(%dma_start3A_267 : memref<10000x32xf32, #tpu.memory_space<vmem_shared>>) target(%dma_start3A_261 : memref<128x32xf32, #tpu.memory_space<vmem>>) offsets(%dma_start3A_264 : memref<128xi32, #tpu.memory_space<vmem>>) semaphore(%arg14 : memref<!tpu.dma_semaphore, #tpu.memory_space<semaphore_mem>>)
      } else {
      }
    }
    %scan3A_58 = arith.constant 40 : i32
    %dma_wait3A = arith.constant 3 : i32
    %dma_wait3A_59 = arith.constant 0 : i32
    %dma_wait3A_60 = arith.constant 0 : i32
    %dma_wait3A_61 = arith.constant 0 : i32
    %dma_wait3A_62 = tpu.memref_slice %arg9[%dma_wait3A, %dma_wait3A_60, %dma_wait3A_61] : memref<4x128x32xf32, #tpu.memory_space<vmem>> -> memref<1x128x32xf32, #tpu.memory_space<vmem>>
    %dma_wait3A_63 = tpu.memref_squeeze %dma_wait3A_62 : memref<1x128x32xf32, #tpu.memory_space<vmem>> -> memref<128x32xf32, #tpu.memory_space<vmem>>
    %dma_wait3A_64 = arith.constant 0 : i32
    %dma_wait3A_65 = tpu.memref_slice %arg8[%dma_wait3A_59, %dma_wait3A_64] : memref<160x128xi32, #tpu.memory_space<vmem>> -> memref<1x128xi32, #tpu.memory_space<vmem>>
    %dma_wait3A_66 = tpu.memref_squeeze %dma_wait3A_65 : memref<1x128xi32, #tpu.memory_space<vmem>> -> memref<128xi32, #tpu.memory_space<vmem>>
    %dma_wait3A_67 = arith.constant 0 : i32
    %dma_wait3A_68 = arith.constant 0 : i32
    %dma_wait3A_69 = tpu.memref_slice %arg10[%dma_wait3A_67, %dma_wait3A_68] : memref<10016x32xf32, #tpu.memory_space<vmem_shared>> -> memref<10016x32xf32, #tpu.memory_space<vmem_shared>>
    tpu.wait_indirect_dma semaphore(%arg19 : memref<!tpu.dma_semaphore, #tpu.memory_space<semaphore_mem>>) src(%dma_wait3A_63 : memref<128x32xf32, #tpu.memory_space<vmem>>) dst(%dma_wait3A_69 : memref<10016x32xf32, #tpu.memory_space<vmem_shared>>)
    %barrier3A_70 = arith.constant 0 : index
    tpu.barrier barrier_id(%barrier3A_70)
    %mul3A_71 = arith.constant 626 : i32
    %mul3A_72 = arith.muli %arg1, %mul3A_71 : i32
    %mul3A_73 = arith.constant 626 : i32
    %mul3A_74 = arith.muli %arg1, %mul3A_73 : i32
    "tpu.region"() ({
      %run_scoped3A = tpu.sem_alloc : memref<!tpu.dma_semaphore, #tpu.memory_space<semaphore_mem>>
      %dma_start3A_75 = tpu.memref_slice %arg6[%mul3A_74, %mul3A_0] : memref<10016x64xf32, #tpu.memory_space<hbm>> -> memref<626x32xf32, #tpu.memory_space<hbm>>
      %dma_start3A_76 = arith.constant 0 : i32
      %dma_start3A_77 = tpu.memref_slice %arg10[%mul3A_72, %dma_start3A_76] : memref<10016x32xf32, #tpu.memory_space<vmem_shared>> -> memref<626x32xf32, #tpu.memory_space<vmem_shared>>
      tpu.enqueue_dma source(%dma_start3A_77 : memref<626x32xf32, #tpu.memory_space<vmem_shared>>) target(%dma_start3A_75 : memref<626x32xf32, #tpu.memory_space<hbm>>) target_semaphore(%run_scoped3A : memref<!tpu.dma_semaphore, #tpu.memory_space<semaphore_mem>>)
      %dma_wait3A_78 = tpu.memref_slice %arg6[%mul3A_74, %mul3A_0] : memref<10016x64xf32, #tpu.memory_space<hbm>> -> memref<626x32xf32, #tpu.memory_space<hbm>>
      %dma_wait3A_79 = arith.constant 0 : i32
      %dma_wait3A_80 = tpu.memref_slice %arg10[%mul3A_72, %dma_wait3A_79] : memref<10016x32xf32, #tpu.memory_space<vmem_shared>> -> memref<626x32xf32, #tpu.memory_space<vmem_shared>>
      tpu.wait_dma2 semaphore(%run_scoped3A : memref<!tpu.dma_semaphore, #tpu.memory_space<semaphore_mem>>) src(%dma_wait3A_80 : memref<626x32xf32, #tpu.memory_space<vmem_shared>>) dst(%dma_wait3A_78 : memref<626x32xf32, #tpu.memory_space<hbm>>)
      tpu.yield
    }) : () -> ()
    return
  }
}

#map = affine_map<(d0, d1) -> (0, 0)>
#map1 = affine_map<(d0, d1) -> (0, 0, 0)>
module attributes {stable_mosaic.version = 14 : i64} {
  func.func @_scatter_body(%arg0: i32, %arg1: i32, %arg2: memref<10000x64xf32, #tpu.memory_space<hbm>>, %arg3: memref<16x160x128xi32, #tpu.memory_space<hbm>>, %arg4: memref<16x160x128xi32, #tpu.memory_space<hbm>>, %arg5: memref<626x32xf32, #tpu.memory_space<hbm>>, %arg6: memref<10016x64xf32, #tpu.memory_space<hbm>>, %arg7: memref<160x128xi32, #tpu.memory_space<vmem>>, %arg8: memref<160x128xi32, #tpu.memory_space<vmem>>, %arg9: memref<4x128x32xf32, #tpu.memory_space<vmem>>, %arg10: memref<10016x32xf32, #tpu.memory_space<vmem_shared>>, %arg11: memref<10000x32xf32, #tpu.memory_space<vmem_shared>>, %arg12: memref<!tpu.dma_semaphore, #tpu.memory_space<semaphore_mem>>, %arg13: memref<!tpu.dma_semaphore, #tpu.memory_space<semaphore_mem>>, %arg14: memref<!tpu.dma_semaphore, #tpu.memory_space<semaphore_mem>>, %arg15: memref<!tpu.dma_semaphore, #tpu.memory_space<semaphore_mem>>, %arg16: memref<!tpu.dma_semaphore, #tpu.memory_space<semaphore_mem>>, %arg17: memref<!tpu.dma_semaphore, #tpu.memory_space<semaphore_mem>>, %arg18: memref<!tpu.dma_semaphore, #tpu.memory_space<semaphore_mem>>, %arg19: memref<!tpu.dma_semaphore, #tpu.memory_space<semaphore_mem>>) attributes {dimension_semantics = [#tpu.dimension_semantics<core_parallel>, #tpu.dimension_semantics<subcore_parallel>], iteration_bounds = array<i64: 2, 16>, scalar_prefetch = 0 : i64, scratch_operands = 13 : i64, tpu.core_type = #tpu.core_type<sc_vector_subcore>, window_params = [{transform_indices = #map}, {transform_indices = #map1}, {transform_indices = #map1}, {transform_indices = #map}, {transform_indices = #map}]} {
    %mul3A = arith.constant 32 : i32
    %mul3A_0 = arith.muli %arg0, %mul3A : i32
    %mul3A_1 = arith.constant 626 : i32
    %mul3A_2 = arith.muli %arg1, %mul3A_1 : i32
    "tpu.region"() ({
      %run_scoped3A = tpu.sem_alloc : memref<!tpu.dma_semaphore, #tpu.memory_space<semaphore_mem>>
      %dma_start3A_75 = arith.constant 0 : i32
      %dma_start3A_76 = tpu.memref_slice %arg10[%mul3A_2, %dma_start3A_75] : memref<10016x32xf32, #tpu.memory_space<vmem_shared>> -> memref<626x32xf32, #tpu.memory_space<vmem_shared>>
      tpu.enqueue_dma source(%arg5 : memref<626x32xf32, #tpu.memory_space<hbm>>) target(%dma_start3A_76 : memref<626x32xf32, #tpu.memory_space<vmem_shared>>) target_semaphore(%run_scoped3A : memref<!tpu.dma_semaphore, #tpu.memory_space<semaphore_mem>>)
      %dma_wait3A_77 = arith.constant 0 : i32
      %dma_wait3A_78 = tpu.memref_slice %arg10[%mul3A_2, %dma_wait3A_77] : memref<10016x32xf32, #tpu.memory_space<vmem_shared>> -> memref<626x32xf32, #tpu.memory_space<vmem_shared>>
      tpu.wait_dma2 semaphore(%run_scoped3A : memref<!tpu.dma_semaphore, #tpu.memory_space<semaphore_mem>>) src(%arg5 : memref<626x32xf32, #tpu.memory_space<hbm>>) dst(%dma_wait3A_78 : memref<626x32xf32, #tpu.memory_space<vmem_shared>>)
      tpu.yield
    }) : () -> ()
    "tpu.region"() ({
      %run_scoped3A = tpu.sem_alloc : memref<!tpu.dma_semaphore, #tpu.memory_space<semaphore_mem>>
      %dma_start3A_75 = arith.constant 0 : i32
      %dma_start3A_76 = arith.constant 0 : i32
      %dma_start3A_77 = tpu.memref_slice %arg3[%arg1, %dma_start3A_75, %dma_start3A_76] : memref<16x160x128xi32, #tpu.memory_space<hbm>> -> memref<1x160x128xi32, #tpu.memory_space<hbm>>
      %dma_start3A_78 = tpu.memref_squeeze %dma_start3A_77 : memref<1x160x128xi32, #tpu.memory_space<hbm>> -> memref<160x128xi32, #tpu.memory_space<hbm>>
      %dma_start3A_79 = arith.constant 0 : i32
      %dma_start3A_80 = arith.constant 0 : i32
      %dma_start3A_81 = tpu.memref_slice %arg3[%arg1, %dma_start3A_79, %dma_start3A_80] : memref<16x160x128xi32, #tpu.memory_space<hbm>> -> memref<1x160x128xi32, #tpu.memory_space<hbm>>
      %dma_start3A_82 = tpu.memref_squeeze %dma_start3A_81 : memref<1x160x128xi32, #tpu.memory_space<hbm>> -> memref<160x128xi32, #tpu.memory_space<hbm>>
      tpu.enqueue_dma source(%dma_start3A_82 : memref<160x128xi32, #tpu.memory_space<hbm>>) target(%arg7 : memref<160x128xi32, #tpu.memory_space<vmem>>) target_semaphore(%run_scoped3A : memref<!tpu.dma_semaphore, #tpu.memory_space<semaphore_mem>>)
      %dma_wait3A_83 = arith.constant 0 : i32
      %dma_wait3A_84 = arith.constant 0 : i32
      %dma_wait3A_85 = tpu.memref_slice %arg3[%arg1, %dma_wait3A_83, %dma_wait3A_84] : memref<16x160x128xi32, #tpu.memory_space<hbm>> -> memref<1x160x128xi32, #tpu.memory_space<hbm>>
      %dma_wait3A_86 = tpu.memref_squeeze %dma_wait3A_85 : memref<1x160x128xi32, #tpu.memory_space<hbm>> -> memref<160x128xi32, #tpu.memory_space<hbm>>
      %dma_wait3A_87 = arith.constant 0 : i32
      %dma_wait3A_88 = arith.constant 0 : i32
      %dma_wait3A_89 = tpu.memref_slice %arg3[%arg1, %dma_wait3A_87, %dma_wait3A_88] : memref<16x160x128xi32, #tpu.memory_space<hbm>> -> memref<1x160x128xi32, #tpu.memory_space<hbm>>
      %dma_wait3A_90 = tpu.memref_squeeze %dma_wait3A_89 : memref<1x160x128xi32, #tpu.memory_space<hbm>> -> memref<160x128xi32, #tpu.memory_space<hbm>>
      tpu.wait_dma2 semaphore(%run_scoped3A : memref<!tpu.dma_semaphore, #tpu.memory_space<semaphore_mem>>) src(%dma_wait3A_90 : memref<160x128xi32, #tpu.memory_space<hbm>>) dst(%arg7 : memref<160x128xi32, #tpu.memory_space<vmem>>)
      tpu.yield
    }) : () -> ()
    "tpu.region"() ({
      %run_scoped3A = tpu.sem_alloc : memref<!tpu.dma_semaphore, #tpu.memory_space<semaphore_mem>>
      %dma_start3A_75 = arith.constant 0 : i32
      %dma_start3A_76 = arith.constant 0 : i32
      %dma_start3A_77 = tpu.memref_slice %arg4[%arg1, %dma_start3A_75, %dma_start3A_76] : memref<16x160x128xi32, #tpu.memory_space<hbm>> -> memref<1x160x128xi32, #tpu.memory_space<hbm>>
      %dma_start3A_78 = tpu.memref_squeeze %dma_start3A_77 : memref<1x160x128xi32, #tpu.memory_space<hbm>> -> memref<160x128xi32, #tpu.memory_space<hbm>>
      %dma_start3A_79 = arith.constant 0 : i32
      %dma_start3A_80 = arith.constant 0 : i32
      %dma_start3A_81 = tpu.memref_slice %arg4[%arg1, %dma_start3A_79, %dma_start3A_80] : memref<16x160x128xi32, #tpu.memory_space<hbm>> -> memref<1x160x128xi32, #tpu.memory_space<hbm>>
      %dma_start3A_82 = tpu.memref_squeeze %dma_start3A_81 : memref<1x160x128xi32, #tpu.memory_space<hbm>> -> memref<160x128xi32, #tpu.memory_space<hbm>>
      tpu.enqueue_dma source(%dma_start3A_82 : memref<160x128xi32, #tpu.memory_space<hbm>>) target(%arg8 : memref<160x128xi32, #tpu.memory_space<vmem>>) target_semaphore(%run_scoped3A : memref<!tpu.dma_semaphore, #tpu.memory_space<semaphore_mem>>)
      %dma_wait3A_83 = arith.constant 0 : i32
      %dma_wait3A_84 = arith.constant 0 : i32
      %dma_wait3A_85 = tpu.memref_slice %arg4[%arg1, %dma_wait3A_83, %dma_wait3A_84] : memref<16x160x128xi32, #tpu.memory_space<hbm>> -> memref<1x160x128xi32, #tpu.memory_space<hbm>>
      %dma_wait3A_86 = tpu.memref_squeeze %dma_wait3A_85 : memref<1x160x128xi32, #tpu.memory_space<hbm>> -> memref<160x128xi32, #tpu.memory_space<hbm>>
      %dma_wait3A_87 = arith.constant 0 : i32
      %dma_wait3A_88 = arith.constant 0 : i32
      %dma_wait3A_89 = tpu.memref_slice %arg4[%arg1, %dma_wait3A_87, %dma_wait3A_88] : memref<16x160x128xi32, #tpu.memory_space<hbm>> -> memref<1x160x128xi32, #tpu.memory_space<hbm>>
      %dma_wait3A_90 = tpu.memref_squeeze %dma_wait3A_89 : memref<1x160x128xi32, #tpu.memory_space<hbm>> -> memref<160x128xi32, #tpu.memory_space<hbm>>
      tpu.wait_dma2 semaphore(%run_scoped3A : memref<!tpu.dma_semaphore, #tpu.memory_space<semaphore_mem>>) src(%dma_wait3A_90 : memref<160x128xi32, #tpu.memory_space<hbm>>) dst(%arg8 : memref<160x128xi32, #tpu.memory_space<vmem>>)
      tpu.yield
    }) : () -> ()
    %mul3A_3 = arith.constant 625 : i32
    %mul3A_4 = arith.muli %arg1, %mul3A_3 : i32
    %mul3A_5 = arith.constant 625 : i32
    %mul3A_6 = arith.muli %arg1, %mul3A_5 : i32
    "tpu.region"() ({
      %run_scoped3A = tpu.sem_alloc : memref<!tpu.dma_semaphore, #tpu.memory_space<semaphore_mem>>
      %dma_start3A_75 = arith.constant 0 : i32
      %dma_start3A_76 = tpu.memref_slice %arg11[%mul3A_6, %dma_start3A_75] : memref<10000x32xf32, #tpu.memory_space<vmem_shared>> -> memref<625x32xf32, #tpu.memory_space<vmem_shared>>
      %dma_start3A_77 = tpu.memref_slice %arg2[%mul3A_4, %mul3A_0] : memref<10000x64xf32, #tpu.memory_space<hbm>> -> memref<625x32xf32, #tpu.memory_space<hbm>>
      tpu.enqueue_dma source(%dma_start3A_77 : memref<625x32xf32, #tpu.memory_space<hbm>>) target(%dma_start3A_76 : memref<625x32xf32, #tpu.memory_space<vmem_shared>>) target_semaphore(%run_scoped3A : memref<!tpu.dma_semaphore, #tpu.memory_space<semaphore_mem>>)
      %dma_wait3A_78 = arith.constant 0 : i32
      %dma_wait3A_79 = tpu.memref_slice %arg11[%mul3A_6, %dma_wait3A_78] : memref<10000x32xf32, #tpu.memory_space<vmem_shared>> -> memref<625x32xf32, #tpu.memory_space<vmem_shared>>
      %dma_wait3A_80 = tpu.memref_slice %arg2[%mul3A_4, %mul3A_0] : memref<10000x64xf32, #tpu.memory_space<hbm>> -> memref<625x32xf32, #tpu.memory_space<hbm>>
      tpu.wait_dma2 semaphore(%run_scoped3A : memref<!tpu.dma_semaphore, #tpu.memory_space<semaphore_mem>>) src(%dma_wait3A_80 : memref<625x32xf32, #tpu.memory_space<hbm>>) dst(%dma_wait3A_79 : memref<625x32xf32, #tpu.memory_space<vmem_shared>>)
      tpu.yield
    }) : () -> ()
    %barrier3A = arith.constant 0 : index
    tpu.barrier barrier_id(%barrier3A)
    %dma_start3A = arith.constant 0 : i32
    %dma_start3A_7 = arith.constant 0 : i32
    %dma_start3A_8 = arith.constant 0 : i32
    %dma_start3A_9 = arith.constant 0 : i32
    %dma_start3A_10 = tpu.memref_slice %arg9[%dma_start3A_7, %dma_start3A_8, %dma_start3A_9] : memref<4x128x32xf32, #tpu.memory_space<vmem>> -> memref<1x128x32xf32, #tpu.memory_space<vmem>>
    %dma_start3A_11 = tpu.memref_squeeze %dma_start3A_10 : memref<1x128x32xf32, #tpu.memory_space<vmem>> -> memref<128x32xf32, #tpu.memory_space<vmem>>
    %dma_start3A_12 = arith.constant 0 : i32
    %dma_start3A_13 = tpu.memref_slice %arg7[%dma_start3A, %dma_start3A_12] : memref<160x128xi32, #tpu.memory_space<vmem>> -> memref<1x128xi32, #tpu.memory_space<vmem>>
    %dma_start3A_14 = tpu.memref_squeeze %dma_start3A_13 : memref<1x128xi32, #tpu.memory_space<vmem>> -> memref<128xi32, #tpu.memory_space<vmem>>
    %dma_start3A_15 = arith.constant 0 : i32
    %dma_start3A_16 = arith.constant 0 : i32
    %dma_start3A_17 = tpu.memref_slice %arg11[%dma_start3A_15, %dma_start3A_16] : memref<10000x32xf32, #tpu.memory_space<vmem_shared>> -> memref<10000x32xf32, #tpu.memory_space<vmem_shared>>
    tpu.enqueue_indirect_dma source(%dma_start3A_17 : memref<10000x32xf32, #tpu.memory_space<vmem_shared>>) target(%dma_start3A_11 : memref<128x32xf32, #tpu.memory_space<vmem>>) offsets(%dma_start3A_14 : memref<128xi32, #tpu.memory_space<vmem>>) semaphore(%arg12 : memref<!tpu.dma_semaphore, #tpu.memory_space<semaphore_mem>>)
    %dma_start3A_18 = arith.constant 1 : i32
    %dma_start3A_19 = arith.constant 1 : i32
    %dma_start3A_20 = arith.constant 0 : i32
    %dma_start3A_21 = arith.constant 0 : i32
    %dma_start3A_22 = tpu.memref_slice %arg9[%dma_start3A_19, %dma_start3A_20, %dma_start3A_21] : memref<4x128x32xf32, #tpu.memory_space<vmem>> -> memref<1x128x32xf32, #tpu.memory_space<vmem>>
    %dma_start3A_23 = tpu.memref_squeeze %dma_start3A_22 : memref<1x128x32xf32, #tpu.memory_space<vmem>> -> memref<128x32xf32, #tpu.memory_space<vmem>>
    %dma_start3A_24 = arith.constant 0 : i32
    %dma_start3A_25 = tpu.memref_slice %arg7[%dma_start3A_18, %dma_start3A_24] : memref<160x128xi32, #tpu.memory_space<vmem>> -> memref<1x128xi32, #tpu.memory_space<vmem>>
    %dma_start3A_26 = tpu.memref_squeeze %dma_start3A_25 : memref<1x128xi32, #tpu.memory_space<vmem>> -> memref<128xi32, #tpu.memory_space<vmem>>
    %dma_start3A_27 = arith.constant 0 : i32
    %dma_start3A_28 = arith.constant 0 : i32
    %dma_start3A_29 = tpu.memref_slice %arg11[%dma_start3A_27, %dma_start3A_28] : memref<10000x32xf32, #tpu.memory_space<vmem_shared>> -> memref<10000x32xf32, #tpu.memory_space<vmem_shared>>
    tpu.enqueue_indirect_dma source(%dma_start3A_29 : memref<10000x32xf32, #tpu.memory_space<vmem_shared>>) target(%dma_start3A_23 : memref<128x32xf32, #tpu.memory_space<vmem>>) offsets(%dma_start3A_26 : memref<128xi32, #tpu.memory_space<vmem>>) semaphore(%arg13 : memref<!tpu.dma_semaphore, #tpu.memory_space<semaphore_mem>>)
    %dma_start3A_30 = arith.constant 2 : i32
    %dma_start3A_31 = arith.constant 2 : i32
    %dma_start3A_32 = arith.constant 0 : i32
    %dma_start3A_33 = arith.constant 0 : i32
    %dma_start3A_34 = tpu.memref_slice %arg9[%dma_start3A_31, %dma_start3A_32, %dma_start3A_33] : memref<4x128x32xf32, #tpu.memory_space<vmem>> -> memref<1x128x32xf32, #tpu.memory_space<vmem>>
    %dma_start3A_35 = tpu.memref_squeeze %dma_start3A_34 : memref<1x128x32xf32, #tpu.memory_space<vmem>> -> memref<128x32xf32, #tpu.memory_space<vmem>>
    %dma_start3A_36 = arith.constant 0 : i32
    %dma_start3A_37 = tpu.memref_slice %arg7[%dma_start3A_30, %dma_start3A_36] : memref<160x128xi32, #tpu.memory_space<vmem>> -> memref<1x128xi32, #tpu.memory_space<vmem>>
    %dma_start3A_38 = tpu.memref_squeeze %dma_start3A_37 : memref<1x128xi32, #tpu.memory_space<vmem>> -> memref<128xi32, #tpu.memory_space<vmem>>
    %dma_start3A_39 = arith.constant 0 : i32
    %dma_start3A_40 = arith.constant 0 : i32
    %dma_start3A_41 = tpu.memref_slice %arg11[%dma_start3A_39, %dma_start3A_40] : memref<10000x32xf32, #tpu.memory_space<vmem_shared>> -> memref<10000x32xf32, #tpu.memory_space<vmem_shared>>
    tpu.enqueue_indirect_dma source(%dma_start3A_41 : memref<10000x32xf32, #tpu.memory_space<vmem_shared>>) target(%dma_start3A_35 : memref<128x32xf32, #tpu.memory_space<vmem>>) offsets(%dma_start3A_38 : memref<128xi32, #tpu.memory_space<vmem>>) semaphore(%arg14 : memref<!tpu.dma_semaphore, #tpu.memory_space<semaphore_mem>>)
    %dma_start3A_42 = arith.constant 3 : i32
    %dma_start3A_43 = arith.constant 3 : i32
    %dma_start3A_44 = arith.constant 0 : i32
    %dma_start3A_45 = arith.constant 0 : i32
    %dma_start3A_46 = tpu.memref_slice %arg9[%dma_start3A_43, %dma_start3A_44, %dma_start3A_45] : memref<4x128x32xf32, #tpu.memory_space<vmem>> -> memref<1x128x32xf32, #tpu.memory_space<vmem>>
    %dma_start3A_47 = tpu.memref_squeeze %dma_start3A_46 : memref<1x128x32xf32, #tpu.memory_space<vmem>> -> memref<128x32xf32, #tpu.memory_space<vmem>>
    %dma_start3A_48 = arith.constant 0 : i32
    %dma_start3A_49 = tpu.memref_slice %arg7[%dma_start3A_42, %dma_start3A_48] : memref<160x128xi32, #tpu.memory_space<vmem>> -> memref<1x128xi32, #tpu.memory_space<vmem>>
    %dma_start3A_50 = tpu.memref_squeeze %dma_start3A_49 : memref<1x128xi32, #tpu.memory_space<vmem>> -> memref<128xi32, #tpu.memory_space<vmem>>
    %dma_start3A_51 = arith.constant 0 : i32
    %dma_start3A_52 = arith.constant 0 : i32
    %dma_start3A_53 = tpu.memref_slice %arg11[%dma_start3A_51, %dma_start3A_52] : memref<10000x32xf32, #tpu.memory_space<vmem_shared>> -> memref<10000x32xf32, #tpu.memory_space<vmem_shared>>
    tpu.enqueue_indirect_dma source(%dma_start3A_53 : memref<10000x32xf32, #tpu.memory_space<vmem_shared>>) target(%dma_start3A_47 : memref<128x32xf32, #tpu.memory_space<vmem>>) offsets(%dma_start3A_50 : memref<128xi32, #tpu.memory_space<vmem>>) semaphore(%arg15 : memref<!tpu.dma_semaphore, #tpu.memory_space<semaphore_mem>>)
    %scan3A = arith.constant 0 : i32
    %scan3A_54 = arith.constant 0 : i32
    %scan3A_55 = arith.constant 40 : i32
    %scan3A_56 = arith.addi %scan3A_54, %scan3A_55 : i32
    %scan3A_57 = arith.constant 1 : i32
    scf.for %scan3A_75 = %scan3A_54 to %scan3A_56 step %scan3A_57  : i32 {
      %mul3A_76 = arith.constant 4 : i32
      %mul3A_77 = arith.muli %scan3A_75, %mul3A_76 : i32
      %add3A = arith.constant 0 : i32
      %add3A_78 = arith.addi %mul3A_77, %add3A : i32
      %dma_wait3A_79 = arith.constant 0 : i32
      %dma_wait3A_80 = arith.constant 0 : i32
      %dma_wait3A_81 = arith.constant 0 : i32
      %dma_wait3A_82 = tpu.memref_slice %arg9[%dma_wait3A_79, %dma_wait3A_80, %dma_wait3A_81] : memref<4x128x32xf32, #tpu.memory_space<vmem>> -> memref<1x128x32xf32, #tpu.memory_space<vmem>>
      %dma_wait3A_83 = tpu.memref_squeeze %dma_wait3A_82 : memref<1x128x32xf32, #tpu.memory_space<vmem>> -> memref<128x32xf32, #tpu.memory_space<vmem>>
      %dma_wait3A_84 = arith.constant 0 : i32
      %dma_wait3A_85 = tpu.memref_slice %arg7[%add3A_78, %dma_wait3A_84] : memref<160x128xi32, #tpu.memory_space<vmem>> -> memref<1x128xi32, #tpu.memory_space<vmem>>
      %dma_wait3A_86 = tpu.memref_squeeze %dma_wait3A_85 : memref<1x128xi32, #tpu.memory_space<vmem>> -> memref<128xi32, #tpu.memory_space<vmem>>
      %dma_wait3A_87 = arith.constant 0 : i32
      %dma_wait3A_88 = arith.constant 0 : i32
      %dma_wait3A_89 = tpu.memref_slice %arg11[%dma_wait3A_87, %dma_wait3A_88] : memref<10000x32xf32, #tpu.memory_space<vmem_shared>> -> memref<10000x32xf32, #tpu.memory_space<vmem_shared>>
      tpu.wait_indirect_dma semaphore(%arg12 : memref<!tpu.dma_semaphore, #tpu.memory_space<semaphore_mem>>) src(%dma_wait3A_89 : memref<10000x32xf32, #tpu.memory_space<vmem_shared>>) dst(%dma_wait3A_83 : memref<128x32xf32, #tpu.memory_space<vmem>>)
      %dma_start3A_90 = arith.constant 0 : i32
      %dma_start3A_91 = arith.constant 0 : i32
      %dma_start3A_92 = arith.constant 0 : i32
      %dma_start3A_93 = tpu.memref_slice %arg9[%dma_start3A_90, %dma_start3A_91, %dma_start3A_92] : memref<4x128x32xf32, #tpu.memory_space<vmem>> -> memref<1x128x32xf32, #tpu.memory_space<vmem>>
      %dma_start3A_94 = tpu.memref_squeeze %dma_start3A_93 : memref<1x128x32xf32, #tpu.memory_space<vmem>> -> memref<128x32xf32, #tpu.memory_space<vmem>>
      %dma_start3A_95 = arith.constant 0 : i32
      %dma_start3A_96 = tpu.memref_slice %arg8[%add3A_78, %dma_start3A_95] : memref<160x128xi32, #tpu.memory_space<vmem>> -> memref<1x128xi32, #tpu.memory_space<vmem>>
      %dma_start3A_97 = tpu.memref_squeeze %dma_start3A_96 : memref<1x128xi32, #tpu.memory_space<vmem>> -> memref<128xi32, #tpu.memory_space<vmem>>
      %dma_start3A_98 = arith.constant 0 : i32
      %dma_start3A_99 = arith.constant 0 : i32
      %dma_start3A_100 = tpu.memref_slice %arg10[%dma_start3A_98, %dma_start3A_99] : memref<10016x32xf32, #tpu.memory_space<vmem_shared>> -> memref<10016x32xf32, #tpu.memory_space<vmem_shared>>
      tpu.enqueue_indirect_dma source(%dma_start3A_94 : memref<128x32xf32, #tpu.memory_space<vmem>>) target(%dma_start3A_100 : memref<10016x32xf32, #tpu.memory_space<vmem_shared>>) offsets(%dma_start3A_97 : memref<128xi32, #tpu.memory_space<vmem>>) semaphore(%arg16 : memref<!tpu.dma_semaphore, #tpu.memory_space<semaphore_mem>>) {add = true}
      %add3A_101 = arith.constant 4 : i32
      %add3A_102 = arith.addi %add3A_78, %add3A_101 : i32
      %sub3A = arith.constant 1 : i32
      %sub3A_103 = arith.subi %add3A_102, %sub3A : i32
      %lt3A = arith.constant 160 : i32
      %lt3A_104 = arith.cmpi slt, %sub3A_103, %lt3A : i32
      %gt3A = arith.constant 0 : i32
      %gt3A_105 = arith.cmpi sgt, %scan3A_75, %gt3A : i32
      %convert_element_type3A = arith.extui %gt3A_105 : i1 to i32
      %cond3A = arith.constant 0 : i32
      %cond3A_106 = arith.cmpi ne, %convert_element_type3A, %cond3A : i32
      scf.if %cond3A_106 {
        %dma_wait3A_253 = arith.constant 3 : i32
        %dma_wait3A_254 = arith.constant 0 : i32
        %dma_wait3A_255 = arith.constant 0 : i32
        %dma_wait3A_256 = arith.constant 0 : i32
        %dma_wait3A_257 = tpu.memref_slice %arg9[%dma_wait3A_253, %dma_wait3A_255, %dma_wait3A_256] : memref<4x128x32xf32, #tpu.memory_space<vmem>> -> memref<1x128x32xf32, #tpu.memory_space<vmem>>
        %dma_wait3A_258 = tpu.memref_squeeze %dma_wait3A_257 : memref<1x128x32xf32, #tpu.memory_space<vmem>> -> memref<128x32xf32, #tpu.memory_space<vmem>>
        %dma_wait3A_259 = arith.constant 0 : i32
        %dma_wait3A_260 = tpu.memref_slice %arg8[%dma_wait3A_254, %dma_wait3A_259] : memref<160x128xi32, #tpu.memory_space<vmem>> -> memref<1x128xi32, #tpu.memory_space<vmem>>
        %dma_wait3A_261 = tpu.memref_squeeze %dma_wait3A_260 : memref<1x128xi32, #tpu.memory_space<vmem>> -> memref<128xi32, #tpu.memory_space<vmem>>
        %dma_wait3A_262 = arith.constant 0 : i32
        %dma_wait3A_263 = arith.constant 0 : i32
        %dma_wait3A_264 = tpu.memref_slice %arg10[%dma_wait3A_262, %dma_wait3A_263] : memref<10016x32xf32, #tpu.memory_space<vmem_shared>> -> memref<10016x32xf32, #tpu.memory_space<vmem_shared>>
        tpu.wait_indirect_dma semaphore(%arg19 : memref<!tpu.dma_semaphore, #tpu.memory_space<semaphore_mem>>) src(%dma_wait3A_258 : memref<128x32xf32, #tpu.memory_space<vmem>>) dst(%dma_wait3A_264 : memref<10016x32xf32, #tpu.memory_space<vmem_shared>>)
      } else {
      }
      %gt3A_107 = arith.constant 0 : i32
      %gt3A_108 = arith.cmpi sgt, %scan3A_75, %gt3A_107 : i32
      %and3A = arith.andi %gt3A_108, %lt3A_104 : i1
      %convert_element_type3A_109 = arith.extui %and3A : i1 to i32
      %cond3A_110 = arith.constant 0 : i32
      %cond3A_111 = arith.cmpi ne, %convert_element_type3A_109, %cond3A_110 : i32
      scf.if %cond3A_111 {
        %add3A_253 = arith.constant 4 : i32
        %add3A_254 = arith.addi %add3A_78, %add3A_253 : i32
        %sub3A_255 = arith.constant 1 : i32
        %sub3A_256 = arith.subi %add3A_254, %sub3A_255 : i32
        %dma_start3A_257 = arith.constant 3 : i32
        %dma_start3A_258 = arith.constant 0 : i32
        %dma_start3A_259 = arith.constant 0 : i32
        %dma_start3A_260 = tpu.memref_slice %arg9[%dma_start3A_257, %dma_start3A_258, %dma_start3A_259] : memref<4x128x32xf32, #tpu.memory_space<vmem>> -> memref<1x128x32xf32, #tpu.memory_space<vmem>>
        %dma_start3A_261 = tpu.memref_squeeze %dma_start3A_260 : memref<1x128x32xf32, #tpu.memory_space<vmem>> -> memref<128x32xf32, #tpu.memory_space<vmem>>
        %dma_start3A_262 = arith.constant 0 : i32
        %dma_start3A_263 = tpu.memref_slice %arg7[%sub3A_256, %dma_start3A_262] : memref<160x128xi32, #tpu.memory_space<vmem>> -> memref<1x128xi32, #tpu.memory_space<vmem>>
        %dma_start3A_264 = tpu.memref_squeeze %dma_start3A_263 : memref<1x128xi32, #tpu.memory_space<vmem>> -> memref<128xi32, #tpu.memory_space<vmem>>
        %dma_start3A_265 = arith.constant 0 : i32
        %dma_start3A_266 = arith.constant 0 : i32
        %dma_start3A_267 = tpu.memref_slice %arg11[%dma_start3A_265, %dma_start3A_266] : memref<10000x32xf32, #tpu.memory_space<vmem_shared>> -> memref<10000x32xf32, #tpu.memory_space<vmem_shared>>
        tpu.enqueue_indirect_dma source(%dma_start3A_267 : memref<10000x32xf32, #tpu.memory_space<vmem_shared>>) target(%dma_start3A_261 : memref<128x32xf32, #tpu.memory_space<vmem>>) offsets(%dma_start3A_264 : memref<128xi32, #tpu.memory_space<vmem>>) semaphore(%arg15 : memref<!tpu.dma_semaphore, #tpu.memory_space<semaphore_mem>>)
      } else {
      }
      %mul3A_112 = arith.constant 4 : i32
      %mul3A_113 = arith.muli %scan3A_75, %mul3A_112 : i32
      %add3A_114 = arith.constant 1 : i32
      %add3A_115 = arith.addi %mul3A_113, %add3A_114 : i32
      %dma_wait3A_116 = arith.constant 1 : i32
      %dma_wait3A_117 = arith.constant 0 : i32
      %dma_wait3A_118 = arith.constant 0 : i32
      %dma_wait3A_119 = tpu.memref_slice %arg9[%dma_wait3A_116, %dma_wait3A_117, %dma_wait3A_118] : memref<4x128x32xf32, #tpu.memory_space<vmem>> -> memref<1x128x32xf32, #tpu.memory_space<vmem>>
      %dma_wait3A_120 = tpu.memref_squeeze %dma_wait3A_119 : memref<1x128x32xf32, #tpu.memory_space<vmem>> -> memref<128x32xf32, #tpu.memory_space<vmem>>
      %dma_wait3A_121 = arith.constant 0 : i32
      %dma_wait3A_122 = tpu.memref_slice %arg7[%add3A_115, %dma_wait3A_121] : memref<160x128xi32, #tpu.memory_space<vmem>> -> memref<1x128xi32, #tpu.memory_space<vmem>>
      %dma_wait3A_123 = tpu.memref_squeeze %dma_wait3A_122 : memref<1x128xi32, #tpu.memory_space<vmem>> -> memref<128xi32, #tpu.memory_space<vmem>>
      %dma_wait3A_124 = arith.constant 0 : i32
      %dma_wait3A_125 = arith.constant 0 : i32
      %dma_wait3A_126 = tpu.memref_slice %arg11[%dma_wait3A_124, %dma_wait3A_125] : memref<10000x32xf32, #tpu.memory_space<vmem_shared>> -> memref<10000x32xf32, #tpu.memory_space<vmem_shared>>
      tpu.wait_indirect_dma semaphore(%arg13 : memref<!tpu.dma_semaphore, #tpu.memory_space<semaphore_mem>>) src(%dma_wait3A_126 : memref<10000x32xf32, #tpu.memory_space<vmem_shared>>) dst(%dma_wait3A_120 : memref<128x32xf32, #tpu.memory_space<vmem>>)
      %dma_start3A_127 = arith.constant 1 : i32
      %dma_start3A_128 = arith.constant 0 : i32
      %dma_start3A_129 = arith.constant 0 : i32
      %dma_start3A_130 = tpu.memref_slice %arg9[%dma_start3A_127, %dma_start3A_128, %dma_start3A_129] : memref<4x128x32xf32, #tpu.memory_space<vmem>> -> memref<1x128x32xf32, #tpu.memory_space<vmem>>
      %dma_start3A_131 = tpu.memref_squeeze %dma_start3A_130 : memref<1x128x32xf32, #tpu.memory_space<vmem>> -> memref<128x32xf32, #tpu.memory_space<vmem>>
      %dma_start3A_132 = arith.constant 0 : i32
      %dma_start3A_133 = tpu.memref_slice %arg8[%add3A_115, %dma_start3A_132] : memref<160x128xi32, #tpu.memory_space<vmem>> -> memref<1x128xi32, #tpu.memory_space<vmem>>
      %dma_start3A_134 = tpu.memref_squeeze %dma_start3A_133 : memref<1x128xi32, #tpu.memory_space<vmem>> -> memref<128xi32, #tpu.memory_space<vmem>>
      %dma_start3A_135 = arith.constant 0 : i32
      %dma_start3A_136 = arith.constant 0 : i32
      %dma_start3A_137 = tpu.memref_slice %arg10[%dma_start3A_135, %dma_start3A_136] : memref<10016x32xf32, #tpu.memory_space<vmem_shared>> -> memref<10016x32xf32, #tpu.memory_space<vmem_shared>>
      tpu.enqueue_indirect_dma source(%dma_start3A_131 : memref<128x32xf32, #tpu.memory_space<vmem>>) target(%dma_start3A_137 : memref<10016x32xf32, #tpu.memory_space<vmem_shared>>) offsets(%dma_start3A_134 : memref<128xi32, #tpu.memory_space<vmem>>) semaphore(%arg17 : memref<!tpu.dma_semaphore, #tpu.memory_space<semaphore_mem>>) {add = true}
      %add3A_138 = arith.constant 4 : i32
      %add3A_139 = arith.addi %add3A_115, %add3A_138 : i32
      %sub3A_140 = arith.constant 1 : i32
      %sub3A_141 = arith.subi %add3A_139, %sub3A_140 : i32
      %lt3A_142 = arith.constant 160 : i32
      %lt3A_143 = arith.cmpi slt, %sub3A_141, %lt3A_142 : i32
      %dma_wait3A_144 = arith.constant 0 : i32
      %dma_wait3A_145 = arith.constant 0 : i32
      %dma_wait3A_146 = arith.constant 0 : i32
      %dma_wait3A_147 = arith.constant 0 : i32
      %dma_wait3A_148 = tpu.memref_slice %arg9[%dma_wait3A_144, %dma_wait3A_146, %dma_wait3A_147] : memref<4x128x32xf32, #tpu.memory_space<vmem>> -> memref<1x128x32xf32, #tpu.memory_space<vmem>>
      %dma_wait3A_149 = tpu.memref_squeeze %dma_wait3A_148 : memref<1x128x32xf32, #tpu.memory_space<vmem>> -> memref<128x32xf32, #tpu.memory_space<vmem>>
      %dma_wait3A_150 = arith.constant 0 : i32
      %dma_wait3A_151 = tpu.memref_slice %arg8[%dma_wait3A_145, %dma_wait3A_150] : memref<160x128xi32, #tpu.memory_space<vmem>> -> memref<1x128xi32, #tpu.memory_space<vmem>>
      %dma_wait3A_152 = tpu.memref_squeeze %dma_wait3A_151 : memref<1x128xi32, #tpu.memory_space<vmem>> -> memref<128xi32, #tpu.memory_space<vmem>>
      %dma_wait3A_153 = arith.constant 0 : i32
      %dma_wait3A_154 = arith.constant 0 : i32
      %dma_wait3A_155 = tpu.memref_slice %arg10[%dma_wait3A_153, %dma_wait3A_154] : memref<10016x32xf32, #tpu.memory_space<vmem_shared>> -> memref<10016x32xf32, #tpu.memory_space<vmem_shared>>
      tpu.wait_indirect_dma semaphore(%arg16 : memref<!tpu.dma_semaphore, #tpu.memory_space<semaphore_mem>>) src(%dma_wait3A_149 : memref<128x32xf32, #tpu.memory_space<vmem>>) dst(%dma_wait3A_155 : memref<10016x32xf32, #tpu.memory_space<vmem_shared>>)
      %convert_element_type3A_156 = arith.extui %lt3A_143 : i1 to i32
      %cond3A_157 = arith.constant 0 : i32
      %cond3A_158 = arith.cmpi ne, %convert_element_type3A_156, %cond3A_157 : i32
      scf.if %cond3A_158 {
        %add3A_253 = arith.constant 4 : i32
        %add3A_254 = arith.addi %add3A_115, %add3A_253 : i32
        %sub3A_255 = arith.constant 1 : i32
        %sub3A_256 = arith.subi %add3A_254, %sub3A_255 : i32
        %dma_start3A_257 = arith.constant 0 : i32
        %dma_start3A_258 = arith.constant 0 : i32
        %dma_start3A_259 = arith.constant 0 : i32
        %dma_start3A_260 = tpu.memref_slice %arg9[%dma_start3A_257, %dma_start3A_258, %dma_start3A_259] : memref<4x128x32xf32, #tpu.memory_space<vmem>> -> memref<1x128x32xf32, #tpu.memory_space<vmem>>
        %dma_start3A_261 = tpu.memref_squeeze %dma_start3A_260 : memref<1x128x32xf32, #tpu.memory_space<vmem>> -> memref<128x32xf32, #tpu.memory_space<vmem>>
        %dma_start3A_262 = arith.constant 0 : i32
        %dma_start3A_263 = tpu.memref_slice %arg7[%sub3A_256, %dma_start3A_262] : memref<160x128xi32, #tpu.memory_space<vmem>> -> memref<1x128xi32, #tpu.memory_space<vmem>>
        %dma_start3A_264 = tpu.memref_squeeze %dma_start3A_263 : memref<1x128xi32, #tpu.memory_space<vmem>> -> memref<128xi32, #tpu.memory_space<vmem>>
        %dma_start3A_265 = arith.constant 0 : i32
        %dma_start3A_266 = arith.constant 0 : i32
        %dma_start3A_267 = tpu.memref_slice %arg11[%dma_start3A_265, %dma_start3A_266] : memref<10000x32xf32, #tpu.memory_space<vmem_shared>> -> memref<10000x32xf32, #tpu.memory_space<vmem_shared>>
        tpu.enqueue_indirect_dma source(%dma_start3A_267 : memref<10000x32xf32, #tpu.memory_space<vmem_shared>>) target(%dma_start3A_261 : memref<128x32xf32, #tpu.memory_space<vmem>>) offsets(%dma_start3A_264 : memref<128xi32, #tpu.memory_space<vmem>>) semaphore(%arg12 : memref<!tpu.dma_semaphore, #tpu.memory_space<semaphore_mem>>)
      } else {
      }
      %mul3A_159 = arith.constant 4 : i32
      %mul3A_160 = arith.muli %scan3A_75, %mul3A_159 : i32
      %add3A_161 = arith.constant 2 : i32
      %add3A_162 = arith.addi %mul3A_160, %add3A_161 : i32
      %dma_wait3A_163 = arith.constant 2 : i32
      %dma_wait3A_164 = arith.constant 0 : i32
      %dma_wait3A_165 = arith.constant 0 : i32
      %dma_wait3A_166 = tpu.memref_slice %arg9[%dma_wait3A_163, %dma_wait3A_164, %dma_wait3A_165] : memref<4x128x32xf32, #tpu.memory_space<vmem>> -> memref<1x128x32xf32, #tpu.memory_space<vmem>>
      %dma_wait3A_167 = tpu.memref_squeeze %dma_wait3A_166 : memref<1x128x32xf32, #tpu.memory_space<vmem>> -> memref<128x32xf32, #tpu.memory_space<vmem>>
      %dma_wait3A_168 = arith.constant 0 : i32
      %dma_wait3A_169 = tpu.memref_slice %arg7[%add3A_162, %dma_wait3A_168] : memref<160x128xi32, #tpu.memory_space<vmem>> -> memref<1x128xi32, #tpu.memory_space<vmem>>
      %dma_wait3A_170 = tpu.memref_squeeze %dma_wait3A_169 : memref<1x128xi32, #tpu.memory_space<vmem>> -> memref<128xi32, #tpu.memory_space<vmem>>
      %dma_wait3A_171 = arith.constant 0 : i32
      %dma_wait3A_172 = arith.constant 0 : i32
      %dma_wait3A_173 = tpu.memref_slice %arg11[%dma_wait3A_171, %dma_wait3A_172] : memref<10000x32xf32, #tpu.memory_space<vmem_shared>> -> memref<10000x32xf32, #tpu.memory_space<vmem_shared>>
      tpu.wait_indirect_dma semaphore(%arg14 : memref<!tpu.dma_semaphore, #tpu.memory_space<semaphore_mem>>) src(%dma_wait3A_173 : memref<10000x32xf32, #tpu.memory_space<vmem_shared>>) dst(%dma_wait3A_167 : memref<128x32xf32, #tpu.memory_space<vmem>>)
      %dma_start3A_174 = arith.constant 2 : i32
      %dma_start3A_175 = arith.constant 0 : i32
      %dma_start3A_176 = arith.constant 0 : i32
      %dma_start3A_177 = tpu.memref_slice %arg9[%dma_start3A_174, %dma_start3A_175, %dma_start3A_176] : memref<4x128x32xf32, #tpu.memory_space<vmem>> -> memref<1x128x32xf32, #tpu.memory_space<vmem>>
      %dma_start3A_178 = tpu.memref_squeeze %dma_start3A_177 : memref<1x128x32xf32, #tpu.memory_space<vmem>> -> memref<128x32xf32, #tpu.memory_space<vmem>>
      %dma_start3A_179 = arith.constant 0 : i32
      %dma_start3A_180 = tpu.memref_slice %arg8[%add3A_162, %dma_start3A_179] : memref<160x128xi32, #tpu.memory_space<vmem>> -> memref<1x128xi32, #tpu.memory_space<vmem>>
      %dma_start3A_181 = tpu.memref_squeeze %dma_start3A_180 : memref<1x128xi32, #tpu.memory_space<vmem>> -> memref<128xi32, #tpu.memory_space<vmem>>
      %dma_start3A_182 = arith.constant 0 : i32
      %dma_start3A_183 = arith.constant 0 : i32
      %dma_start3A_184 = tpu.memref_slice %arg10[%dma_start3A_182, %dma_start3A_183] : memref<10016x32xf32, #tpu.memory_space<vmem_shared>> -> memref<10016x32xf32, #tpu.memory_space<vmem_shared>>
      tpu.enqueue_indirect_dma source(%dma_start3A_178 : memref<128x32xf32, #tpu.memory_space<vmem>>) target(%dma_start3A_184 : memref<10016x32xf32, #tpu.memory_space<vmem_shared>>) offsets(%dma_start3A_181 : memref<128xi32, #tpu.memory_space<vmem>>) semaphore(%arg18 : memref<!tpu.dma_semaphore, #tpu.memory_space<semaphore_mem>>) {add = true}
      %add3A_185 = arith.constant 4 : i32
      %add3A_186 = arith.addi %add3A_162, %add3A_185 : i32
      %sub3A_187 = arith.constant 1 : i32
      %sub3A_188 = arith.subi %add3A_186, %sub3A_187 : i32
      %lt3A_189 = arith.constant 160 : i32
      %lt3A_190 = arith.cmpi slt, %sub3A_188, %lt3A_189 : i32
      %dma_wait3A_191 = arith.constant 1 : i32
      %dma_wait3A_192 = arith.constant 0 : i32
      %dma_wait3A_193 = arith.constant 0 : i32
      %dma_wait3A_194 = arith.constant 0 : i32
      %dma_wait3A_195 = tpu.memref_slice %arg9[%dma_wait3A_191, %dma_wait3A_193, %dma_wait3A_194] : memref<4x128x32xf32, #tpu.memory_space<vmem>> -> memref<1x128x32xf32, #tpu.memory_space<vmem>>
      %dma_wait3A_196 = tpu.memref_squeeze %dma_wait3A_195 : memref<1x128x32xf32, #tpu.memory_space<vmem>> -> memref<128x32xf32, #tpu.memory_space<vmem>>
      %dma_wait3A_197 = arith.constant 0 : i32
      %dma_wait3A_198 = tpu.memref_slice %arg8[%dma_wait3A_192, %dma_wait3A_197] : memref<160x128xi32, #tpu.memory_space<vmem>> -> memref<1x128xi32, #tpu.memory_space<vmem>>
      %dma_wait3A_199 = tpu.memref_squeeze %dma_wait3A_198 : memref<1x128xi32, #tpu.memory_space<vmem>> -> memref<128xi32, #tpu.memory_space<vmem>>
      %dma_wait3A_200 = arith.constant 0 : i32
      %dma_wait3A_201 = arith.constant 0 : i32
      %dma_wait3A_202 = tpu.memref_slice %arg10[%dma_wait3A_200, %dma_wait3A_201] : memref<10016x32xf32, #tpu.memory_space<vmem_shared>> -> memref<10016x32xf32, #tpu.memory_space<vmem_shared>>
      tpu.wait_indirect_dma semaphore(%arg17 : memref<!tpu.dma_semaphore, #tpu.memory_space<semaphore_mem>>) src(%dma_wait3A_196 : memref<128x32xf32, #tpu.memory_space<vmem>>) dst(%dma_wait3A_202 : memref<10016x32xf32, #tpu.memory_space<vmem_shared>>)
      %convert_element_type3A_203 = arith.extui %lt3A_190 : i1 to i32
      %cond3A_204 = arith.constant 0 : i32
      %cond3A_205 = arith.cmpi ne, %convert_element_type3A_203, %cond3A_204 : i32
      scf.if %cond3A_205 {
        %add3A_253 = arith.constant 4 : i32
        %add3A_254 = arith.addi %add3A_162, %add3A_253 : i32
        %sub3A_255 = arith.constant 1 : i32
        %sub3A_256 = arith.subi %add3A_254, %sub3A_255 : i32
        %dma_start3A_257 = arith.constant 1 : i32
        %dma_start3A_258 = arith.constant 0 : i32
        %dma_start3A_259 = arith.constant 0 : i32
        %dma_start3A_260 = tpu.memref_slice %arg9[%dma_start3A_257, %dma_start3A_258, %dma_start3A_259] : memref<4x128x32xf32, #tpu.memory_space<vmem>> -> memref<1x128x32xf32, #tpu.memory_space<vmem>>
        %dma_start3A_261 = tpu.memref_squeeze %dma_start3A_260 : memref<1x128x32xf32, #tpu.memory_space<vmem>> -> memref<128x32xf32, #tpu.memory_space<vmem>>
        %dma_start3A_262 = arith.constant 0 : i32
        %dma_start3A_263 = tpu.memref_slice %arg7[%sub3A_256, %dma_start3A_262] : memref<160x128xi32, #tpu.memory_space<vmem>> -> memref<1x128xi32, #tpu.memory_space<vmem>>
        %dma_start3A_264 = tpu.memref_squeeze %dma_start3A_263 : memref<1x128xi32, #tpu.memory_space<vmem>> -> memref<128xi32, #tpu.memory_space<vmem>>
        %dma_start3A_265 = arith.constant 0 : i32
        %dma_start3A_266 = arith.constant 0 : i32
        %dma_start3A_267 = tpu.memref_slice %arg11[%dma_start3A_265, %dma_start3A_266] : memref<10000x32xf32, #tpu.memory_space<vmem_shared>> -> memref<10000x32xf32, #tpu.memory_space<vmem_shared>>
        tpu.enqueue_indirect_dma source(%dma_start3A_267 : memref<10000x32xf32, #tpu.memory_space<vmem_shared>>) target(%dma_start3A_261 : memref<128x32xf32, #tpu.memory_space<vmem>>) offsets(%dma_start3A_264 : memref<128xi32, #tpu.memory_space<vmem>>) semaphore(%arg13 : memref<!tpu.dma_semaphore, #tpu.memory_space<semaphore_mem>>)
      } else {
      }
      %mul3A_206 = arith.constant 4 : i32
      %mul3A_207 = arith.muli %scan3A_75, %mul3A_206 : i32
      %add3A_208 = arith.constant 3 : i32
      %add3A_209 = arith.addi %mul3A_207, %add3A_208 : i32
      %dma_wait3A_210 = arith.constant 3 : i32
      %dma_wait3A_211 = arith.constant 0 : i32
      %dma_wait3A_212 = arith.constant 0 : i32
      %dma_wait3A_213 = tpu.memref_slice %arg9[%dma_wait3A_210, %dma_wait3A_211, %dma_wait3A_212] : memref<4x128x32xf32, #tpu.memory_space<vmem>> -> memref<1x128x32xf32, #tpu.memory_space<vmem>>
      %dma_wait3A_214 = tpu.memref_squeeze %dma_wait3A_213 : memref<1x128x32xf32, #tpu.memory_space<vmem>> -> memref<128x32xf32, #tpu.memory_space<vmem>>
      %dma_wait3A_215 = arith.constant 0 : i32
      %dma_wait3A_216 = tpu.memref_slice %arg7[%add3A_209, %dma_wait3A_215] : memref<160x128xi32, #tpu.memory_space<vmem>> -> memref<1x128xi32, #tpu.memory_space<vmem>>
      %dma_wait3A_217 = tpu.memref_squeeze %dma_wait3A_216 : memref<1x128xi32, #tpu.memory_space<vmem>> -> memref<128xi32, #tpu.memory_space<vmem>>
      %dma_wait3A_218 = arith.constant 0 : i32
      %dma_wait3A_219 = arith.constant 0 : i32
      %dma_wait3A_220 = tpu.memref_slice %arg11[%dma_wait3A_218, %dma_wait3A_219] : memref<10000x32xf32, #tpu.memory_space<vmem_shared>> -> memref<10000x32xf32, #tpu.memory_space<vmem_shared>>
      tpu.wait_indirect_dma semaphore(%arg15 : memref<!tpu.dma_semaphore, #tpu.memory_space<semaphore_mem>>) src(%dma_wait3A_220 : memref<10000x32xf32, #tpu.memory_space<vmem_shared>>) dst(%dma_wait3A_214 : memref<128x32xf32, #tpu.memory_space<vmem>>)
      %dma_start3A_221 = arith.constant 3 : i32
      %dma_start3A_222 = arith.constant 0 : i32
      %dma_start3A_223 = arith.constant 0 : i32
      %dma_start3A_224 = tpu.memref_slice %arg9[%dma_start3A_221, %dma_start3A_222, %dma_start3A_223] : memref<4x128x32xf32, #tpu.memory_space<vmem>> -> memref<1x128x32xf32, #tpu.memory_space<vmem>>
      %dma_start3A_225 = tpu.memref_squeeze %dma_start3A_224 : memref<1x128x32xf32, #tpu.memory_space<vmem>> -> memref<128x32xf32, #tpu.memory_space<vmem>>
      %dma_start3A_226 = arith.constant 0 : i32
      %dma_start3A_227 = tpu.memref_slice %arg8[%add3A_209, %dma_start3A_226] : memref<160x128xi32, #tpu.memory_space<vmem>> -> memref<1x128xi32, #tpu.memory_space<vmem>>
      %dma_start3A_228 = tpu.memref_squeeze %dma_start3A_227 : memref<1x128xi32, #tpu.memory_space<vmem>> -> memref<128xi32, #tpu.memory_space<vmem>>
      %dma_start3A_229 = arith.constant 0 : i32
      %dma_start3A_230 = arith.constant 0 : i32
      %dma_start3A_231 = tpu.memref_slice %arg10[%dma_start3A_229, %dma_start3A_230] : memref<10016x32xf32, #tpu.memory_space<vmem_shared>> -> memref<10016x32xf32, #tpu.memory_space<vmem_shared>>
      tpu.enqueue_indirect_dma source(%dma_start3A_225 : memref<128x32xf32, #tpu.memory_space<vmem>>) target(%dma_start3A_231 : memref<10016x32xf32, #tpu.memory_space<vmem_shared>>) offsets(%dma_start3A_228 : memref<128xi32, #tpu.memory_space<vmem>>) semaphore(%arg19 : memref<!tpu.dma_semaphore, #tpu.memory_space<semaphore_mem>>) {add = true}
      %add3A_232 = arith.constant 4 : i32
      %add3A_233 = arith.addi %add3A_209, %add3A_232 : i32
      %sub3A_234 = arith.constant 1 : i32
      %sub3A_235 = arith.subi %add3A_233, %sub3A_234 : i32
      %lt3A_236 = arith.constant 160 : i32
      %lt3A_237 = arith.cmpi slt, %sub3A_235, %lt3A_236 : i32
      %dma_wait3A_238 = arith.constant 2 : i32
      %dma_wait3A_239 = arith.constant 0 : i32
      %dma_wait3A_240 = arith.constant 0 : i32
      %dma_wait3A_241 = arith.constant 0 : i32
      %dma_wait3A_242 = tpu.memref_slice %arg9[%dma_wait3A_238, %dma_wait3A_240, %dma_wait3A_241] : memref<4x128x32xf32, #tpu.memory_space<vmem>> -> memref<1x128x32xf32, #tpu.memory_space<vmem>>
      %dma_wait3A_243 = tpu.memref_squeeze %dma_wait3A_242 : memref<1x128x32xf32, #tpu.memory_space<vmem>> -> memref<128x32xf32, #tpu.memory_space<vmem>>
      %dma_wait3A_244 = arith.constant 0 : i32
      %dma_wait3A_245 = tpu.memref_slice %arg8[%dma_wait3A_239, %dma_wait3A_244] : memref<160x128xi32, #tpu.memory_space<vmem>> -> memref<1x128xi32, #tpu.memory_space<vmem>>
      %dma_wait3A_246 = tpu.memref_squeeze %dma_wait3A_245 : memref<1x128xi32, #tpu.memory_space<vmem>> -> memref<128xi32, #tpu.memory_space<vmem>>
      %dma_wait3A_247 = arith.constant 0 : i32
      %dma_wait3A_248 = arith.constant 0 : i32
      %dma_wait3A_249 = tpu.memref_slice %arg10[%dma_wait3A_247, %dma_wait3A_248] : memref<10016x32xf32, #tpu.memory_space<vmem_shared>> -> memref<10016x32xf32, #tpu.memory_space<vmem_shared>>
      tpu.wait_indirect_dma semaphore(%arg18 : memref<!tpu.dma_semaphore, #tpu.memory_space<semaphore_mem>>) src(%dma_wait3A_243 : memref<128x32xf32, #tpu.memory_space<vmem>>) dst(%dma_wait3A_249 : memref<10016x32xf32, #tpu.memory_space<vmem_shared>>)
      %convert_element_type3A_250 = arith.extui %lt3A_237 : i1 to i32
      %cond3A_251 = arith.constant 0 : i32
      %cond3A_252 = arith.cmpi ne, %convert_element_type3A_250, %cond3A_251 : i32
      scf.if %cond3A_252 {
        %add3A_253 = arith.constant 4 : i32
        %add3A_254 = arith.addi %add3A_209, %add3A_253 : i32
        %sub3A_255 = arith.constant 1 : i32
        %sub3A_256 = arith.subi %add3A_254, %sub3A_255 : i32
        %dma_start3A_257 = arith.constant 2 : i32
        %dma_start3A_258 = arith.constant 0 : i32
        %dma_start3A_259 = arith.constant 0 : i32
        %dma_start3A_260 = tpu.memref_slice %arg9[%dma_start3A_257, %dma_start3A_258, %dma_start3A_259] : memref<4x128x32xf32, #tpu.memory_space<vmem>> -> memref<1x128x32xf32, #tpu.memory_space<vmem>>
        %dma_start3A_261 = tpu.memref_squeeze %dma_start3A_260 : memref<1x128x32xf32, #tpu.memory_space<vmem>> -> memref<128x32xf32, #tpu.memory_space<vmem>>
        %dma_start3A_262 = arith.constant 0 : i32
        %dma_start3A_263 = tpu.memref_slice %arg7[%sub3A_256, %dma_start3A_262] : memref<160x128xi32, #tpu.memory_space<vmem>> -> memref<1x128xi32, #tpu.memory_space<vmem>>
        %dma_start3A_264 = tpu.memref_squeeze %dma_start3A_263 : memref<1x128xi32, #tpu.memory_space<vmem>> -> memref<128xi32, #tpu.memory_space<vmem>>
        %dma_start3A_265 = arith.constant 0 : i32
        %dma_start3A_266 = arith.constant 0 : i32
        %dma_start3A_267 = tpu.memref_slice %arg11[%dma_start3A_265, %dma_start3A_266] : memref<10000x32xf32, #tpu.memory_space<vmem_shared>> -> memref<10000x32xf32, #tpu.memory_space<vmem_shared>>
        tpu.enqueue_indirect_dma source(%dma_start3A_267 : memref<10000x32xf32, #tpu.memory_space<vmem_shared>>) target(%dma_start3A_261 : memref<128x32xf32, #tpu.memory_space<vmem>>) offsets(%dma_start3A_264 : memref<128xi32, #tpu.memory_space<vmem>>) semaphore(%arg14 : memref<!tpu.dma_semaphore, #tpu.memory_space<semaphore_mem>>)
      } else {
      }
    }
    %scan3A_58 = arith.constant 40 : i32
    %dma_wait3A = arith.constant 3 : i32
    %dma_wait3A_59 = arith.constant 0 : i32
    %dma_wait3A_60 = arith.constant 0 : i32
    %dma_wait3A_61 = arith.constant 0 : i32
    %dma_wait3A_62 = tpu.memref_slice %arg9[%dma_wait3A, %dma_wait3A_60, %dma_wait3A_61] : memref<4x128x32xf32, #tpu.memory_space<vmem>> -> memref<1x128x32xf32, #tpu.memory_space<vmem>>
    %dma_wait3A_63 = tpu.memref_squeeze %dma_wait3A_62 : memref<1x128x32xf32, #tpu.memory_space<vmem>> -> memref<128x32xf32, #tpu.memory_space<vmem>>
    %dma_wait3A_64 = arith.constant 0 : i32
    %dma_wait3A_65 = tpu.memref_slice %arg8[%dma_wait3A_59, %dma_wait3A_64] : memref<160x128xi32, #tpu.memory_space<vmem>> -> memref<1x128xi32, #tpu.memory_space<vmem>>
    %dma_wait3A_66 = tpu.memref_squeeze %dma_wait3A_65 : memref<1x128xi32, #tpu.memory_space<vmem>> -> memref<128xi32, #tpu.memory_space<vmem>>
    %dma_wait3A_67 = arith.constant 0 : i32
    %dma_wait3A_68 = arith.constant 0 : i32
    %dma_wait3A_69 = tpu.memref_slice %arg10[%dma_wait3A_67, %dma_wait3A_68] : memref<10016x32xf32, #tpu.memory_space<vmem_shared>> -> memref<10016x32xf32, #tpu.memory_space<vmem_shared>>
    tpu.wait_indirect_dma semaphore(%arg19 : memref<!tpu.dma_semaphore, #tpu.memory_space<semaphore_mem>>) src(%dma_wait3A_63 : memref<128x32xf32, #tpu.memory_space<vmem>>) dst(%dma_wait3A_69 : memref<10016x32xf32, #tpu.memory_space<vmem_shared>>)
    %barrier3A_70 = arith.constant 0 : index
    tpu.barrier barrier_id(%barrier3A_70)
    %mul3A_71 = arith.constant 626 : i32
    %mul3A_72 = arith.muli %arg1, %mul3A_71 : i32
    %mul3A_73 = arith.constant 626 : i32
    %mul3A_74 = arith.muli %arg1, %mul3A_73 : i32
    "tpu.region"() ({
      %run_scoped3A = tpu.sem_alloc : memref<!tpu.dma_semaphore, #tpu.memory_space<semaphore_mem>>
      %dma_start3A_75 = tpu.memref_slice %arg6[%mul3A_74, %mul3A_0] : memref<10016x64xf32, #tpu.memory_space<hbm>> -> memref<626x32xf32, #tpu.memory_space<hbm>>
      %dma_start3A_76 = arith.constant 0 : i32
      %dma_start3A_77 = tpu.memref_slice %arg10[%mul3A_72, %dma_start3A_76] : memref<10016x32xf32, #tpu.memory_space<vmem_shared>> -> memref<626x32xf32, #tpu.memory_space<vmem_shared>>
      tpu.enqueue_dma source(%dma_start3A_77 : memref<626x32xf32, #tpu.memory_space<vmem_shared>>) target(%dma_start3A_75 : memref<626x32xf32, #tpu.memory_space<hbm>>) target_semaphore(%run_scoped3A : memref<!tpu.dma_semaphore, #tpu.memory_space<semaphore_mem>>)
      %dma_wait3A_78 = tpu.memref_slice %arg6[%mul3A_74, %mul3A_0] : memref<10016x64xf32, #tpu.memory_space<hbm>> -> memref<626x32xf32, #tpu.memory_space<hbm>>
      %dma_wait3A_79 = arith.constant 0 : i32
      %dma_wait3A_80 = tpu.memref_slice %arg10[%mul3A_72, %dma_wait3A_79] : memref<10016x32xf32, #tpu.memory_space<vmem_shared>> -> memref<626x32xf32, #tpu.memory_space<vmem_shared>>
      tpu.wait_dma2 semaphore(%run_scoped3A : memref<!tpu.dma_semaphore, #tpu.memory_space<semaphore_mem>>) src(%dma_wait3A_80 : memref<626x32xf32, #tpu.memory_space<vmem_shared>>) dst(%dma_wait3A_78 : memref<626x32xf32, #tpu.memory_space<hbm>>)
      tpu.yield
    }) : () -> ()
    return
  }
}

#map = affine_map<(d0, d1) -> (0, 0, 0)>
#map1 = affine_map<(d0, d1) -> (0, 0)>
module attributes {stable_mosaic.version = 14 : i64} {
  func.func @_deg_body(%arg0: i32, %arg1: i32, %arg2: memref<32x80x128xi32, #tpu.memory_space<hbm>>, %arg3: memref<128x8xf32, #tpu.memory_space<hbm>>, %arg4: memref<626x8xf32, #tpu.memory_space<hbm>>, %arg5: memref<2x10016x8xf32, #tpu.memory_space<hbm>>, %arg6: memref<80x128xi32, #tpu.memory_space<vmem>>, %arg7: memref<128x8xf32, #tpu.memory_space<vmem>>, %arg8: memref<10016x8xf32, #tpu.memory_space<vmem_shared>>, %arg9: memref<!tpu.dma_semaphore, #tpu.memory_space<semaphore_mem>>, %arg10: memref<!tpu.dma_semaphore, #tpu.memory_space<semaphore_mem>>, %arg11: memref<!tpu.dma_semaphore, #tpu.memory_space<semaphore_mem>>, %arg12: memref<!tpu.dma_semaphore, #tpu.memory_space<semaphore_mem>>) attributes {dimension_semantics = [#tpu.dimension_semantics<core_parallel>, #tpu.dimension_semantics<subcore_parallel>], iteration_bounds = array<i64: 2, 16>, scalar_prefetch = 0 : i64, scratch_operands = 7 : i64, tpu.core_type = #tpu.core_type<sc_vector_subcore>, window_params = [{transform_indices = #map}, {transform_indices = #map1}, {transform_indices = #map1}, {transform_indices = #map}]} {
    %mul3A = arith.constant 2 : i32
    %mul3A_0 = arith.muli %arg1, %mul3A : i32
    %add3A = arith.addi %mul3A_0, %arg0 : i32
    %mul3A_1 = arith.constant 626 : i32
    %mul3A_2 = arith.muli %arg1, %mul3A_1 : i32
    "tpu.region"() ({
      %run_scoped3A = tpu.sem_alloc : memref<!tpu.dma_semaphore, #tpu.memory_space<semaphore_mem>>
      %dma_start3A_67 = arith.constant 0 : i32
      %dma_start3A_68 = tpu.memref_slice %arg8[%mul3A_2, %dma_start3A_67] : memref<10016x8xf32, #tpu.memory_space<vmem_shared>> -> memref<626x8xf32, #tpu.memory_space<vmem_shared>>
      tpu.enqueue_dma source(%arg4 : memref<626x8xf32, #tpu.memory_space<hbm>>) target(%dma_start3A_68 : memref<626x8xf32, #tpu.memory_space<vmem_shared>>) target_semaphore(%run_scoped3A : memref<!tpu.dma_semaphore, #tpu.memory_space<semaphore_mem>>)
      %dma_wait3A_69 = arith.constant 0 : i32
      %dma_wait3A_70 = tpu.memref_slice %arg8[%mul3A_2, %dma_wait3A_69] : memref<10016x8xf32, #tpu.memory_space<vmem_shared>> -> memref<626x8xf32, #tpu.memory_space<vmem_shared>>
      tpu.wait_dma2 semaphore(%run_scoped3A : memref<!tpu.dma_semaphore, #tpu.memory_space<semaphore_mem>>) src(%arg4 : memref<626x8xf32, #tpu.memory_space<hbm>>) dst(%dma_wait3A_70 : memref<626x8xf32, #tpu.memory_space<vmem_shared>>)
      tpu.yield
    }) : () -> ()
    "tpu.region"() ({
      %run_scoped3A = tpu.sem_alloc : memref<!tpu.dma_semaphore, #tpu.memory_space<semaphore_mem>>
      tpu.enqueue_dma source(%arg3 : memref<128x8xf32, #tpu.memory_space<hbm>>) target(%arg7 : memref<128x8xf32, #tpu.memory_space<vmem>>) target_semaphore(%run_scoped3A : memref<!tpu.dma_semaphore, #tpu.memory_space<semaphore_mem>>)
      tpu.wait_dma2 semaphore(%run_scoped3A : memref<!tpu.dma_semaphore, #tpu.memory_space<semaphore_mem>>) src(%arg3 : memref<128x8xf32, #tpu.memory_space<hbm>>) dst(%arg7 : memref<128x8xf32, #tpu.memory_space<vmem>>)
      tpu.yield
    }) : () -> ()
    "tpu.region"() ({
      %run_scoped3A = tpu.sem_alloc : memref<!tpu.dma_semaphore, #tpu.memory_space<semaphore_mem>>
      %dma_start3A_67 = arith.constant 0 : i32
      %dma_start3A_68 = arith.constant 0 : i32
      %dma_start3A_69 = tpu.memref_slice %arg2[%add3A, %dma_start3A_67, %dma_start3A_68] : memref<32x80x128xi32, #tpu.memory_space<hbm>> -> memref<1x80x128xi32, #tpu.memory_space<hbm>>
      %dma_start3A_70 = tpu.memref_squeeze %dma_start3A_69 : memref<1x80x128xi32, #tpu.memory_space<hbm>> -> memref<80x128xi32, #tpu.memory_space<hbm>>
      %dma_start3A_71 = arith.constant 0 : i32
      %dma_start3A_72 = arith.constant 0 : i32
      %dma_start3A_73 = tpu.memref_slice %arg2[%add3A, %dma_start3A_71, %dma_start3A_72] : memref<32x80x128xi32, #tpu.memory_space<hbm>> -> memref<1x80x128xi32, #tpu.memory_space<hbm>>
      %dma_start3A_74 = tpu.memref_squeeze %dma_start3A_73 : memref<1x80x128xi32, #tpu.memory_space<hbm>> -> memref<80x128xi32, #tpu.memory_space<hbm>>
      tpu.enqueue_dma source(%dma_start3A_74 : memref<80x128xi32, #tpu.memory_space<hbm>>) target(%arg6 : memref<80x128xi32, #tpu.memory_space<vmem>>) target_semaphore(%run_scoped3A : memref<!tpu.dma_semaphore, #tpu.memory_space<semaphore_mem>>)
      %dma_wait3A_75 = arith.constant 0 : i32
      %dma_wait3A_76 = arith.constant 0 : i32
      %dma_wait3A_77 = tpu.memref_slice %arg2[%add3A, %dma_wait3A_75, %dma_wait3A_76] : memref<32x80x128xi32, #tpu.memory_space<hbm>> -> memref<1x80x128xi32, #tpu.memory_space<hbm>>
      %dma_wait3A_78 = tpu.memref_squeeze %dma_wait3A_77 : memref<1x80x128xi32, #tpu.memory_space<hbm>> -> memref<80x128xi32, #tpu.memory_space<hbm>>
      %dma_wait3A_79 = arith.constant 0 : i32
      %dma_wait3A_80 = arith.constant 0 : i32
      %dma_wait3A_81 = tpu.memref_slice %arg2[%add3A, %dma_wait3A_79, %dma_wait3A_80] : memref<32x80x128xi32, #tpu.memory_space<hbm>> -> memref<1x80x128xi32, #tpu.memory_space<hbm>>
      %dma_wait3A_82 = tpu.memref_squeeze %dma_wait3A_81 : memref<1x80x128xi32, #tpu.memory_space<hbm>> -> memref<80x128xi32, #tpu.memory_space<hbm>>
      tpu.wait_dma2 semaphore(%run_scoped3A : memref<!tpu.dma_semaphore, #tpu.memory_space<semaphore_mem>>) src(%dma_wait3A_82 : memref<80x128xi32, #tpu.memory_space<hbm>>) dst(%arg6 : memref<80x128xi32, #tpu.memory_space<vmem>>)
      tpu.yield
    }) : () -> ()
    %barrier3A = arith.constant 0 : index
    tpu.barrier barrier_id(%barrier3A)
    %dma_start3A = arith.constant 0 : i32
    %dma_start3A_3 = arith.constant 0 : i32
    %dma_start3A_4 = tpu.memref_slice %arg6[%dma_start3A, %dma_start3A_3] : memref<80x128xi32, #tpu.memory_space<vmem>> -> memref<1x128xi32, #tpu.memory_space<vmem>>
    %dma_start3A_5 = tpu.memref_squeeze %dma_start3A_4 : memref<1x128xi32, #tpu.memory_space<vmem>> -> memref<128xi32, #tpu.memory_space<vmem>>
    %dma_start3A_6 = arith.constant 0 : i32
    %dma_start3A_7 = arith.constant 0 : i32
    %dma_start3A_8 = tpu.memref_slice %arg8[%dma_start3A_6, %dma_start3A_7] : memref<10016x8xf32, #tpu.memory_space<vmem_shared>> -> memref<10016x8xf32, #tpu.memory_space<vmem_shared>>
    tpu.enqueue_indirect_dma source(%arg7 : memref<128x8xf32, #tpu.memory_space<vmem>>) target(%dma_start3A_8 : memref<10016x8xf32, #tpu.memory_space<vmem_shared>>) offsets(%dma_start3A_5 : memref<128xi32, #tpu.memory_space<vmem>>) semaphore(%arg9 : memref<!tpu.dma_semaphore, #tpu.memory_space<semaphore_mem>>) {add = true}
    %dma_start3A_9 = arith.constant 1 : i32
    %dma_start3A_10 = arith.constant 0 : i32
    %dma_start3A_11 = tpu.memref_slice %arg6[%dma_start3A_9, %dma_start3A_10] : memref<80x128xi32, #tpu.memory_space<vmem>> -> memref<1x128xi32, #tpu.memory_space<vmem>>
    %dma_start3A_12 = tpu.memref_squeeze %dma_start3A_11 : memref<1x128xi32, #tpu.memory_space<vmem>> -> memref<128xi32, #tpu.memory_space<vmem>>
    %dma_start3A_13 = arith.constant 0 : i32
    %dma_start3A_14 = arith.constant 0 : i32
    %dma_start3A_15 = tpu.memref_slice %arg8[%dma_start3A_13, %dma_start3A_14] : memref<10016x8xf32, #tpu.memory_space<vmem_shared>> -> memref<10016x8xf32, #tpu.memory_space<vmem_shared>>
    tpu.enqueue_indirect_dma source(%arg7 : memref<128x8xf32, #tpu.memory_space<vmem>>) target(%dma_start3A_15 : memref<10016x8xf32, #tpu.memory_space<vmem_shared>>) offsets(%dma_start3A_12 : memref<128xi32, #tpu.memory_space<vmem>>) semaphore(%arg10 : memref<!tpu.dma_semaphore, #tpu.memory_space<semaphore_mem>>) {add = true}
    %dma_start3A_16 = arith.constant 2 : i32
    %dma_start3A_17 = arith.constant 0 : i32
    %dma_start3A_18 = tpu.memref_slice %arg6[%dma_start3A_16, %dma_start3A_17] : memref<80x128xi32, #tpu.memory_space<vmem>> -> memref<1x128xi32, #tpu.memory_space<vmem>>
    %dma_start3A_19 = tpu.memref_squeeze %dma_start3A_18 : memref<1x128xi32, #tpu.memory_space<vmem>> -> memref<128xi32, #tpu.memory_space<vmem>>
    %dma_start3A_20 = arith.constant 0 : i32
    %dma_start3A_21 = arith.constant 0 : i32
    %dma_start3A_22 = tpu.memref_slice %arg8[%dma_start3A_20, %dma_start3A_21] : memref<10016x8xf32, #tpu.memory_space<vmem_shared>> -> memref<10016x8xf32, #tpu.memory_space<vmem_shared>>
    tpu.enqueue_indirect_dma source(%arg7 : memref<128x8xf32, #tpu.memory_space<vmem>>) target(%dma_start3A_22 : memref<10016x8xf32, #tpu.memory_space<vmem_shared>>) offsets(%dma_start3A_19 : memref<128xi32, #tpu.memory_space<vmem>>) semaphore(%arg11 : memref<!tpu.dma_semaphore, #tpu.memory_space<semaphore_mem>>) {add = true}
    %dma_start3A_23 = arith.constant 3 : i32
    %dma_start3A_24 = arith.constant 0 : i32
    %dma_start3A_25 = tpu.memref_slice %arg6[%dma_start3A_23, %dma_start3A_24] : memref<80x128xi32, #tpu.memory_space<vmem>> -> memref<1x128xi32, #tpu.memory_space<vmem>>
    %dma_start3A_26 = tpu.memref_squeeze %dma_start3A_25 : memref<1x128xi32, #tpu.memory_space<vmem>> -> memref<128xi32, #tpu.memory_space<vmem>>
    %dma_start3A_27 = arith.constant 0 : i32
    %dma_start3A_28 = arith.constant 0 : i32
    %dma_start3A_29 = tpu.memref_slice %arg8[%dma_start3A_27, %dma_start3A_28] : memref<10016x8xf32, #tpu.memory_space<vmem_shared>> -> memref<10016x8xf32, #tpu.memory_space<vmem_shared>>
    tpu.enqueue_indirect_dma source(%arg7 : memref<128x8xf32, #tpu.memory_space<vmem>>) target(%dma_start3A_29 : memref<10016x8xf32, #tpu.memory_space<vmem_shared>>) offsets(%dma_start3A_26 : memref<128xi32, #tpu.memory_space<vmem>>) semaphore(%arg12 : memref<!tpu.dma_semaphore, #tpu.memory_space<semaphore_mem>>) {add = true}
    %scan3A = arith.constant 0 : i32
    %scan3A_30 = arith.constant 0 : i32
    %scan3A_31 = arith.constant 19 : i32
    %scan3A_32 = arith.addi %scan3A_30, %scan3A_31 : i32
    %scan3A_33 = arith.constant 1 : i32
    scf.for %scan3A_67 = %scan3A_30 to %scan3A_32 step %scan3A_33  : i32 {
      %add3A_68 = arith.constant 1 : i32
      %add3A_69 = arith.addi %scan3A_67, %add3A_68 : i32
      %mul3A_70 = arith.constant 4 : i32
      %mul3A_71 = arith.muli %add3A_69, %mul3A_70 : i32
      %add3A_72 = arith.constant 0 : i32
      %add3A_73 = arith.addi %mul3A_71, %add3A_72 : i32
      %dma_wait3A_74 = arith.constant 0 : i32
      %dma_wait3A_75 = arith.constant 0 : i32
      %dma_wait3A_76 = tpu.memref_slice %arg6[%dma_wait3A_74, %dma_wait3A_75] : memref<80x128xi32, #tpu.memory_space<vmem>> -> memref<1x128xi32, #tpu.memory_space<vmem>>
      %dma_wait3A_77 = tpu.memref_squeeze %dma_wait3A_76 : memref<1x128xi32, #tpu.memory_space<vmem>> -> memref<128xi32, #tpu.memory_space<vmem>>
      %dma_wait3A_78 = arith.constant 0 : i32
      %dma_wait3A_79 = arith.constant 0 : i32
      %dma_wait3A_80 = tpu.memref_slice %arg8[%dma_wait3A_78, %dma_wait3A_79] : memref<10016x8xf32, #tpu.memory_space<vmem_shared>> -> memref<10016x8xf32, #tpu.memory_space<vmem_shared>>
      tpu.wait_indirect_dma semaphore(%arg9 : memref<!tpu.dma_semaphore, #tpu.memory_space<semaphore_mem>>) src(%arg7 : memref<128x8xf32, #tpu.memory_space<vmem>>) dst(%dma_wait3A_80 : memref<10016x8xf32, #tpu.memory_space<vmem_shared>>)
      %dma_start3A_81 = arith.constant 0 : i32
      %dma_start3A_82 = tpu.memref_slice %arg6[%add3A_73, %dma_start3A_81] : memref<80x128xi32, #tpu.memory_space<vmem>> -> memref<1x128xi32, #tpu.memory_space<vmem>>
      %dma_start3A_83 = tpu.memref_squeeze %dma_start3A_82 : memref<1x128xi32, #tpu.memory_space<vmem>> -> memref<128xi32, #tpu.memory_space<vmem>>
      %dma_start3A_84 = arith.constant 0 : i32
      %dma_start3A_85 = arith.constant 0 : i32
      %dma_start3A_86 = tpu.memref_slice %arg8[%dma_start3A_84, %dma_start3A_85] : memref<10016x8xf32, #tpu.memory_space<vmem_shared>> -> memref<10016x8xf32, #tpu.memory_space<vmem_shared>>
      tpu.enqueue_indirect_dma source(%arg7 : memref<128x8xf32, #tpu.memory_space<vmem>>) target(%dma_start3A_86 : memref<10016x8xf32, #tpu.memory_space<vmem_shared>>) offsets(%dma_start3A_83 : memref<128xi32, #tpu.memory_space<vmem>>) semaphore(%arg9 : memref<!tpu.dma_semaphore, #tpu.memory_space<semaphore_mem>>) {add = true}
      %add3A_87 = arith.constant 1 : i32
      %add3A_88 = arith.addi %scan3A_67, %add3A_87 : i32
      %mul3A_89 = arith.constant 4 : i32
      %mul3A_90 = arith.muli %add3A_88, %mul3A_89 : i32
      %add3A_91 = arith.constant 1 : i32
      %add3A_92 = arith.addi %mul3A_90, %add3A_91 : i32
      %dma_wait3A_93 = arith.constant 0 : i32
      %dma_wait3A_94 = arith.constant 0 : i32
      %dma_wait3A_95 = tpu.memref_slice %arg6[%dma_wait3A_93, %dma_wait3A_94] : memref<80x128xi32, #tpu.memory_space<vmem>> -> memref<1x128xi32, #tpu.memory_space<vmem>>
      %dma_wait3A_96 = tpu.memref_squeeze %dma_wait3A_95 : memref<1x128xi32, #tpu.memory_space<vmem>> -> memref<128xi32, #tpu.memory_space<vmem>>
      %dma_wait3A_97 = arith.constant 0 : i32
      %dma_wait3A_98 = arith.constant 0 : i32
      %dma_wait3A_99 = tpu.memref_slice %arg8[%dma_wait3A_97, %dma_wait3A_98] : memref<10016x8xf32, #tpu.memory_space<vmem_shared>> -> memref<10016x8xf32, #tpu.memory_space<vmem_shared>>
      tpu.wait_indirect_dma semaphore(%arg10 : memref<!tpu.dma_semaphore, #tpu.memory_space<semaphore_mem>>) src(%arg7 : memref<128x8xf32, #tpu.memory_space<vmem>>) dst(%dma_wait3A_99 : memref<10016x8xf32, #tpu.memory_space<vmem_shared>>)
      %dma_start3A_100 = arith.constant 0 : i32
      %dma_start3A_101 = tpu.memref_slice %arg6[%add3A_92, %dma_start3A_100] : memref<80x128xi32, #tpu.memory_space<vmem>> -> memref<1x128xi32, #tpu.memory_space<vmem>>
      %dma_start3A_102 = tpu.memref_squeeze %dma_start3A_101 : memref<1x128xi32, #tpu.memory_space<vmem>> -> memref<128xi32, #tpu.memory_space<vmem>>
      %dma_start3A_103 = arith.constant 0 : i32
      %dma_start3A_104 = arith.constant 0 : i32
      %dma_start3A_105 = tpu.memref_slice %arg8[%dma_start3A_103, %dma_start3A_104] : memref<10016x8xf32, #tpu.memory_space<vmem_shared>> -> memref<10016x8xf32, #tpu.memory_space<vmem_shared>>
      tpu.enqueue_indirect_dma source(%arg7 : memref<128x8xf32, #tpu.memory_space<vmem>>) target(%dma_start3A_105 : memref<10016x8xf32, #tpu.memory_space<vmem_shared>>) offsets(%dma_start3A_102 : memref<128xi32, #tpu.memory_space<vmem>>) semaphore(%arg10 : memref<!tpu.dma_semaphore, #tpu.memory_space<semaphore_mem>>) {add = true}
      %add3A_106 = arith.constant 1 : i32
      %add3A_107 = arith.addi %scan3A_67, %add3A_106 : i32
      %mul3A_108 = arith.constant 4 : i32
      %mul3A_109 = arith.muli %add3A_107, %mul3A_108 : i32
      %add3A_110 = arith.constant 2 : i32
      %add3A_111 = arith.addi %mul3A_109, %add3A_110 : i32
      %dma_wait3A_112 = arith.constant 0 : i32
      %dma_wait3A_113 = arith.constant 0 : i32
      %dma_wait3A_114 = tpu.memref_slice %arg6[%dma_wait3A_112, %dma_wait3A_113] : memref<80x128xi32, #tpu.memory_space<vmem>> -> memref<1x128xi32, #tpu.memory_space<vmem>>
      %dma_wait3A_115 = tpu.memref_squeeze %dma_wait3A_114 : memref<1x128xi32, #tpu.memory_space<vmem>> -> memref<128xi32, #tpu.memory_space<vmem>>
      %dma_wait3A_116 = arith.constant 0 : i32
      %dma_wait3A_117 = arith.constant 0 : i32
      %dma_wait3A_118 = tpu.memref_slice %arg8[%dma_wait3A_116, %dma_wait3A_117] : memref<10016x8xf32, #tpu.memory_space<vmem_shared>> -> memref<10016x8xf32, #tpu.memory_space<vmem_shared>>
      tpu.wait_indirect_dma semaphore(%arg11 : memref<!tpu.dma_semaphore, #tpu.memory_space<semaphore_mem>>) src(%arg7 : memref<128x8xf32, #tpu.memory_space<vmem>>) dst(%dma_wait3A_118 : memref<10016x8xf32, #tpu.memory_space<vmem_shared>>)
      %dma_start3A_119 = arith.constant 0 : i32
      %dma_start3A_120 = tpu.memref_slice %arg6[%add3A_111, %dma_start3A_119] : memref<80x128xi32, #tpu.memory_space<vmem>> -> memref<1x128xi32, #tpu.memory_space<vmem>>
      %dma_start3A_121 = tpu.memref_squeeze %dma_start3A_120 : memref<1x128xi32, #tpu.memory_space<vmem>> -> memref<128xi32, #tpu.memory_space<vmem>>
      %dma_start3A_122 = arith.constant 0 : i32
      %dma_start3A_123 = arith.constant 0 : i32
      %dma_start3A_124 = tpu.memref_slice %arg8[%dma_start3A_122, %dma_start3A_123] : memref<10016x8xf32, #tpu.memory_space<vmem_shared>> -> memref<10016x8xf32, #tpu.memory_space<vmem_shared>>
      tpu.enqueue_indirect_dma source(%arg7 : memref<128x8xf32, #tpu.memory_space<vmem>>) target(%dma_start3A_124 : memref<10016x8xf32, #tpu.memory_space<vmem_shared>>) offsets(%dma_start3A_121 : memref<128xi32, #tpu.memory_space<vmem>>) semaphore(%arg11 : memref<!tpu.dma_semaphore, #tpu.memory_space<semaphore_mem>>) {add = true}
      %add3A_125 = arith.constant 1 : i32
      %add3A_126 = arith.addi %scan3A_67, %add3A_125 : i32
      %mul3A_127 = arith.constant 4 : i32
      %mul3A_128 = arith.muli %add3A_126, %mul3A_127 : i32
      %add3A_129 = arith.constant 3 : i32
      %add3A_130 = arith.addi %mul3A_128, %add3A_129 : i32
      %dma_wait3A_131 = arith.constant 0 : i32
      %dma_wait3A_132 = arith.constant 0 : i32
      %dma_wait3A_133 = tpu.memref_slice %arg6[%dma_wait3A_131, %dma_wait3A_132] : memref<80x128xi32, #tpu.memory_space<vmem>> -> memref<1x128xi32, #tpu.memory_space<vmem>>
      %dma_wait3A_134 = tpu.memref_squeeze %dma_wait3A_133 : memref<1x128xi32, #tpu.memory_space<vmem>> -> memref<128xi32, #tpu.memory_space<vmem>>
      %dma_wait3A_135 = arith.constant 0 : i32
      %dma_wait3A_136 = arith.constant 0 : i32
      %dma_wait3A_137 = tpu.memref_slice %arg8[%dma_wait3A_135, %dma_wait3A_136] : memref<10016x8xf32, #tpu.memory_space<vmem_shared>> -> memref<10016x8xf32, #tpu.memory_space<vmem_shared>>
      tpu.wait_indirect_dma semaphore(%arg12 : memref<!tpu.dma_semaphore, #tpu.memory_space<semaphore_mem>>) src(%arg7 : memref<128x8xf32, #tpu.memory_space<vmem>>) dst(%dma_wait3A_137 : memref<10016x8xf32, #tpu.memory_space<vmem_shared>>)
      %dma_start3A_138 = arith.constant 0 : i32
      %dma_start3A_139 = tpu.memref_slice %arg6[%add3A_130, %dma_start3A_138] : memref<80x128xi32, #tpu.memory_space<vmem>> -> memref<1x128xi32, #tpu.memory_space<vmem>>
      %dma_start3A_140 = tpu.memref_squeeze %dma_start3A_139 : memref<1x128xi32, #tpu.memory_space<vmem>> -> memref<128xi32, #tpu.memory_space<vmem>>
      %dma_start3A_141 = arith.constant 0 : i32
      %dma_start3A_142 = arith.constant 0 : i32
      %dma_start3A_143 = tpu.memref_slice %arg8[%dma_start3A_141, %dma_start3A_142] : memref<10016x8xf32, #tpu.memory_space<vmem_shared>> -> memref<10016x8xf32, #tpu.memory_space<vmem_shared>>
      tpu.enqueue_indirect_dma source(%arg7 : memref<128x8xf32, #tpu.memory_space<vmem>>) target(%dma_start3A_143 : memref<10016x8xf32, #tpu.memory_space<vmem_shared>>) offsets(%dma_start3A_140 : memref<128xi32, #tpu.memory_space<vmem>>) semaphore(%arg12 : memref<!tpu.dma_semaphore, #tpu.memory_space<semaphore_mem>>) {add = true}
    }
    %scan3A_34 = arith.constant 19 : i32
    %dma_wait3A = arith.constant 0 : i32
    %dma_wait3A_35 = arith.constant 0 : i32
    %dma_wait3A_36 = tpu.memref_slice %arg6[%dma_wait3A, %dma_wait3A_35] : memref<80x128xi32, #tpu.memory_space<vmem>> -> memref<1x128xi32, #tpu.memory_space<vmem>>
    %dma_wait3A_37 = tpu.memref_squeeze %dma_wait3A_36 : memref<1x128xi32, #tpu.memory_space<vmem>> -> memref<128xi32, #tpu.memory_space<vmem>>
    %dma_wait3A_38 = arith.constant 0 : i32
    %dma_wait3A_39 = arith.constant 0 : i32
    %dma_wait3A_40 = tpu.memref_slice %arg8[%dma_wait3A_38, %dma_wait3A_39] : memref<10016x8xf32, #tpu.memory_space<vmem_shared>> -> memref<10016x8xf32, #tpu.memory_space<vmem_shared>>
    tpu.wait_indirect_dma semaphore(%arg9 : memref<!tpu.dma_semaphore, #tpu.memory_space<semaphore_mem>>) src(%arg7 : memref<128x8xf32, #tpu.memory_space<vmem>>) dst(%dma_wait3A_40 : memref<10016x8xf32, #tpu.memory_space<vmem_shared>>)
    %dma_wait3A_41 = arith.constant 0 : i32
    %dma_wait3A_42 = arith.constant 0 : i32
    %dma_wait3A_43 = tpu.memref_slice %arg6[%dma_wait3A_41, %dma_wait3A_42] : memref<80x128xi32, #tpu.memory_space<vmem>> -> memref<1x128xi32, #tpu.memory_space<vmem>>
    %dma_wait3A_44 = tpu.memref_squeeze %dma_wait3A_43 : memref<1x128xi32, #tpu.memory_space<vmem>> -> memref<128xi32, #tpu.memory_space<vmem>>
    %dma_wait3A_45 = arith.constant 0 : i32
    %dma_wait3A_46 = arith.constant 0 : i32
    %dma_wait3A_47 = tpu.memref_slice %arg8[%dma_wait3A_45, %dma_wait3A_46] : memref<10016x8xf32, #tpu.memory_space<vmem_shared>> -> memref<10016x8xf32, #tpu.memory_space<vmem_shared>>
    tpu.wait_indirect_dma semaphore(%arg10 : memref<!tpu.dma_semaphore, #tpu.memory_space<semaphore_mem>>) src(%arg7 : memref<128x8xf32, #tpu.memory_space<vmem>>) dst(%dma_wait3A_47 : memref<10016x8xf32, #tpu.memory_space<vmem_shared>>)
    %dma_wait3A_48 = arith.constant 0 : i32
    %dma_wait3A_49 = arith.constant 0 : i32
    %dma_wait3A_50 = tpu.memref_slice %arg6[%dma_wait3A_48, %dma_wait3A_49] : memref<80x128xi32, #tpu.memory_space<vmem>> -> memref<1x128xi32, #tpu.memory_space<vmem>>
    %dma_wait3A_51 = tpu.memref_squeeze %dma_wait3A_50 : memref<1x128xi32, #tpu.memory_space<vmem>> -> memref<128xi32, #tpu.memory_space<vmem>>
    %dma_wait3A_52 = arith.constant 0 : i32
    %dma_wait3A_53 = arith.constant 0 : i32
    %dma_wait3A_54 = tpu.memref_slice %arg8[%dma_wait3A_52, %dma_wait3A_53] : memref<10016x8xf32, #tpu.memory_space<vmem_shared>> -> memref<10016x8xf32, #tpu.memory_space<vmem_shared>>
    tpu.wait_indirect_dma semaphore(%arg11 : memref<!tpu.dma_semaphore, #tpu.memory_space<semaphore_mem>>) src(%arg7 : memref<128x8xf32, #tpu.memory_space<vmem>>) dst(%dma_wait3A_54 : memref<10016x8xf32, #tpu.memory_space<vmem_shared>>)
    %dma_wait3A_55 = arith.constant 0 : i32
    %dma_wait3A_56 = arith.constant 0 : i32
    %dma_wait3A_57 = tpu.memref_slice %arg6[%dma_wait3A_55, %dma_wait3A_56] : memref<80x128xi32, #tpu.memory_space<vmem>> -> memref<1x128xi32, #tpu.memory_space<vmem>>
    %dma_wait3A_58 = tpu.memref_squeeze %dma_wait3A_57 : memref<1x128xi32, #tpu.memory_space<vmem>> -> memref<128xi32, #tpu.memory_space<vmem>>
    %dma_wait3A_59 = arith.constant 0 : i32
    %dma_wait3A_60 = arith.constant 0 : i32
    %dma_wait3A_61 = tpu.memref_slice %arg8[%dma_wait3A_59, %dma_wait3A_60] : memref<10016x8xf32, #tpu.memory_space<vmem_shared>> -> memref<10016x8xf32, #tpu.memory_space<vmem_shared>>
    tpu.wait_indirect_dma semaphore(%arg12 : memref<!tpu.dma_semaphore, #tpu.memory_space<semaphore_mem>>) src(%arg7 : memref<128x8xf32, #tpu.memory_space<vmem>>) dst(%dma_wait3A_61 : memref<10016x8xf32, #tpu.memory_space<vmem_shared>>)
    %barrier3A_62 = arith.constant 0 : index
    tpu.barrier barrier_id(%barrier3A_62)
    %mul3A_63 = arith.constant 626 : i32
    %mul3A_64 = arith.muli %arg1, %mul3A_63 : i32
    %mul3A_65 = arith.constant 626 : i32
    %mul3A_66 = arith.muli %arg1, %mul3A_65 : i32
    "tpu.region"() ({
      %run_scoped3A = tpu.sem_alloc : memref<!tpu.dma_semaphore, #tpu.memory_space<semaphore_mem>>
      %dma_start3A_67 = arith.constant 0 : i32
      %dma_start3A_68 = tpu.memref_slice %arg5[%arg0, %mul3A_66, %dma_start3A_67] : memref<2x10016x8xf32, #tpu.memory_space<hbm>> -> memref<1x626x8xf32, #tpu.memory_space<hbm>>
      %dma_start3A_69 = tpu.memref_squeeze %dma_start3A_68 : memref<1x626x8xf32, #tpu.memory_space<hbm>> -> memref<626x8xf32, #tpu.memory_space<hbm>>
      %dma_start3A_70 = arith.constant 0 : i32
      %dma_start3A_71 = tpu.memref_slice %arg8[%mul3A_64, %dma_start3A_70] : memref<10016x8xf32, #tpu.memory_space<vmem_shared>> -> memref<626x8xf32, #tpu.memory_space<vmem_shared>>
      tpu.enqueue_dma source(%dma_start3A_71 : memref<626x8xf32, #tpu.memory_space<vmem_shared>>) target(%dma_start3A_69 : memref<626x8xf32, #tpu.memory_space<hbm>>) target_semaphore(%run_scoped3A : memref<!tpu.dma_semaphore, #tpu.memory_space<semaphore_mem>>)
      %dma_wait3A_72 = arith.constant 0 : i32
      %dma_wait3A_73 = tpu.memref_slice %arg5[%arg0, %mul3A_66, %dma_wait3A_72] : memref<2x10016x8xf32, #tpu.memory_space<hbm>> -> memref<1x626x8xf32, #tpu.memory_space<hbm>>
      %dma_wait3A_74 = tpu.memref_squeeze %dma_wait3A_73 : memref<1x626x8xf32, #tpu.memory_space<hbm>> -> memref<626x8xf32, #tpu.memory_space<hbm>>
      %dma_wait3A_75 = arith.constant 0 : i32
      %dma_wait3A_76 = tpu.memref_slice %arg8[%mul3A_64, %dma_wait3A_75] : memref<10016x8xf32, #tpu.memory_space<vmem_shared>> -> memref<626x8xf32, #tpu.memory_space<vmem_shared>>
      tpu.wait_dma2 semaphore(%run_scoped3A : memref<!tpu.dma_semaphore, #tpu.memory_space<semaphore_mem>>) src(%dma_wait3A_76 : memref<626x8xf32, #tpu.memory_space<vmem_shared>>) dst(%dma_wait3A_74 : memref<626x8xf32, #tpu.memory_space<hbm>>)
      tpu.yield
    }) : () -> ()
    return
  }
}

#map = affine_map<(d0, d1) -> (0, 0)>
#map1 = affine_map<(d0, d1) -> (0, 0, 0)>
module attributes {stable_mosaic.version = 14 : i64} {
  func.func @_scatter_body(%arg0: i32, %arg1: i32, %arg2: memref<10000x64xf32, #tpu.memory_space<hbm>>, %arg3: memref<16x160x128xi32, #tpu.memory_space<hbm>>, %arg4: memref<16x160x128xi32, #tpu.memory_space<hbm>>, %arg5: memref<626x32xf32, #tpu.memory_space<hbm>>, %arg6: memref<10016x64xf32, #tpu.memory_space<hbm>>, %arg7: memref<160x128xi32, #tpu.memory_space<vmem>>, %arg8: memref<160x128xi32, #tpu.memory_space<vmem>>, %arg9: memref<4x128x32xf32, #tpu.memory_space<vmem>>, %arg10: memref<10016x32xf32, #tpu.memory_space<vmem_shared>>, %arg11: memref<10000x32xf32, #tpu.memory_space<vmem_shared>>, %arg12: memref<!tpu.dma_semaphore, #tpu.memory_space<semaphore_mem>>, %arg13: memref<!tpu.dma_semaphore, #tpu.memory_space<semaphore_mem>>, %arg14: memref<!tpu.dma_semaphore, #tpu.memory_space<semaphore_mem>>, %arg15: memref<!tpu.dma_semaphore, #tpu.memory_space<semaphore_mem>>, %arg16: memref<!tpu.dma_semaphore, #tpu.memory_space<semaphore_mem>>, %arg17: memref<!tpu.dma_semaphore, #tpu.memory_space<semaphore_mem>>, %arg18: memref<!tpu.dma_semaphore, #tpu.memory_space<semaphore_mem>>, %arg19: memref<!tpu.dma_semaphore, #tpu.memory_space<semaphore_mem>>) attributes {dimension_semantics = [#tpu.dimension_semantics<core_parallel>, #tpu.dimension_semantics<subcore_parallel>], iteration_bounds = array<i64: 2, 16>, scalar_prefetch = 0 : i64, scratch_operands = 13 : i64, tpu.core_type = #tpu.core_type<sc_vector_subcore>, window_params = [{transform_indices = #map}, {transform_indices = #map1}, {transform_indices = #map1}, {transform_indices = #map}, {transform_indices = #map}]} {
    %mul3A = arith.constant 32 : i32
    %mul3A_0 = arith.muli %arg0, %mul3A : i32
    %mul3A_1 = arith.constant 626 : i32
    %mul3A_2 = arith.muli %arg1, %mul3A_1 : i32
    "tpu.region"() ({
      %run_scoped3A = tpu.sem_alloc : memref<!tpu.dma_semaphore, #tpu.memory_space<semaphore_mem>>
      %dma_start3A_75 = arith.constant 0 : i32
      %dma_start3A_76 = tpu.memref_slice %arg10[%mul3A_2, %dma_start3A_75] : memref<10016x32xf32, #tpu.memory_space<vmem_shared>> -> memref<626x32xf32, #tpu.memory_space<vmem_shared>>
      tpu.enqueue_dma source(%arg5 : memref<626x32xf32, #tpu.memory_space<hbm>>) target(%dma_start3A_76 : memref<626x32xf32, #tpu.memory_space<vmem_shared>>) target_semaphore(%run_scoped3A : memref<!tpu.dma_semaphore, #tpu.memory_space<semaphore_mem>>)
      %dma_wait3A_77 = arith.constant 0 : i32
      %dma_wait3A_78 = tpu.memref_slice %arg10[%mul3A_2, %dma_wait3A_77] : memref<10016x32xf32, #tpu.memory_space<vmem_shared>> -> memref<626x32xf32, #tpu.memory_space<vmem_shared>>
      tpu.wait_dma2 semaphore(%run_scoped3A : memref<!tpu.dma_semaphore, #tpu.memory_space<semaphore_mem>>) src(%arg5 : memref<626x32xf32, #tpu.memory_space<hbm>>) dst(%dma_wait3A_78 : memref<626x32xf32, #tpu.memory_space<vmem_shared>>)
      tpu.yield
    }) : () -> ()
    "tpu.region"() ({
      %run_scoped3A = tpu.sem_alloc : memref<!tpu.dma_semaphore, #tpu.memory_space<semaphore_mem>>
      %dma_start3A_75 = arith.constant 0 : i32
      %dma_start3A_76 = arith.constant 0 : i32
      %dma_start3A_77 = tpu.memref_slice %arg3[%arg1, %dma_start3A_75, %dma_start3A_76] : memref<16x160x128xi32, #tpu.memory_space<hbm>> -> memref<1x160x128xi32, #tpu.memory_space<hbm>>
      %dma_start3A_78 = tpu.memref_squeeze %dma_start3A_77 : memref<1x160x128xi32, #tpu.memory_space<hbm>> -> memref<160x128xi32, #tpu.memory_space<hbm>>
      %dma_start3A_79 = arith.constant 0 : i32
      %dma_start3A_80 = arith.constant 0 : i32
      %dma_start3A_81 = tpu.memref_slice %arg3[%arg1, %dma_start3A_79, %dma_start3A_80] : memref<16x160x128xi32, #tpu.memory_space<hbm>> -> memref<1x160x128xi32, #tpu.memory_space<hbm>>
      %dma_start3A_82 = tpu.memref_squeeze %dma_start3A_81 : memref<1x160x128xi32, #tpu.memory_space<hbm>> -> memref<160x128xi32, #tpu.memory_space<hbm>>
      tpu.enqueue_dma source(%dma_start3A_82 : memref<160x128xi32, #tpu.memory_space<hbm>>) target(%arg7 : memref<160x128xi32, #tpu.memory_space<vmem>>) target_semaphore(%run_scoped3A : memref<!tpu.dma_semaphore, #tpu.memory_space<semaphore_mem>>)
      %dma_wait3A_83 = arith.constant 0 : i32
      %dma_wait3A_84 = arith.constant 0 : i32
      %dma_wait3A_85 = tpu.memref_slice %arg3[%arg1, %dma_wait3A_83, %dma_wait3A_84] : memref<16x160x128xi32, #tpu.memory_space<hbm>> -> memref<1x160x128xi32, #tpu.memory_space<hbm>>
      %dma_wait3A_86 = tpu.memref_squeeze %dma_wait3A_85 : memref<1x160x128xi32, #tpu.memory_space<hbm>> -> memref<160x128xi32, #tpu.memory_space<hbm>>
      %dma_wait3A_87 = arith.constant 0 : i32
      %dma_wait3A_88 = arith.constant 0 : i32
      %dma_wait3A_89 = tpu.memref_slice %arg3[%arg1, %dma_wait3A_87, %dma_wait3A_88] : memref<16x160x128xi32, #tpu.memory_space<hbm>> -> memref<1x160x128xi32, #tpu.memory_space<hbm>>
      %dma_wait3A_90 = tpu.memref_squeeze %dma_wait3A_89 : memref<1x160x128xi32, #tpu.memory_space<hbm>> -> memref<160x128xi32, #tpu.memory_space<hbm>>
      tpu.wait_dma2 semaphore(%run_scoped3A : memref<!tpu.dma_semaphore, #tpu.memory_space<semaphore_mem>>) src(%dma_wait3A_90 : memref<160x128xi32, #tpu.memory_space<hbm>>) dst(%arg7 : memref<160x128xi32, #tpu.memory_space<vmem>>)
      tpu.yield
    }) : () -> ()
    "tpu.region"() ({
      %run_scoped3A = tpu.sem_alloc : memref<!tpu.dma_semaphore, #tpu.memory_space<semaphore_mem>>
      %dma_start3A_75 = arith.constant 0 : i32
      %dma_start3A_76 = arith.constant 0 : i32
      %dma_start3A_77 = tpu.memref_slice %arg4[%arg1, %dma_start3A_75, %dma_start3A_76] : memref<16x160x128xi32, #tpu.memory_space<hbm>> -> memref<1x160x128xi32, #tpu.memory_space<hbm>>
      %dma_start3A_78 = tpu.memref_squeeze %dma_start3A_77 : memref<1x160x128xi32, #tpu.memory_space<hbm>> -> memref<160x128xi32, #tpu.memory_space<hbm>>
      %dma_start3A_79 = arith.constant 0 : i32
      %dma_start3A_80 = arith.constant 0 : i32
      %dma_start3A_81 = tpu.memref_slice %arg4[%arg1, %dma_start3A_79, %dma_start3A_80] : memref<16x160x128xi32, #tpu.memory_space<hbm>> -> memref<1x160x128xi32, #tpu.memory_space<hbm>>
      %dma_start3A_82 = tpu.memref_squeeze %dma_start3A_81 : memref<1x160x128xi32, #tpu.memory_space<hbm>> -> memref<160x128xi32, #tpu.memory_space<hbm>>
      tpu.enqueue_dma source(%dma_start3A_82 : memref<160x128xi32, #tpu.memory_space<hbm>>) target(%arg8 : memref<160x128xi32, #tpu.memory_space<vmem>>) target_semaphore(%run_scoped3A : memref<!tpu.dma_semaphore, #tpu.memory_space<semaphore_mem>>)
      %dma_wait3A_83 = arith.constant 0 : i32
      %dma_wait3A_84 = arith.constant 0 : i32
      %dma_wait3A_85 = tpu.memref_slice %arg4[%arg1, %dma_wait3A_83, %dma_wait3A_84] : memref<16x160x128xi32, #tpu.memory_space<hbm>> -> memref<1x160x128xi32, #tpu.memory_space<hbm>>
      %dma_wait3A_86 = tpu.memref_squeeze %dma_wait3A_85 : memref<1x160x128xi32, #tpu.memory_space<hbm>> -> memref<160x128xi32, #tpu.memory_space<hbm>>
      %dma_wait3A_87 = arith.constant 0 : i32
      %dma_wait3A_88 = arith.constant 0 : i32
      %dma_wait3A_89 = tpu.memref_slice %arg4[%arg1, %dma_wait3A_87, %dma_wait3A_88] : memref<16x160x128xi32, #tpu.memory_space<hbm>> -> memref<1x160x128xi32, #tpu.memory_space<hbm>>
      %dma_wait3A_90 = tpu.memref_squeeze %dma_wait3A_89 : memref<1x160x128xi32, #tpu.memory_space<hbm>> -> memref<160x128xi32, #tpu.memory_space<hbm>>
      tpu.wait_dma2 semaphore(%run_scoped3A : memref<!tpu.dma_semaphore, #tpu.memory_space<semaphore_mem>>) src(%dma_wait3A_90 : memref<160x128xi32, #tpu.memory_space<hbm>>) dst(%arg8 : memref<160x128xi32, #tpu.memory_space<vmem>>)
      tpu.yield
    }) : () -> ()
    %mul3A_3 = arith.constant 625 : i32
    %mul3A_4 = arith.muli %arg1, %mul3A_3 : i32
    %mul3A_5 = arith.constant 625 : i32
    %mul3A_6 = arith.muli %arg1, %mul3A_5 : i32
    "tpu.region"() ({
      %run_scoped3A = tpu.sem_alloc : memref<!tpu.dma_semaphore, #tpu.memory_space<semaphore_mem>>
      %dma_start3A_75 = arith.constant 0 : i32
      %dma_start3A_76 = tpu.memref_slice %arg11[%mul3A_6, %dma_start3A_75] : memref<10000x32xf32, #tpu.memory_space<vmem_shared>> -> memref<625x32xf32, #tpu.memory_space<vmem_shared>>
      %dma_start3A_77 = tpu.memref_slice %arg2[%mul3A_4, %mul3A_0] : memref<10000x64xf32, #tpu.memory_space<hbm>> -> memref<625x32xf32, #tpu.memory_space<hbm>>
      tpu.enqueue_dma source(%dma_start3A_77 : memref<625x32xf32, #tpu.memory_space<hbm>>) target(%dma_start3A_76 : memref<625x32xf32, #tpu.memory_space<vmem_shared>>) target_semaphore(%run_scoped3A : memref<!tpu.dma_semaphore, #tpu.memory_space<semaphore_mem>>)
      %dma_wait3A_78 = arith.constant 0 : i32
      %dma_wait3A_79 = tpu.memref_slice %arg11[%mul3A_6, %dma_wait3A_78] : memref<10000x32xf32, #tpu.memory_space<vmem_shared>> -> memref<625x32xf32, #tpu.memory_space<vmem_shared>>
      %dma_wait3A_80 = tpu.memref_slice %arg2[%mul3A_4, %mul3A_0] : memref<10000x64xf32, #tpu.memory_space<hbm>> -> memref<625x32xf32, #tpu.memory_space<hbm>>
      tpu.wait_dma2 semaphore(%run_scoped3A : memref<!tpu.dma_semaphore, #tpu.memory_space<semaphore_mem>>) src(%dma_wait3A_80 : memref<625x32xf32, #tpu.memory_space<hbm>>) dst(%dma_wait3A_79 : memref<625x32xf32, #tpu.memory_space<vmem_shared>>)
      tpu.yield
    }) : () -> ()
    %barrier3A = arith.constant 0 : index
    tpu.barrier barrier_id(%barrier3A)
    %dma_start3A = arith.constant 0 : i32
    %dma_start3A_7 = arith.constant 0 : i32
    %dma_start3A_8 = arith.constant 0 : i32
    %dma_start3A_9 = arith.constant 0 : i32
    %dma_start3A_10 = tpu.memref_slice %arg9[%dma_start3A_7, %dma_start3A_8, %dma_start3A_9] : memref<4x128x32xf32, #tpu.memory_space<vmem>> -> memref<1x128x32xf32, #tpu.memory_space<vmem>>
    %dma_start3A_11 = tpu.memref_squeeze %dma_start3A_10 : memref<1x128x32xf32, #tpu.memory_space<vmem>> -> memref<128x32xf32, #tpu.memory_space<vmem>>
    %dma_start3A_12 = arith.constant 0 : i32
    %dma_start3A_13 = tpu.memref_slice %arg7[%dma_start3A, %dma_start3A_12] : memref<160x128xi32, #tpu.memory_space<vmem>> -> memref<1x128xi32, #tpu.memory_space<vmem>>
    %dma_start3A_14 = tpu.memref_squeeze %dma_start3A_13 : memref<1x128xi32, #tpu.memory_space<vmem>> -> memref<128xi32, #tpu.memory_space<vmem>>
    %dma_start3A_15 = arith.constant 0 : i32
    %dma_start3A_16 = arith.constant 0 : i32
    %dma_start3A_17 = tpu.memref_slice %arg11[%dma_start3A_15, %dma_start3A_16] : memref<10000x32xf32, #tpu.memory_space<vmem_shared>> -> memref<10000x32xf32, #tpu.memory_space<vmem_shared>>
    tpu.enqueue_indirect_dma source(%dma_start3A_17 : memref<10000x32xf32, #tpu.memory_space<vmem_shared>>) target(%dma_start3A_11 : memref<128x32xf32, #tpu.memory_space<vmem>>) offsets(%dma_start3A_14 : memref<128xi32, #tpu.memory_space<vmem>>) semaphore(%arg12 : memref<!tpu.dma_semaphore, #tpu.memory_space<semaphore_mem>>)
    %dma_start3A_18 = arith.constant 1 : i32
    %dma_start3A_19 = arith.constant 1 : i32
    %dma_start3A_20 = arith.constant 0 : i32
    %dma_start3A_21 = arith.constant 0 : i32
    %dma_start3A_22 = tpu.memref_slice %arg9[%dma_start3A_19, %dma_start3A_20, %dma_start3A_21] : memref<4x128x32xf32, #tpu.memory_space<vmem>> -> memref<1x128x32xf32, #tpu.memory_space<vmem>>
    %dma_start3A_23 = tpu.memref_squeeze %dma_start3A_22 : memref<1x128x32xf32, #tpu.memory_space<vmem>> -> memref<128x32xf32, #tpu.memory_space<vmem>>
    %dma_start3A_24 = arith.constant 0 : i32
    %dma_start3A_25 = tpu.memref_slice %arg7[%dma_start3A_18, %dma_start3A_24] : memref<160x128xi32, #tpu.memory_space<vmem>> -> memref<1x128xi32, #tpu.memory_space<vmem>>
    %dma_start3A_26 = tpu.memref_squeeze %dma_start3A_25 : memref<1x128xi32, #tpu.memory_space<vmem>> -> memref<128xi32, #tpu.memory_space<vmem>>
    %dma_start3A_27 = arith.constant 0 : i32
    %dma_start3A_28 = arith.constant 0 : i32
    %dma_start3A_29 = tpu.memref_slice %arg11[%dma_start3A_27, %dma_start3A_28] : memref<10000x32xf32, #tpu.memory_space<vmem_shared>> -> memref<10000x32xf32, #tpu.memory_space<vmem_shared>>
    tpu.enqueue_indirect_dma source(%dma_start3A_29 : memref<10000x32xf32, #tpu.memory_space<vmem_shared>>) target(%dma_start3A_23 : memref<128x32xf32, #tpu.memory_space<vmem>>) offsets(%dma_start3A_26 : memref<128xi32, #tpu.memory_space<vmem>>) semaphore(%arg13 : memref<!tpu.dma_semaphore, #tpu.memory_space<semaphore_mem>>)
    %dma_start3A_30 = arith.constant 2 : i32
    %dma_start3A_31 = arith.constant 2 : i32
    %dma_start3A_32 = arith.constant 0 : i32
    %dma_start3A_33 = arith.constant 0 : i32
    %dma_start3A_34 = tpu.memref_slice %arg9[%dma_start3A_31, %dma_start3A_32, %dma_start3A_33] : memref<4x128x32xf32, #tpu.memory_space<vmem>> -> memref<1x128x32xf32, #tpu.memory_space<vmem>>
    %dma_start3A_35 = tpu.memref_squeeze %dma_start3A_34 : memref<1x128x32xf32, #tpu.memory_space<vmem>> -> memref<128x32xf32, #tpu.memory_space<vmem>>
    %dma_start3A_36 = arith.constant 0 : i32
    %dma_start3A_37 = tpu.memref_slice %arg7[%dma_start3A_30, %dma_start3A_36] : memref<160x128xi32, #tpu.memory_space<vmem>> -> memref<1x128xi32, #tpu.memory_space<vmem>>
    %dma_start3A_38 = tpu.memref_squeeze %dma_start3A_37 : memref<1x128xi32, #tpu.memory_space<vmem>> -> memref<128xi32, #tpu.memory_space<vmem>>
    %dma_start3A_39 = arith.constant 0 : i32
    %dma_start3A_40 = arith.constant 0 : i32
    %dma_start3A_41 = tpu.memref_slice %arg11[%dma_start3A_39, %dma_start3A_40] : memref<10000x32xf32, #tpu.memory_space<vmem_shared>> -> memref<10000x32xf32, #tpu.memory_space<vmem_shared>>
    tpu.enqueue_indirect_dma source(%dma_start3A_41 : memref<10000x32xf32, #tpu.memory_space<vmem_shared>>) target(%dma_start3A_35 : memref<128x32xf32, #tpu.memory_space<vmem>>) offsets(%dma_start3A_38 : memref<128xi32, #tpu.memory_space<vmem>>) semaphore(%arg14 : memref<!tpu.dma_semaphore, #tpu.memory_space<semaphore_mem>>)
    %dma_start3A_42 = arith.constant 3 : i32
    %dma_start3A_43 = arith.constant 3 : i32
    %dma_start3A_44 = arith.constant 0 : i32
    %dma_start3A_45 = arith.constant 0 : i32
    %dma_start3A_46 = tpu.memref_slice %arg9[%dma_start3A_43, %dma_start3A_44, %dma_start3A_45] : memref<4x128x32xf32, #tpu.memory_space<vmem>> -> memref<1x128x32xf32, #tpu.memory_space<vmem>>
    %dma_start3A_47 = tpu.memref_squeeze %dma_start3A_46 : memref<1x128x32xf32, #tpu.memory_space<vmem>> -> memref<128x32xf32, #tpu.memory_space<vmem>>
    %dma_start3A_48 = arith.constant 0 : i32
    %dma_start3A_49 = tpu.memref_slice %arg7[%dma_start3A_42, %dma_start3A_48] : memref<160x128xi32, #tpu.memory_space<vmem>> -> memref<1x128xi32, #tpu.memory_space<vmem>>
    %dma_start3A_50 = tpu.memref_squeeze %dma_start3A_49 : memref<1x128xi32, #tpu.memory_space<vmem>> -> memref<128xi32, #tpu.memory_space<vmem>>
    %dma_start3A_51 = arith.constant 0 : i32
    %dma_start3A_52 = arith.constant 0 : i32
    %dma_start3A_53 = tpu.memref_slice %arg11[%dma_start3A_51, %dma_start3A_52] : memref<10000x32xf32, #tpu.memory_space<vmem_shared>> -> memref<10000x32xf32, #tpu.memory_space<vmem_shared>>
    tpu.enqueue_indirect_dma source(%dma_start3A_53 : memref<10000x32xf32, #tpu.memory_space<vmem_shared>>) target(%dma_start3A_47 : memref<128x32xf32, #tpu.memory_space<vmem>>) offsets(%dma_start3A_50 : memref<128xi32, #tpu.memory_space<vmem>>) semaphore(%arg15 : memref<!tpu.dma_semaphore, #tpu.memory_space<semaphore_mem>>)
    %scan3A = arith.constant 0 : i32
    %scan3A_54 = arith.constant 0 : i32
    %scan3A_55 = arith.constant 40 : i32
    %scan3A_56 = arith.addi %scan3A_54, %scan3A_55 : i32
    %scan3A_57 = arith.constant 1 : i32
    scf.for %scan3A_75 = %scan3A_54 to %scan3A_56 step %scan3A_57  : i32 {
      %mul3A_76 = arith.constant 4 : i32
      %mul3A_77 = arith.muli %scan3A_75, %mul3A_76 : i32
      %add3A = arith.constant 0 : i32
      %add3A_78 = arith.addi %mul3A_77, %add3A : i32
      %dma_wait3A_79 = arith.constant 0 : i32
      %dma_wait3A_80 = arith.constant 0 : i32
      %dma_wait3A_81 = arith.constant 0 : i32
      %dma_wait3A_82 = tpu.memref_slice %arg9[%dma_wait3A_79, %dma_wait3A_80, %dma_wait3A_81] : memref<4x128x32xf32, #tpu.memory_space<vmem>> -> memref<1x128x32xf32, #tpu.memory_space<vmem>>
      %dma_wait3A_83 = tpu.memref_squeeze %dma_wait3A_82 : memref<1x128x32xf32, #tpu.memory_space<vmem>> -> memref<128x32xf32, #tpu.memory_space<vmem>>
      %dma_wait3A_84 = arith.constant 0 : i32
      %dma_wait3A_85 = tpu.memref_slice %arg7[%add3A_78, %dma_wait3A_84] : memref<160x128xi32, #tpu.memory_space<vmem>> -> memref<1x128xi32, #tpu.memory_space<vmem>>
      %dma_wait3A_86 = tpu.memref_squeeze %dma_wait3A_85 : memref<1x128xi32, #tpu.memory_space<vmem>> -> memref<128xi32, #tpu.memory_space<vmem>>
      %dma_wait3A_87 = arith.constant 0 : i32
      %dma_wait3A_88 = arith.constant 0 : i32
      %dma_wait3A_89 = tpu.memref_slice %arg11[%dma_wait3A_87, %dma_wait3A_88] : memref<10000x32xf32, #tpu.memory_space<vmem_shared>> -> memref<10000x32xf32, #tpu.memory_space<vmem_shared>>
      tpu.wait_indirect_dma semaphore(%arg12 : memref<!tpu.dma_semaphore, #tpu.memory_space<semaphore_mem>>) src(%dma_wait3A_89 : memref<10000x32xf32, #tpu.memory_space<vmem_shared>>) dst(%dma_wait3A_83 : memref<128x32xf32, #tpu.memory_space<vmem>>)
      %dma_start3A_90 = arith.constant 0 : i32
      %dma_start3A_91 = arith.constant 0 : i32
      %dma_start3A_92 = arith.constant 0 : i32
      %dma_start3A_93 = tpu.memref_slice %arg9[%dma_start3A_90, %dma_start3A_91, %dma_start3A_92] : memref<4x128x32xf32, #tpu.memory_space<vmem>> -> memref<1x128x32xf32, #tpu.memory_space<vmem>>
      %dma_start3A_94 = tpu.memref_squeeze %dma_start3A_93 : memref<1x128x32xf32, #tpu.memory_space<vmem>> -> memref<128x32xf32, #tpu.memory_space<vmem>>
      %dma_start3A_95 = arith.constant 0 : i32
      %dma_start3A_96 = tpu.memref_slice %arg8[%add3A_78, %dma_start3A_95] : memref<160x128xi32, #tpu.memory_space<vmem>> -> memref<1x128xi32, #tpu.memory_space<vmem>>
      %dma_start3A_97 = tpu.memref_squeeze %dma_start3A_96 : memref<1x128xi32, #tpu.memory_space<vmem>> -> memref<128xi32, #tpu.memory_space<vmem>>
      %dma_start3A_98 = arith.constant 0 : i32
      %dma_start3A_99 = arith.constant 0 : i32
      %dma_start3A_100 = tpu.memref_slice %arg10[%dma_start3A_98, %dma_start3A_99] : memref<10016x32xf32, #tpu.memory_space<vmem_shared>> -> memref<10016x32xf32, #tpu.memory_space<vmem_shared>>
      tpu.enqueue_indirect_dma source(%dma_start3A_94 : memref<128x32xf32, #tpu.memory_space<vmem>>) target(%dma_start3A_100 : memref<10016x32xf32, #tpu.memory_space<vmem_shared>>) offsets(%dma_start3A_97 : memref<128xi32, #tpu.memory_space<vmem>>) semaphore(%arg16 : memref<!tpu.dma_semaphore, #tpu.memory_space<semaphore_mem>>) {add = true}
      %add3A_101 = arith.constant 4 : i32
      %add3A_102 = arith.addi %add3A_78, %add3A_101 : i32
      %sub3A = arith.constant 1 : i32
      %sub3A_103 = arith.subi %add3A_102, %sub3A : i32
      %lt3A = arith.constant 160 : i32
      %lt3A_104 = arith.cmpi slt, %sub3A_103, %lt3A : i32
      %gt3A = arith.constant 0 : i32
      %gt3A_105 = arith.cmpi sgt, %scan3A_75, %gt3A : i32
      %convert_element_type3A = arith.extui %gt3A_105 : i1 to i32
      %cond3A = arith.constant 0 : i32
      %cond3A_106 = arith.cmpi ne, %convert_element_type3A, %cond3A : i32
      scf.if %cond3A_106 {
        %dma_wait3A_253 = arith.constant 3 : i32
        %dma_wait3A_254 = arith.constant 0 : i32
        %dma_wait3A_255 = arith.constant 0 : i32
        %dma_wait3A_256 = arith.constant 0 : i32
        %dma_wait3A_257 = tpu.memref_slice %arg9[%dma_wait3A_253, %dma_wait3A_255, %dma_wait3A_256] : memref<4x128x32xf32, #tpu.memory_space<vmem>> -> memref<1x128x32xf32, #tpu.memory_space<vmem>>
        %dma_wait3A_258 = tpu.memref_squeeze %dma_wait3A_257 : memref<1x128x32xf32, #tpu.memory_space<vmem>> -> memref<128x32xf32, #tpu.memory_space<vmem>>
        %dma_wait3A_259 = arith.constant 0 : i32
        %dma_wait3A_260 = tpu.memref_slice %arg8[%dma_wait3A_254, %dma_wait3A_259] : memref<160x128xi32, #tpu.memory_space<vmem>> -> memref<1x128xi32, #tpu.memory_space<vmem>>
        %dma_wait3A_261 = tpu.memref_squeeze %dma_wait3A_260 : memref<1x128xi32, #tpu.memory_space<vmem>> -> memref<128xi32, #tpu.memory_space<vmem>>
        %dma_wait3A_262 = arith.constant 0 : i32
        %dma_wait3A_263 = arith.constant 0 : i32
        %dma_wait3A_264 = tpu.memref_slice %arg10[%dma_wait3A_262, %dma_wait3A_263] : memref<10016x32xf32, #tpu.memory_space<vmem_shared>> -> memref<10016x32xf32, #tpu.memory_space<vmem_shared>>
        tpu.wait_indirect_dma semaphore(%arg19 : memref<!tpu.dma_semaphore, #tpu.memory_space<semaphore_mem>>) src(%dma_wait3A_258 : memref<128x32xf32, #tpu.memory_space<vmem>>) dst(%dma_wait3A_264 : memref<10016x32xf32, #tpu.memory_space<vmem_shared>>)
      } else {
      }
      %gt3A_107 = arith.constant 0 : i32
      %gt3A_108 = arith.cmpi sgt, %scan3A_75, %gt3A_107 : i32
      %and3A = arith.andi %gt3A_108, %lt3A_104 : i1
      %convert_element_type3A_109 = arith.extui %and3A : i1 to i32
      %cond3A_110 = arith.constant 0 : i32
      %cond3A_111 = arith.cmpi ne, %convert_element_type3A_109, %cond3A_110 : i32
      scf.if %cond3A_111 {
        %add3A_253 = arith.constant 4 : i32
        %add3A_254 = arith.addi %add3A_78, %add3A_253 : i32
        %sub3A_255 = arith.constant 1 : i32
        %sub3A_256 = arith.subi %add3A_254, %sub3A_255 : i32
        %dma_start3A_257 = arith.constant 3 : i32
        %dma_start3A_258 = arith.constant 0 : i32
        %dma_start3A_259 = arith.constant 0 : i32
        %dma_start3A_260 = tpu.memref_slice %arg9[%dma_start3A_257, %dma_start3A_258, %dma_start3A_259] : memref<4x128x32xf32, #tpu.memory_space<vmem>> -> memref<1x128x32xf32, #tpu.memory_space<vmem>>
        %dma_start3A_261 = tpu.memref_squeeze %dma_start3A_260 : memref<1x128x32xf32, #tpu.memory_space<vmem>> -> memref<128x32xf32, #tpu.memory_space<vmem>>
        %dma_start3A_262 = arith.constant 0 : i32
        %dma_start3A_263 = tpu.memref_slice %arg7[%sub3A_256, %dma_start3A_262] : memref<160x128xi32, #tpu.memory_space<vmem>> -> memref<1x128xi32, #tpu.memory_space<vmem>>
        %dma_start3A_264 = tpu.memref_squeeze %dma_start3A_263 : memref<1x128xi32, #tpu.memory_space<vmem>> -> memref<128xi32, #tpu.memory_space<vmem>>
        %dma_start3A_265 = arith.constant 0 : i32
        %dma_start3A_266 = arith.constant 0 : i32
        %dma_start3A_267 = tpu.memref_slice %arg11[%dma_start3A_265, %dma_start3A_266] : memref<10000x32xf32, #tpu.memory_space<vmem_shared>> -> memref<10000x32xf32, #tpu.memory_space<vmem_shared>>
        tpu.enqueue_indirect_dma source(%dma_start3A_267 : memref<10000x32xf32, #tpu.memory_space<vmem_shared>>) target(%dma_start3A_261 : memref<128x32xf32, #tpu.memory_space<vmem>>) offsets(%dma_start3A_264 : memref<128xi32, #tpu.memory_space<vmem>>) semaphore(%arg15 : memref<!tpu.dma_semaphore, #tpu.memory_space<semaphore_mem>>)
      } else {
      }
      %mul3A_112 = arith.constant 4 : i32
      %mul3A_113 = arith.muli %scan3A_75, %mul3A_112 : i32
      %add3A_114 = arith.constant 1 : i32
      %add3A_115 = arith.addi %mul3A_113, %add3A_114 : i32
      %dma_wait3A_116 = arith.constant 1 : i32
      %dma_wait3A_117 = arith.constant 0 : i32
      %dma_wait3A_118 = arith.constant 0 : i32
      %dma_wait3A_119 = tpu.memref_slice %arg9[%dma_wait3A_116, %dma_wait3A_117, %dma_wait3A_118] : memref<4x128x32xf32, #tpu.memory_space<vmem>> -> memref<1x128x32xf32, #tpu.memory_space<vmem>>
      %dma_wait3A_120 = tpu.memref_squeeze %dma_wait3A_119 : memref<1x128x32xf32, #tpu.memory_space<vmem>> -> memref<128x32xf32, #tpu.memory_space<vmem>>
      %dma_wait3A_121 = arith.constant 0 : i32
      %dma_wait3A_122 = tpu.memref_slice %arg7[%add3A_115, %dma_wait3A_121] : memref<160x128xi32, #tpu.memory_space<vmem>> -> memref<1x128xi32, #tpu.memory_space<vmem>>
      %dma_wait3A_123 = tpu.memref_squeeze %dma_wait3A_122 : memref<1x128xi32, #tpu.memory_space<vmem>> -> memref<128xi32, #tpu.memory_space<vmem>>
      %dma_wait3A_124 = arith.constant 0 : i32
      %dma_wait3A_125 = arith.constant 0 : i32
      %dma_wait3A_126 = tpu.memref_slice %arg11[%dma_wait3A_124, %dma_wait3A_125] : memref<10000x32xf32, #tpu.memory_space<vmem_shared>> -> memref<10000x32xf32, #tpu.memory_space<vmem_shared>>
      tpu.wait_indirect_dma semaphore(%arg13 : memref<!tpu.dma_semaphore, #tpu.memory_space<semaphore_mem>>) src(%dma_wait3A_126 : memref<10000x32xf32, #tpu.memory_space<vmem_shared>>) dst(%dma_wait3A_120 : memref<128x32xf32, #tpu.memory_space<vmem>>)
      %dma_start3A_127 = arith.constant 1 : i32
      %dma_start3A_128 = arith.constant 0 : i32
      %dma_start3A_129 = arith.constant 0 : i32
      %dma_start3A_130 = tpu.memref_slice %arg9[%dma_start3A_127, %dma_start3A_128, %dma_start3A_129] : memref<4x128x32xf32, #tpu.memory_space<vmem>> -> memref<1x128x32xf32, #tpu.memory_space<vmem>>
      %dma_start3A_131 = tpu.memref_squeeze %dma_start3A_130 : memref<1x128x32xf32, #tpu.memory_space<vmem>> -> memref<128x32xf32, #tpu.memory_space<vmem>>
      %dma_start3A_132 = arith.constant 0 : i32
      %dma_start3A_133 = tpu.memref_slice %arg8[%add3A_115, %dma_start3A_132] : memref<160x128xi32, #tpu.memory_space<vmem>> -> memref<1x128xi32, #tpu.memory_space<vmem>>
      %dma_start3A_134 = tpu.memref_squeeze %dma_start3A_133 : memref<1x128xi32, #tpu.memory_space<vmem>> -> memref<128xi32, #tpu.memory_space<vmem>>
      %dma_start3A_135 = arith.constant 0 : i32
      %dma_start3A_136 = arith.constant 0 : i32
      %dma_start3A_137 = tpu.memref_slice %arg10[%dma_start3A_135, %dma_start3A_136] : memref<10016x32xf32, #tpu.memory_space<vmem_shared>> -> memref<10016x32xf32, #tpu.memory_space<vmem_shared>>
      tpu.enqueue_indirect_dma source(%dma_start3A_131 : memref<128x32xf32, #tpu.memory_space<vmem>>) target(%dma_start3A_137 : memref<10016x32xf32, #tpu.memory_space<vmem_shared>>) offsets(%dma_start3A_134 : memref<128xi32, #tpu.memory_space<vmem>>) semaphore(%arg17 : memref<!tpu.dma_semaphore, #tpu.memory_space<semaphore_mem>>) {add = true}
      %add3A_138 = arith.constant 4 : i32
      %add3A_139 = arith.addi %add3A_115, %add3A_138 : i32
      %sub3A_140 = arith.constant 1 : i32
      %sub3A_141 = arith.subi %add3A_139, %sub3A_140 : i32
      %lt3A_142 = arith.constant 160 : i32
      %lt3A_143 = arith.cmpi slt, %sub3A_141, %lt3A_142 : i32
      %dma_wait3A_144 = arith.constant 0 : i32
      %dma_wait3A_145 = arith.constant 0 : i32
      %dma_wait3A_146 = arith.constant 0 : i32
      %dma_wait3A_147 = arith.constant 0 : i32
      %dma_wait3A_148 = tpu.memref_slice %arg9[%dma_wait3A_144, %dma_wait3A_146, %dma_wait3A_147] : memref<4x128x32xf32, #tpu.memory_space<vmem>> -> memref<1x128x32xf32, #tpu.memory_space<vmem>>
      %dma_wait3A_149 = tpu.memref_squeeze %dma_wait3A_148 : memref<1x128x32xf32, #tpu.memory_space<vmem>> -> memref<128x32xf32, #tpu.memory_space<vmem>>
      %dma_wait3A_150 = arith.constant 0 : i32
      %dma_wait3A_151 = tpu.memref_slice %arg8[%dma_wait3A_145, %dma_wait3A_150] : memref<160x128xi32, #tpu.memory_space<vmem>> -> memref<1x128xi32, #tpu.memory_space<vmem>>
      %dma_wait3A_152 = tpu.memref_squeeze %dma_wait3A_151 : memref<1x128xi32, #tpu.memory_space<vmem>> -> memref<128xi32, #tpu.memory_space<vmem>>
      %dma_wait3A_153 = arith.constant 0 : i32
      %dma_wait3A_154 = arith.constant 0 : i32
      %dma_wait3A_155 = tpu.memref_slice %arg10[%dma_wait3A_153, %dma_wait3A_154] : memref<10016x32xf32, #tpu.memory_space<vmem_shared>> -> memref<10016x32xf32, #tpu.memory_space<vmem_shared>>
      tpu.wait_indirect_dma semaphore(%arg16 : memref<!tpu.dma_semaphore, #tpu.memory_space<semaphore_mem>>) src(%dma_wait3A_149 : memref<128x32xf32, #tpu.memory_space<vmem>>) dst(%dma_wait3A_155 : memref<10016x32xf32, #tpu.memory_space<vmem_shared>>)
      %convert_element_type3A_156 = arith.extui %lt3A_143 : i1 to i32
      %cond3A_157 = arith.constant 0 : i32
      %cond3A_158 = arith.cmpi ne, %convert_element_type3A_156, %cond3A_157 : i32
      scf.if %cond3A_158 {
        %add3A_253 = arith.constant 4 : i32
        %add3A_254 = arith.addi %add3A_115, %add3A_253 : i32
        %sub3A_255 = arith.constant 1 : i32
        %sub3A_256 = arith.subi %add3A_254, %sub3A_255 : i32
        %dma_start3A_257 = arith.constant 0 : i32
        %dma_start3A_258 = arith.constant 0 : i32
        %dma_start3A_259 = arith.constant 0 : i32
        %dma_start3A_260 = tpu.memref_slice %arg9[%dma_start3A_257, %dma_start3A_258, %dma_start3A_259] : memref<4x128x32xf32, #tpu.memory_space<vmem>> -> memref<1x128x32xf32, #tpu.memory_space<vmem>>
        %dma_start3A_261 = tpu.memref_squeeze %dma_start3A_260 : memref<1x128x32xf32, #tpu.memory_space<vmem>> -> memref<128x32xf32, #tpu.memory_space<vmem>>
        %dma_start3A_262 = arith.constant 0 : i32
        %dma_start3A_263 = tpu.memref_slice %arg7[%sub3A_256, %dma_start3A_262] : memref<160x128xi32, #tpu.memory_space<vmem>> -> memref<1x128xi32, #tpu.memory_space<vmem>>
        %dma_start3A_264 = tpu.memref_squeeze %dma_start3A_263 : memref<1x128xi32, #tpu.memory_space<vmem>> -> memref<128xi32, #tpu.memory_space<vmem>>
        %dma_start3A_265 = arith.constant 0 : i32
        %dma_start3A_266 = arith.constant 0 : i32
        %dma_start3A_267 = tpu.memref_slice %arg11[%dma_start3A_265, %dma_start3A_266] : memref<10000x32xf32, #tpu.memory_space<vmem_shared>> -> memref<10000x32xf32, #tpu.memory_space<vmem_shared>>
        tpu.enqueue_indirect_dma source(%dma_start3A_267 : memref<10000x32xf32, #tpu.memory_space<vmem_shared>>) target(%dma_start3A_261 : memref<128x32xf32, #tpu.memory_space<vmem>>) offsets(%dma_start3A_264 : memref<128xi32, #tpu.memory_space<vmem>>) semaphore(%arg12 : memref<!tpu.dma_semaphore, #tpu.memory_space<semaphore_mem>>)
      } else {
      }
      %mul3A_159 = arith.constant 4 : i32
      %mul3A_160 = arith.muli %scan3A_75, %mul3A_159 : i32
      %add3A_161 = arith.constant 2 : i32
      %add3A_162 = arith.addi %mul3A_160, %add3A_161 : i32
      %dma_wait3A_163 = arith.constant 2 : i32
      %dma_wait3A_164 = arith.constant 0 : i32
      %dma_wait3A_165 = arith.constant 0 : i32
      %dma_wait3A_166 = tpu.memref_slice %arg9[%dma_wait3A_163, %dma_wait3A_164, %dma_wait3A_165] : memref<4x128x32xf32, #tpu.memory_space<vmem>> -> memref<1x128x32xf32, #tpu.memory_space<vmem>>
      %dma_wait3A_167 = tpu.memref_squeeze %dma_wait3A_166 : memref<1x128x32xf32, #tpu.memory_space<vmem>> -> memref<128x32xf32, #tpu.memory_space<vmem>>
      %dma_wait3A_168 = arith.constant 0 : i32
      %dma_wait3A_169 = tpu.memref_slice %arg7[%add3A_162, %dma_wait3A_168] : memref<160x128xi32, #tpu.memory_space<vmem>> -> memref<1x128xi32, #tpu.memory_space<vmem>>
      %dma_wait3A_170 = tpu.memref_squeeze %dma_wait3A_169 : memref<1x128xi32, #tpu.memory_space<vmem>> -> memref<128xi32, #tpu.memory_space<vmem>>
      %dma_wait3A_171 = arith.constant 0 : i32
      %dma_wait3A_172 = arith.constant 0 : i32
      %dma_wait3A_173 = tpu.memref_slice %arg11[%dma_wait3A_171, %dma_wait3A_172] : memref<10000x32xf32, #tpu.memory_space<vmem_shared>> -> memref<10000x32xf32, #tpu.memory_space<vmem_shared>>
      tpu.wait_indirect_dma semaphore(%arg14 : memref<!tpu.dma_semaphore, #tpu.memory_space<semaphore_mem>>) src(%dma_wait3A_173 : memref<10000x32xf32, #tpu.memory_space<vmem_shared>>) dst(%dma_wait3A_167 : memref<128x32xf32, #tpu.memory_space<vmem>>)
      %dma_start3A_174 = arith.constant 2 : i32
      %dma_start3A_175 = arith.constant 0 : i32
      %dma_start3A_176 = arith.constant 0 : i32
      %dma_start3A_177 = tpu.memref_slice %arg9[%dma_start3A_174, %dma_start3A_175, %dma_start3A_176] : memref<4x128x32xf32, #tpu.memory_space<vmem>> -> memref<1x128x32xf32, #tpu.memory_space<vmem>>
      %dma_start3A_178 = tpu.memref_squeeze %dma_start3A_177 : memref<1x128x32xf32, #tpu.memory_space<vmem>> -> memref<128x32xf32, #tpu.memory_space<vmem>>
      %dma_start3A_179 = arith.constant 0 : i32
      %dma_start3A_180 = tpu.memref_slice %arg8[%add3A_162, %dma_start3A_179] : memref<160x128xi32, #tpu.memory_space<vmem>> -> memref<1x128xi32, #tpu.memory_space<vmem>>
      %dma_start3A_181 = tpu.memref_squeeze %dma_start3A_180 : memref<1x128xi32, #tpu.memory_space<vmem>> -> memref<128xi32, #tpu.memory_space<vmem>>
      %dma_start3A_182 = arith.constant 0 : i32
      %dma_start3A_183 = arith.constant 0 : i32
      %dma_start3A_184 = tpu.memref_slice %arg10[%dma_start3A_182, %dma_start3A_183] : memref<10016x32xf32, #tpu.memory_space<vmem_shared>> -> memref<10016x32xf32, #tpu.memory_space<vmem_shared>>
      tpu.enqueue_indirect_dma source(%dma_start3A_178 : memref<128x32xf32, #tpu.memory_space<vmem>>) target(%dma_start3A_184 : memref<10016x32xf32, #tpu.memory_space<vmem_shared>>) offsets(%dma_start3A_181 : memref<128xi32, #tpu.memory_space<vmem>>) semaphore(%arg18 : memref<!tpu.dma_semaphore, #tpu.memory_space<semaphore_mem>>) {add = true}
      %add3A_185 = arith.constant 4 : i32
      %add3A_186 = arith.addi %add3A_162, %add3A_185 : i32
      %sub3A_187 = arith.constant 1 : i32
      %sub3A_188 = arith.subi %add3A_186, %sub3A_187 : i32
      %lt3A_189 = arith.constant 160 : i32
      %lt3A_190 = arith.cmpi slt, %sub3A_188, %lt3A_189 : i32
      %dma_wait3A_191 = arith.constant 1 : i32
      %dma_wait3A_192 = arith.constant 0 : i32
      %dma_wait3A_193 = arith.constant 0 : i32
      %dma_wait3A_194 = arith.constant 0 : i32
      %dma_wait3A_195 = tpu.memref_slice %arg9[%dma_wait3A_191, %dma_wait3A_193, %dma_wait3A_194] : memref<4x128x32xf32, #tpu.memory_space<vmem>> -> memref<1x128x32xf32, #tpu.memory_space<vmem>>
      %dma_wait3A_196 = tpu.memref_squeeze %dma_wait3A_195 : memref<1x128x32xf32, #tpu.memory_space<vmem>> -> memref<128x32xf32, #tpu.memory_space<vmem>>
      %dma_wait3A_197 = arith.constant 0 : i32
      %dma_wait3A_198 = tpu.memref_slice %arg8[%dma_wait3A_192, %dma_wait3A_197] : memref<160x128xi32, #tpu.memory_space<vmem>> -> memref<1x128xi32, #tpu.memory_space<vmem>>
      %dma_wait3A_199 = tpu.memref_squeeze %dma_wait3A_198 : memref<1x128xi32, #tpu.memory_space<vmem>> -> memref<128xi32, #tpu.memory_space<vmem>>
      %dma_wait3A_200 = arith.constant 0 : i32
      %dma_wait3A_201 = arith.constant 0 : i32
      %dma_wait3A_202 = tpu.memref_slice %arg10[%dma_wait3A_200, %dma_wait3A_201] : memref<10016x32xf32, #tpu.memory_space<vmem_shared>> -> memref<10016x32xf32, #tpu.memory_space<vmem_shared>>
      tpu.wait_indirect_dma semaphore(%arg17 : memref<!tpu.dma_semaphore, #tpu.memory_space<semaphore_mem>>) src(%dma_wait3A_196 : memref<128x32xf32, #tpu.memory_space<vmem>>) dst(%dma_wait3A_202 : memref<10016x32xf32, #tpu.memory_space<vmem_shared>>)
      %convert_element_type3A_203 = arith.extui %lt3A_190 : i1 to i32
      %cond3A_204 = arith.constant 0 : i32
      %cond3A_205 = arith.cmpi ne, %convert_element_type3A_203, %cond3A_204 : i32
      scf.if %cond3A_205 {
        %add3A_253 = arith.constant 4 : i32
        %add3A_254 = arith.addi %add3A_162, %add3A_253 : i32
        %sub3A_255 = arith.constant 1 : i32
        %sub3A_256 = arith.subi %add3A_254, %sub3A_255 : i32
        %dma_start3A_257 = arith.constant 1 : i32
        %dma_start3A_258 = arith.constant 0 : i32
        %dma_start3A_259 = arith.constant 0 : i32
        %dma_start3A_260 = tpu.memref_slice %arg9[%dma_start3A_257, %dma_start3A_258, %dma_start3A_259] : memref<4x128x32xf32, #tpu.memory_space<vmem>> -> memref<1x128x32xf32, #tpu.memory_space<vmem>>
        %dma_start3A_261 = tpu.memref_squeeze %dma_start3A_260 : memref<1x128x32xf32, #tpu.memory_space<vmem>> -> memref<128x32xf32, #tpu.memory_space<vmem>>
        %dma_start3A_262 = arith.constant 0 : i32
        %dma_start3A_263 = tpu.memref_slice %arg7[%sub3A_256, %dma_start3A_262] : memref<160x128xi32, #tpu.memory_space<vmem>> -> memref<1x128xi32, #tpu.memory_space<vmem>>
        %dma_start3A_264 = tpu.memref_squeeze %dma_start3A_263 : memref<1x128xi32, #tpu.memory_space<vmem>> -> memref<128xi32, #tpu.memory_space<vmem>>
        %dma_start3A_265 = arith.constant 0 : i32
        %dma_start3A_266 = arith.constant 0 : i32
        %dma_start3A_267 = tpu.memref_slice %arg11[%dma_start3A_265, %dma_start3A_266] : memref<10000x32xf32, #tpu.memory_space<vmem_shared>> -> memref<10000x32xf32, #tpu.memory_space<vmem_shared>>
        tpu.enqueue_indirect_dma source(%dma_start3A_267 : memref<10000x32xf32, #tpu.memory_space<vmem_shared>>) target(%dma_start3A_261 : memref<128x32xf32, #tpu.memory_space<vmem>>) offsets(%dma_start3A_264 : memref<128xi32, #tpu.memory_space<vmem>>) semaphore(%arg13 : memref<!tpu.dma_semaphore, #tpu.memory_space<semaphore_mem>>)
      } else {
      }
      %mul3A_206 = arith.constant 4 : i32
      %mul3A_207 = arith.muli %scan3A_75, %mul3A_206 : i32
      %add3A_208 = arith.constant 3 : i32
      %add3A_209 = arith.addi %mul3A_207, %add3A_208 : i32
      %dma_wait3A_210 = arith.constant 3 : i32
      %dma_wait3A_211 = arith.constant 0 : i32
      %dma_wait3A_212 = arith.constant 0 : i32
      %dma_wait3A_213 = tpu.memref_slice %arg9[%dma_wait3A_210, %dma_wait3A_211, %dma_wait3A_212] : memref<4x128x32xf32, #tpu.memory_space<vmem>> -> memref<1x128x32xf32, #tpu.memory_space<vmem>>
      %dma_wait3A_214 = tpu.memref_squeeze %dma_wait3A_213 : memref<1x128x32xf32, #tpu.memory_space<vmem>> -> memref<128x32xf32, #tpu.memory_space<vmem>>
      %dma_wait3A_215 = arith.constant 0 : i32
      %dma_wait3A_216 = tpu.memref_slice %arg7[%add3A_209, %dma_wait3A_215] : memref<160x128xi32, #tpu.memory_space<vmem>> -> memref<1x128xi32, #tpu.memory_space<vmem>>
      %dma_wait3A_217 = tpu.memref_squeeze %dma_wait3A_216 : memref<1x128xi32, #tpu.memory_space<vmem>> -> memref<128xi32, #tpu.memory_space<vmem>>
      %dma_wait3A_218 = arith.constant 0 : i32
      %dma_wait3A_219 = arith.constant 0 : i32
      %dma_wait3A_220 = tpu.memref_slice %arg11[%dma_wait3A_218, %dma_wait3A_219] : memref<10000x32xf32, #tpu.memory_space<vmem_shared>> -> memref<10000x32xf32, #tpu.memory_space<vmem_shared>>
      tpu.wait_indirect_dma semaphore(%arg15 : memref<!tpu.dma_semaphore, #tpu.memory_space<semaphore_mem>>) src(%dma_wait3A_220 : memref<10000x32xf32, #tpu.memory_space<vmem_shared>>) dst(%dma_wait3A_214 : memref<128x32xf32, #tpu.memory_space<vmem>>)
      %dma_start3A_221 = arith.constant 3 : i32
      %dma_start3A_222 = arith.constant 0 : i32
      %dma_start3A_223 = arith.constant 0 : i32
      %dma_start3A_224 = tpu.memref_slice %arg9[%dma_start3A_221, %dma_start3A_222, %dma_start3A_223] : memref<4x128x32xf32, #tpu.memory_space<vmem>> -> memref<1x128x32xf32, #tpu.memory_space<vmem>>
      %dma_start3A_225 = tpu.memref_squeeze %dma_start3A_224 : memref<1x128x32xf32, #tpu.memory_space<vmem>> -> memref<128x32xf32, #tpu.memory_space<vmem>>
      %dma_start3A_226 = arith.constant 0 : i32
      %dma_start3A_227 = tpu.memref_slice %arg8[%add3A_209, %dma_start3A_226] : memref<160x128xi32, #tpu.memory_space<vmem>> -> memref<1x128xi32, #tpu.memory_space<vmem>>
      %dma_start3A_228 = tpu.memref_squeeze %dma_start3A_227 : memref<1x128xi32, #tpu.memory_space<vmem>> -> memref<128xi32, #tpu.memory_space<vmem>>
      %dma_start3A_229 = arith.constant 0 : i32
      %dma_start3A_230 = arith.constant 0 : i32
      %dma_start3A_231 = tpu.memref_slice %arg10[%dma_start3A_229, %dma_start3A_230] : memref<10016x32xf32, #tpu.memory_space<vmem_shared>> -> memref<10016x32xf32, #tpu.memory_space<vmem_shared>>
      tpu.enqueue_indirect_dma source(%dma_start3A_225 : memref<128x32xf32, #tpu.memory_space<vmem>>) target(%dma_start3A_231 : memref<10016x32xf32, #tpu.memory_space<vmem_shared>>) offsets(%dma_start3A_228 : memref<128xi32, #tpu.memory_space<vmem>>) semaphore(%arg19 : memref<!tpu.dma_semaphore, #tpu.memory_space<semaphore_mem>>) {add = true}
      %add3A_232 = arith.constant 4 : i32
      %add3A_233 = arith.addi %add3A_209, %add3A_232 : i32
      %sub3A_234 = arith.constant 1 : i32
      %sub3A_235 = arith.subi %add3A_233, %sub3A_234 : i32
      %lt3A_236 = arith.constant 160 : i32
      %lt3A_237 = arith.cmpi slt, %sub3A_235, %lt3A_236 : i32
      %dma_wait3A_238 = arith.constant 2 : i32
      %dma_wait3A_239 = arith.constant 0 : i32
      %dma_wait3A_240 = arith.constant 0 : i32
      %dma_wait3A_241 = arith.constant 0 : i32
      %dma_wait3A_242 = tpu.memref_slice %arg9[%dma_wait3A_238, %dma_wait3A_240, %dma_wait3A_241] : memref<4x128x32xf32, #tpu.memory_space<vmem>> -> memref<1x128x32xf32, #tpu.memory_space<vmem>>
      %dma_wait3A_243 = tpu.memref_squeeze %dma_wait3A_242 : memref<1x128x32xf32, #tpu.memory_space<vmem>> -> memref<128x32xf32, #tpu.memory_space<vmem>>
      %dma_wait3A_244 = arith.constant 0 : i32
      %dma_wait3A_245 = tpu.memref_slice %arg8[%dma_wait3A_239, %dma_wait3A_244] : memref<160x128xi32, #tpu.memory_space<vmem>> -> memref<1x128xi32, #tpu.memory_space<vmem>>
      %dma_wait3A_246 = tpu.memref_squeeze %dma_wait3A_245 : memref<1x128xi32, #tpu.memory_space<vmem>> -> memref<128xi32, #tpu.memory_space<vmem>>
      %dma_wait3A_247 = arith.constant 0 : i32
      %dma_wait3A_248 = arith.constant 0 : i32
      %dma_wait3A_249 = tpu.memref_slice %arg10[%dma_wait3A_247, %dma_wait3A_248] : memref<10016x32xf32, #tpu.memory_space<vmem_shared>> -> memref<10016x32xf32, #tpu.memory_space<vmem_shared>>
      tpu.wait_indirect_dma semaphore(%arg18 : memref<!tpu.dma_semaphore, #tpu.memory_space<semaphore_mem>>) src(%dma_wait3A_243 : memref<128x32xf32, #tpu.memory_space<vmem>>) dst(%dma_wait3A_249 : memref<10016x32xf32, #tpu.memory_space<vmem_shared>>)
      %convert_element_type3A_250 = arith.extui %lt3A_237 : i1 to i32
      %cond3A_251 = arith.constant 0 : i32
      %cond3A_252 = arith.cmpi ne, %convert_element_type3A_250, %cond3A_251 : i32
      scf.if %cond3A_252 {
        %add3A_253 = arith.constant 4 : i32
        %add3A_254 = arith.addi %add3A_209, %add3A_253 : i32
        %sub3A_255 = arith.constant 1 : i32
        %sub3A_256 = arith.subi %add3A_254, %sub3A_255 : i32
        %dma_start3A_257 = arith.constant 2 : i32
        %dma_start3A_258 = arith.constant 0 : i32
        %dma_start3A_259 = arith.constant 0 : i32
        %dma_start3A_260 = tpu.memref_slice %arg9[%dma_start3A_257, %dma_start3A_258, %dma_start3A_259] : memref<4x128x32xf32, #tpu.memory_space<vmem>> -> memref<1x128x32xf32, #tpu.memory_space<vmem>>
        %dma_start3A_261 = tpu.memref_squeeze %dma_start3A_260 : memref<1x128x32xf32, #tpu.memory_space<vmem>> -> memref<128x32xf32, #tpu.memory_space<vmem>>
        %dma_start3A_262 = arith.constant 0 : i32
        %dma_start3A_263 = tpu.memref_slice %arg7[%sub3A_256, %dma_start3A_262] : memref<160x128xi32, #tpu.memory_space<vmem>> -> memref<1x128xi32, #tpu.memory_space<vmem>>
        %dma_start3A_264 = tpu.memref_squeeze %dma_start3A_263 : memref<1x128xi32, #tpu.memory_space<vmem>> -> memref<128xi32, #tpu.memory_space<vmem>>
        %dma_start3A_265 = arith.constant 0 : i32
        %dma_start3A_266 = arith.constant 0 : i32
        %dma_start3A_267 = tpu.memref_slice %arg11[%dma_start3A_265, %dma_start3A_266] : memref<10000x32xf32, #tpu.memory_space<vmem_shared>> -> memref<10000x32xf32, #tpu.memory_space<vmem_shared>>
        tpu.enqueue_indirect_dma source(%dma_start3A_267 : memref<10000x32xf32, #tpu.memory_space<vmem_shared>>) target(%dma_start3A_261 : memref<128x32xf32, #tpu.memory_space<vmem>>) offsets(%dma_start3A_264 : memref<128xi32, #tpu.memory_space<vmem>>) semaphore(%arg14 : memref<!tpu.dma_semaphore, #tpu.memory_space<semaphore_mem>>)
      } else {
      }
    }
    %scan3A_58 = arith.constant 40 : i32
    %dma_wait3A = arith.constant 3 : i32
    %dma_wait3A_59 = arith.constant 0 : i32
    %dma_wait3A_60 = arith.constant 0 : i32
    %dma_wait3A_61 = arith.constant 0 : i32
    %dma_wait3A_62 = tpu.memref_slice %arg9[%dma_wait3A, %dma_wait3A_60, %dma_wait3A_61] : memref<4x128x32xf32, #tpu.memory_space<vmem>> -> memref<1x128x32xf32, #tpu.memory_space<vmem>>
    %dma_wait3A_63 = tpu.memref_squeeze %dma_wait3A_62 : memref<1x128x32xf32, #tpu.memory_space<vmem>> -> memref<128x32xf32, #tpu.memory_space<vmem>>
    %dma_wait3A_64 = arith.constant 0 : i32
    %dma_wait3A_65 = tpu.memref_slice %arg8[%dma_wait3A_59, %dma_wait3A_64] : memref<160x128xi32, #tpu.memory_space<vmem>> -> memref<1x128xi32, #tpu.memory_space<vmem>>
    %dma_wait3A_66 = tpu.memref_squeeze %dma_wait3A_65 : memref<1x128xi32, #tpu.memory_space<vmem>> -> memref<128xi32, #tpu.memory_space<vmem>>
    %dma_wait3A_67 = arith.constant 0 : i32
    %dma_wait3A_68 = arith.constant 0 : i32
    %dma_wait3A_69 = tpu.memref_slice %arg10[%dma_wait3A_67, %dma_wait3A_68] : memref<10016x32xf32, #tpu.memory_space<vmem_shared>> -> memref<10016x32xf32, #tpu.memory_space<vmem_shared>>
    tpu.wait_indirect_dma semaphore(%arg19 : memref<!tpu.dma_semaphore, #tpu.memory_space<semaphore_mem>>) src(%dma_wait3A_63 : memref<128x32xf32, #tpu.memory_space<vmem>>) dst(%dma_wait3A_69 : memref<10016x32xf32, #tpu.memory_space<vmem_shared>>)
    %barrier3A_70 = arith.constant 0 : index
    tpu.barrier barrier_id(%barrier3A_70)
    %mul3A_71 = arith.constant 626 : i32
    %mul3A_72 = arith.muli %arg1, %mul3A_71 : i32
    %mul3A_73 = arith.constant 626 : i32
    %mul3A_74 = arith.muli %arg1, %mul3A_73 : i32
    "tpu.region"() ({
      %run_scoped3A = tpu.sem_alloc : memref<!tpu.dma_semaphore, #tpu.memory_space<semaphore_mem>>
      %dma_start3A_75 = tpu.memref_slice %arg6[%mul3A_74, %mul3A_0] : memref<10016x64xf32, #tpu.memory_space<hbm>> -> memref<626x32xf32, #tpu.memory_space<hbm>>
      %dma_start3A_76 = arith.constant 0 : i32
      %dma_start3A_77 = tpu.memref_slice %arg10[%mul3A_72, %dma_start3A_76] : memref<10016x32xf32, #tpu.memory_space<vmem_shared>> -> memref<626x32xf32, #tpu.memory_space<vmem_shared>>
      tpu.enqueue_dma source(%dma_start3A_77 : memref<626x32xf32, #tpu.memory_space<vmem_shared>>) target(%dma_start3A_75 : memref<626x32xf32, #tpu.memory_space<hbm>>) target_semaphore(%run_scoped3A : memref<!tpu.dma_semaphore, #tpu.memory_space<semaphore_mem>>)
      %dma_wait3A_78 = tpu.memref_slice %arg6[%mul3A_74, %mul3A_0] : memref<10016x64xf32, #tpu.memory_space<hbm>> -> memref<626x32xf32, #tpu.memory_space<hbm>>
      %dma_wait3A_79 = arith.constant 0 : i32
      %dma_wait3A_80 = tpu.memref_slice %arg10[%mul3A_72, %dma_wait3A_79] : memref<10016x32xf32, #tpu.memory_space<vmem_shared>> -> memref<626x32xf32, #tpu.memory_space<vmem_shared>>
      tpu.wait_dma2 semaphore(%run_scoped3A : memref<!tpu.dma_semaphore, #tpu.memory_space<semaphore_mem>>) src(%dma_wait3A_80 : memref<626x32xf32, #tpu.memory_space<vmem_shared>>) dst(%dma_wait3A_78 : memref<626x32xf32, #tpu.memory_space<hbm>>)
      tpu.yield
    }) : () -> ()
    return
  }
}

module attributes {stable_mosaic.version = 14 : i64} {
  func.func @_tc_first_body(%arg0: memref<2x10016x8xf32, #tpu.memory_space<vmem>>, %arg1: memref<10000x128xf32, #tpu.memory_space<vmem>>, %arg2: memref<128x64xf32, #tpu.memory_space<vmem>>, %arg3: memref<10000x64xf32, #tpu.memory_space<vmem>>) attributes {dimension_semantics = [], scalar_prefetch = 0 : i64, scratch_operands = 0 : i64, tpu.core_type = #tpu.core_type<tc>} {
    %get3A = arith.constant 0 : index
    %get3A_0 = arith.constant 0 : index
    %get3A_1 = arith.constant 0 : index
    %get3A_2 = vector.load %arg0[%get3A, %get3A_0, %get3A_1] : memref<2x10016x8xf32, #tpu.memory_space<vmem>>, vector<2x10016x8xf32>
    %slice3A = vector.extract_strided_slice %get3A_2 {offsets = [0, 0, 0], sizes = [1, 10000, 1], strides = [1, 1, 1]} : vector<2x10016x8xf32> to vector<1x10000x1xf32>
    %squeeze3A = vector.shape_cast %slice3A : vector<1x10000x1xf32> to vector<10000x1xf32>
    %slice3A_3 = vector.extract_strided_slice %get3A_2 {offsets = [1, 0, 0], sizes = [1, 10000, 1], strides = [1, 1, 1]} : vector<2x10016x8xf32> to vector<1x10000x1xf32>
    %squeeze3A_4 = vector.shape_cast %slice3A_3 : vector<1x10000x1xf32> to vector<10000x1xf32>
    %add3A = arith.addf %squeeze3A, %squeeze3A_4 : vector<10000x1xf32>
    %add3A_5 = arith.constant 1.000000e+00 : f32
    %add3A_6 = vector.broadcast %add3A_5 : f32 to vector<10000x1xf32>
    %add3A_7 = arith.addf %add3A, %add3A_6 : vector<10000x1xf32>
    %sqrt3A = math.sqrt %add3A_7 : vector<10000x1xf32>
    %div3A = arith.constant 1.000000e+00 : f32
    %div3A_8 = vector.broadcast %div3A : f32 to vector<10000x1xf32>
    %div3A_9 = arith.divf %div3A_8, %sqrt3A : vector<10000x1xf32>
    %get3A_10 = arith.constant 0 : index
    %get3A_11 = arith.constant 0 : index
    %get3A_12 = vector.load %arg1[%get3A_10, %get3A_11] : memref<10000x128xf32, #tpu.memory_space<vmem>>, vector<10000x128xf32>
    %get3A_13 = arith.constant 0 : index
    %get3A_14 = arith.constant 0 : index
    %get3A_15 = vector.load %arg2[%get3A_13, %get3A_14] : memref<128x64xf32, #tpu.memory_space<vmem>>, vector<128x64xf32>
    %dot_general3A = arith.constant dense<0.000000e+00> : vector<10000x64xf32>
    %dot_general3A_16 = tpu.matmul %get3A_12, %get3A_15, %dot_general3A {dimension_numbers = #tpu.dot_dimension_numbers<[1], [0], [0], [1], [0, 0, 1, 1], [], []>, transpose_lhs_hint = false} : vector<10000x128xf32>, vector<128x64xf32>, vector<10000x64xf32> -> vector<10000x64xf32>
    %mul3A = vector.broadcast %div3A_9 : vector<10000x1xf32> to vector<10000x64xf32>
    %mul3A_17 = arith.mulf %mul3A, %dot_general3A_16 : vector<10000x64xf32>
    %swap3A = arith.constant 0 : index
    %swap3A_18 = arith.constant 0 : index
    %swap3A_19 = vector.load %arg3[%swap3A, %swap3A_18] : memref<10000x64xf32, #tpu.memory_space<vmem>>, vector<10000x64xf32>
    tpu.vector_store %arg3[%swap3A, %swap3A_18], %mul3A_17 {strides = array<i32>} : memref<10000x64xf32, #tpu.memory_space<vmem>>, vector<10000x64xf32>,
    return
  }
}

module attributes {stable_mosaic.version = 14 : i64} {
  func.func @_tc_mid_body(%arg0: memref<2x10016x8xf32, #tpu.memory_space<vmem>>, %arg1: memref<10016x64xf32, #tpu.memory_space<vmem>>, %arg2: memref<10000x64xf32, #tpu.memory_space<vmem>>, %arg3: memref<1x64xf32, #tpu.memory_space<vmem>>, %arg4: memref<1x64xf32, #tpu.memory_space<vmem>>, %arg5: memref<1x64xf32, #tpu.memory_space<vmem>>, %arg6: memref<64x64xf32, #tpu.memory_space<vmem>>, %arg7: memref<10000x64xf32, #tpu.memory_space<vmem>>) attributes {dimension_semantics = [], scalar_prefetch = 0 : i64, scratch_operands = 0 : i64, tpu.core_type = #tpu.core_type<tc>} {
    %get3A = arith.constant 0 : index
    %get3A_0 = arith.constant 0 : index
    %get3A_1 = arith.constant 0 : index
    %get3A_2 = vector.load %arg0[%get3A, %get3A_0, %get3A_1] : memref<2x10016x8xf32, #tpu.memory_space<vmem>>, vector<2x10016x8xf32>
    %slice3A = vector.extract_strided_slice %get3A_2 {offsets = [0, 0, 0], sizes = [1, 10000, 1], strides = [1, 1, 1]} : vector<2x10016x8xf32> to vector<1x10000x1xf32>
    %squeeze3A = vector.shape_cast %slice3A : vector<1x10000x1xf32> to vector<10000x1xf32>
    %slice3A_3 = vector.extract_strided_slice %get3A_2 {offsets = [1, 0, 0], sizes = [1, 10000, 1], strides = [1, 1, 1]} : vector<2x10016x8xf32> to vector<1x10000x1xf32>
    %squeeze3A_4 = vector.shape_cast %slice3A_3 : vector<1x10000x1xf32> to vector<10000x1xf32>
    %add3A = arith.addf %squeeze3A, %squeeze3A_4 : vector<10000x1xf32>
    %add3A_5 = arith.constant 1.000000e+00 : f32
    %add3A_6 = vector.broadcast %add3A_5 : f32 to vector<10000x1xf32>
    %add3A_7 = arith.addf %add3A, %add3A_6 : vector<10000x1xf32>
    %sqrt3A = math.sqrt %add3A_7 : vector<10000x1xf32>
    %div3A = arith.constant 1.000000e+00 : f32
    %div3A_8 = vector.broadcast %div3A : f32 to vector<10000x1xf32>
    %div3A_9 = arith.divf %div3A_8, %sqrt3A : vector<10000x1xf32>
    %get3A_10 = arith.constant 0 : index
    %get3A_11 = arith.constant 0 : index
    %get3A_12 = vector.load %arg1[%get3A_10, %get3A_11] : memref<10016x64xf32, #tpu.memory_space<vmem>>, vector<10016x64xf32>
    %slice3A_13 = vector.extract_strided_slice %get3A_12 {offsets = [0, 0], sizes = [10000, 64], strides = [1, 1]} : vector<10016x64xf32> to vector<10000x64xf32>
    %get3A_14 = arith.constant 0 : index
    %get3A_15 = arith.constant 0 : index
    %get3A_16 = vector.load %arg2[%get3A_14, %get3A_15] : memref<10000x64xf32, #tpu.memory_space<vmem>>, vector<10000x64xf32>
    %add3A_17 = arith.addf %slice3A_13, %get3A_16 : vector<10000x64xf32>
    %mul3A = vector.broadcast %div3A_9 : vector<10000x1xf32> to vector<10000x64xf32>
    %mul3A_18 = arith.mulf %mul3A, %add3A_17 : vector<10000x64xf32>
    %get3A_19 = arith.constant 0 : index
    %get3A_20 = arith.constant 0 : index
    %get3A_21 = vector.load %arg3[%get3A_19, %get3A_20] : memref<1x64xf32, #tpu.memory_space<vmem>>, vector<1x64xf32>
    %add3A_22 = vector.broadcast %get3A_21 : vector<1x64xf32> to vector<10000x64xf32>
    %add3A_23 = arith.addf %mul3A_18, %add3A_22 : vector<10000x64xf32>
    %max3A = arith.constant 0.000000e+00 : f32
    %max3A_24 = vector.broadcast %max3A : f32 to vector<10000x64xf32>
    %max3A_25 = arith.maximumf %add3A_23, %max3A_24 : vector<10000x64xf32>
    %reduce_sum3A = arith.constant dense<0.000000e+00> : vector<64xf32>
    %reduce_sum3A_26 = vector.multi_reduction <add>, %max3A_25, %reduce_sum3A [0] : vector<10000x64xf32> to vector<64xf32>
    %broadcast_in_dim3A = vector.shape_cast %reduce_sum3A_26 : vector<64xf32> to vector<1x64xf32>
    %div3A_27 = arith.constant 1.000000e+04 : f32
    %div3A_28 = vector.broadcast %div3A_27 : f32 to vector<1x64xf32>
    %div3A_29 = arith.divf %broadcast_in_dim3A, %div3A_28 : vector<1x64xf32>
    %sub3A = vector.broadcast %div3A_29 : vector<1x64xf32> to vector<10000x64xf32>
    %sub3A_30 = arith.subf %max3A_25, %sub3A : vector<10000x64xf32>
    %mul3A_31 = arith.mulf %sub3A_30, %sub3A_30 : vector<10000x64xf32>
    %reduce_sum3A_32 = arith.constant dense<0.000000e+00> : vector<64xf32>
    %reduce_sum3A_33 = vector.multi_reduction <add>, %mul3A_31, %reduce_sum3A_32 [0] : vector<10000x64xf32> to vector<64xf32>
    %broadcast_in_dim3A_34 = vector.shape_cast %reduce_sum3A_33 : vector<64xf32> to vector<1x64xf32>
    %div3A_35 = arith.constant 1.000000e+04 : f32
    %div3A_36 = vector.broadcast %div3A_35 : f32 to vector<1x64xf32>
    %div3A_37 = arith.divf %broadcast_in_dim3A_34, %div3A_36 : vector<1x64xf32>
    %add3A_38 = arith.constant 9.99999974E-6 : f32
    %add3A_39 = vector.broadcast %add3A_38 : f32 to vector<1x64xf32>
    %add3A_40 = arith.addf %div3A_37, %add3A_39 : vector<1x64xf32>
    %sqrt3A_41 = math.sqrt %add3A_40 : vector<1x64xf32>
    %div3A_42 = vector.broadcast %sqrt3A_41 : vector<1x64xf32> to vector<10000x64xf32>
    %div3A_43 = arith.divf %sub3A_30, %div3A_42 : vector<10000x64xf32>
    %get3A_44 = arith.constant 0 : index
    %get3A_45 = arith.constant 0 : index
    %get3A_46 = vector.load %arg4[%get3A_44, %get3A_45] : memref<1x64xf32, #tpu.memory_space<vmem>>, vector<1x64xf32>
    %mul3A_47 = vector.broadcast %get3A_46 : vector<1x64xf32> to vector<10000x64xf32>
    %mul3A_48 = arith.mulf %div3A_43, %mul3A_47 : vector<10000x64xf32>
    %get3A_49 = arith.constant 0 : index
    %get3A_50 = arith.constant 0 : index
    %get3A_51 = vector.load %arg5[%get3A_49, %get3A_50] : memref<1x64xf32, #tpu.memory_space<vmem>>, vector<1x64xf32>
    %add3A_52 = vector.broadcast %get3A_51 : vector<1x64xf32> to vector<10000x64xf32>
    %add3A_53 = arith.addf %mul3A_48, %add3A_52 : vector<10000x64xf32>
    %get3A_54 = arith.constant 0 : index
    %get3A_55 = arith.constant 0 : index
    %get3A_56 = vector.load %arg6[%get3A_54, %get3A_55] : memref<64x64xf32, #tpu.memory_space<vmem>>, vector<64x64xf32>
    %dot_general3A = arith.constant dense<0.000000e+00> : vector<10000x64xf32>
    %dot_general3A_57 = tpu.matmul %add3A_53, %get3A_56, %dot_general3A {dimension_numbers = #tpu.dot_dimension_numbers<[1], [0], [0], [1], [0, 0, 1, 1], [], []>, transpose_lhs_hint = false} : vector<10000x64xf32>, vector<64x64xf32>, vector<10000x64xf32> -> vector<10000x64xf32>
    %mul3A_58 = vector.broadcast %div3A_9 : vector<10000x1xf32> to vector<10000x64xf32>
    %mul3A_59 = arith.mulf %mul3A_58, %dot_general3A_57 : vector<10000x64xf32>
    %swap3A = arith.constant 0 : index
    %swap3A_60 = arith.constant 0 : index
    %swap3A_61 = vector.load %arg7[%swap3A, %swap3A_60] : memref<10000x64xf32, #tpu.memory_space<vmem>>, vector<10000x64xf32>
    tpu.vector_store %arg7[%swap3A, %swap3A_60], %mul3A_59 {strides = array<i32>} : memref<10000x64xf32, #tpu.memory_space<vmem>>, vector<10000x64xf32>,
    return
  }
}

module attributes {stable_mosaic.version = 14 : i64} {
  func.func @_tc_final_body(%arg0: memref<2x10016x8xf32, #tpu.memory_space<vmem>>, %arg1: memref<10016x64xf32, #tpu.memory_space<vmem>>, %arg2: memref<10000x64xf32, #tpu.memory_space<vmem>>, %arg3: memref<1x64xf32, #tpu.memory_space<vmem>>, %arg4: memref<1x64xf32, #tpu.memory_space<vmem>>, %arg5: memref<1x64xf32, #tpu.memory_space<vmem>>, %arg6: memref<1x10000xi32, #tpu.memory_space<vmem>>, %arg7: memref<64x64xf32, #tpu.memory_space<vmem>>) attributes {dimension_semantics = [], scalar_prefetch = 0 : i64, scratch_operands = 0 : i64, tpu.core_type = #tpu.core_type<tc>} {
    %get3A = arith.constant 0 : index
    %get3A_0 = arith.constant 0 : index
    %get3A_1 = arith.constant 0 : index
    %get3A_2 = vector.load %arg0[%get3A, %get3A_0, %get3A_1] : memref<2x10016x8xf32, #tpu.memory_space<vmem>>, vector<2x10016x8xf32>
    %slice3A = vector.extract_strided_slice %get3A_2 {offsets = [0, 0, 0], sizes = [1, 10000, 1], strides = [1, 1, 1]} : vector<2x10016x8xf32> to vector<1x10000x1xf32>
    %squeeze3A = vector.shape_cast %slice3A : vector<1x10000x1xf32> to vector<10000x1xf32>
    %slice3A_3 = vector.extract_strided_slice %get3A_2 {offsets = [1, 0, 0], sizes = [1, 10000, 1], strides = [1, 1, 1]} : vector<2x10016x8xf32> to vector<1x10000x1xf32>
    %squeeze3A_4 = vector.shape_cast %slice3A_3 : vector<1x10000x1xf32> to vector<10000x1xf32>
    %add3A = arith.addf %squeeze3A, %squeeze3A_4 : vector<10000x1xf32>
    %add3A_5 = arith.constant 1.000000e+00 : f32
    %add3A_6 = vector.broadcast %add3A_5 : f32 to vector<10000x1xf32>
    %add3A_7 = arith.addf %add3A, %add3A_6 : vector<10000x1xf32>
    %sqrt3A = math.sqrt %add3A_7 : vector<10000x1xf32>
    %div3A = arith.constant 1.000000e+00 : f32
    %div3A_8 = vector.broadcast %div3A : f32 to vector<10000x1xf32>
    %div3A_9 = arith.divf %div3A_8, %sqrt3A : vector<10000x1xf32>
    %get3A_10 = arith.constant 0 : index
    %get3A_11 = arith.constant 0 : index
    %get3A_12 = vector.load %arg1[%get3A_10, %get3A_11] : memref<10016x64xf32, #tpu.memory_space<vmem>>, vector<10016x64xf32>
    %slice3A_13 = vector.extract_strided_slice %get3A_12 {offsets = [0, 0], sizes = [10000, 64], strides = [1, 1]} : vector<10016x64xf32> to vector<10000x64xf32>
    %get3A_14 = arith.constant 0 : index
    %get3A_15 = arith.constant 0 : index
    %get3A_16 = vector.load %arg2[%get3A_14, %get3A_15] : memref<10000x64xf32, #tpu.memory_space<vmem>>, vector<10000x64xf32>
    %add3A_17 = arith.addf %slice3A_13, %get3A_16 : vector<10000x64xf32>
    %mul3A = vector.broadcast %div3A_9 : vector<10000x1xf32> to vector<10000x64xf32>
    %mul3A_18 = arith.mulf %mul3A, %add3A_17 : vector<10000x64xf32>
    %get3A_19 = arith.constant 0 : index
    %get3A_20 = arith.constant 0 : index
    %get3A_21 = vector.load %arg3[%get3A_19, %get3A_20] : memref<1x64xf32, #tpu.memory_space<vmem>>, vector<1x64xf32>
    %add3A_22 = vector.broadcast %get3A_21 : vector<1x64xf32> to vector<10000x64xf32>
    %add3A_23 = arith.addf %mul3A_18, %add3A_22 : vector<10000x64xf32>
    %max3A = arith.constant 0.000000e+00 : f32
    %max3A_24 = vector.broadcast %max3A : f32 to vector<10000x64xf32>
    %max3A_25 = arith.maximumf %add3A_23, %max3A_24 : vector<10000x64xf32>
    %reduce_sum3A = arith.constant dense<0.000000e+00> : vector<64xf32>
    %reduce_sum3A_26 = vector.multi_reduction <add>, %max3A_25, %reduce_sum3A [0] : vector<10000x64xf32> to vector<64xf32>
    %broadcast_in_dim3A = vector.shape_cast %reduce_sum3A_26 : vector<64xf32> to vector<1x64xf32>
    %div3A_27 = arith.constant 1.000000e+04 : f32
    %div3A_28 = vector.broadcast %div3A_27 : f32 to vector<1x64xf32>
    %div3A_29 = arith.divf %broadcast_in_dim3A, %div3A_28 : vector<1x64xf32>
    %sub3A = vector.broadcast %div3A_29 : vector<1x64xf32> to vector<10000x64xf32>
    %sub3A_30 = arith.subf %max3A_25, %sub3A : vector<10000x64xf32>
    %mul3A_31 = arith.mulf %sub3A_30, %sub3A_30 : vector<10000x64xf32>
    %reduce_sum3A_32 = arith.constant dense<0.000000e+00> : vector<64xf32>
    %reduce_sum3A_33 = vector.multi_reduction <add>, %mul3A_31, %reduce_sum3A_32 [0] : vector<10000x64xf32> to vector<64xf32>
    %broadcast_in_dim3A_34 = vector.shape_cast %reduce_sum3A_33 : vector<64xf32> to vector<1x64xf32>
    %div3A_35 = arith.constant 1.000000e+04 : f32
    %div3A_36 = vector.broadcast %div3A_35 : f32 to vector<1x64xf32>
    %div3A_37 = arith.divf %broadcast_in_dim3A_34, %div3A_36 : vector<1x64xf32>
    %add3A_38 = arith.constant 9.99999974E-6 : f32
    %add3A_39 = vector.broadcast %add3A_38 : f32 to vector<1x64xf32>
    %add3A_40 = arith.addf %div3A_37, %add3A_39 : vector<1x64xf32>
    %sqrt3A_41 = math.sqrt %add3A_40 : vector<1x64xf32>
    %div3A_42 = vector.broadcast %sqrt3A_41 : vector<1x64xf32> to vector<10000x64xf32>
    %div3A_43 = arith.divf %sub3A_30, %div3A_42 : vector<10000x64xf32>
    %get3A_44 = arith.constant 0 : index
    %get3A_45 = arith.constant 0 : index
    %get3A_46 = vector.load %arg4[%get3A_44, %get3A_45] : memref<1x64xf32, #tpu.memory_space<vmem>>, vector<1x64xf32>
    %mul3A_47 = vector.broadcast %get3A_46 : vector<1x64xf32> to vector<10000x64xf32>
    %mul3A_48 = arith.mulf %div3A_43, %mul3A_47 : vector<10000x64xf32>
    %get3A_49 = arith.constant 0 : index
    %get3A_50 = arith.constant 0 : index
    %get3A_51 = vector.load %arg5[%get3A_49, %get3A_50] : memref<1x64xf32, #tpu.memory_space<vmem>>, vector<1x64xf32>
    %add3A_52 = vector.broadcast %get3A_51 : vector<1x64xf32> to vector<10000x64xf32>
    %add3A_53 = arith.addf %mul3A_48, %add3A_52 : vector<10000x64xf32>
    %iota3A = tpu.iota {dimensions = array<i32: 0>} : vector<64x10000xi32>
    %get3A_54 = arith.constant 0 : index
    %get3A_55 = arith.constant 0 : index
    %get3A_56 = vector.load %arg6[%get3A_54, %get3A_55] : memref<1x10000xi32, #tpu.memory_space<vmem>>, vector<1x10000xi32>
    %eq3A = vector.broadcast %get3A_56 : vector<1x10000xi32> to vector<64x10000xi32>
    %eq3A_57 = arith.cmpi eq, %iota3A, %eq3A : vector<64x10000xi32>
    %jit3A = arith.constant 1.000000e+00 : f32
    %jit3A_58 = arith.constant 0.000000e+00 : f32
    %broadcast_in_dim3A_59 = vector.broadcast %jit3A : f32 to vector<64x10000xf32>
    %broadcast_in_dim3A_60 = vector.broadcast %jit3A_58 : f32 to vector<64x10000xf32>
    %select_n3A = arith.select %eq3A_57, %broadcast_in_dim3A_59, %broadcast_in_dim3A_60 : vector<64x10000xi1>, vector<64x10000xf32>
    %dot_general3A = arith.constant dense<0.000000e+00> : vector<64x64xf32>
    %dot_general3A_61 = tpu.matmul %select_n3A, %add3A_53, %dot_general3A {dimension_numbers = #tpu.dot_dimension_numbers<[1], [0], [0], [1], [0, 0, 1, 1], [], []>, transpose_lhs_hint = false} : vector<64x10000xf32>, vector<10000x64xf32>, vector<64x64xf32> -> vector<64x64xf32>
    %broadcast_in_dim3A_62 = arith.constant 1.000000e+00 : f32
    %broadcast_in_dim3A_63 = vector.broadcast %broadcast_in_dim3A_62 : f32 to vector<10000x1xf32>
    %dot_general3A_64 = arith.constant dense<0.000000e+00> : vector<64x1xf32>
    %dot_general3A_65 = tpu.matmul %select_n3A, %broadcast_in_dim3A_63, %dot_general3A_64 {dimension_numbers = #tpu.dot_dimension_numbers<[1], [0], [0], [1], [0, 0, 1, 1], [], []>, transpose_lhs_hint = false} : vector<64x10000xf32>, vector<10000x1xf32>, vector<64x1xf32> -> vector<64x1xf32>
    %max3A_66 = arith.constant 1.000000e+00 : f32
    %max3A_67 = vector.broadcast %max3A_66 : f32 to vector<64x1xf32>
    %max3A_68 = arith.maximumf %dot_general3A_65, %max3A_67 : vector<64x1xf32>
    %div3A_69 = vector.broadcast %max3A_68 : vector<64x1xf32> to vector<64x64xf32>
    %div3A_70 = arith.divf %dot_general3A_61, %div3A_69 : vector<64x64xf32>
    %swap3A = arith.constant 0 : index
    %swap3A_71 = arith.constant 0 : index
    %swap3A_72 = vector.load %arg7[%swap3A, %swap3A_71] : memref<64x64xf32, #tpu.memory_space<vmem>>, vector<64x64xf32>
    tpu.vector_store %arg7[%swap3A, %swap3A_71], %div3A_70 {strides = array<i32>} : memref<64x64xf32, #tpu.memory_space<vmem>>, vector<64x64xf32>,
    return
  }
}

</mosaic_0001>

<sc_bundles>
// kernel: kernel.10.cloned.1.call-start
scs
__scs_entry_jumppad:
0x0: {  	(pc) =	sbr.rel $0x88, $3  }
0x1: {  	(tag) =	ssettag $0x0;
	lr =	simm.s32 $0x1  }
0x2: {  	[smem:$0x3F92] =	sst lr;
	_ =	strace $0xD0000000  }
0x3: {  	_ = 	snop  }
0x4: {  	_ = 	snop  }
0x5: {  	_ = 	snop  }
0x6: {  	_ = 	snop  }
0x7: {  	_ = 	snop  }
__scs_overlays_trampoline_lowered:
0x8: {  	[smem:$0x3FA1] =	sst s0  }
0x9: {  	[smem:$0x3FA2] =	sst s1  }
0xa: {  	[smem:$0x3FA3] =	sst s2  }
0xb: {  	[smem:$0x3FA4] =	sst s3  }
0xc: {  	[smem:$0x3FA5] =	sst s4  }
0xd: {  	[smem:$0x3FA6] =	sst s5  }
0xe: {  	[smem:$0x3FA7] =	sst s6  }
0xf: {  	[smem:$0x3FA8] =	sst s7  }
0x10: {  	[smem:$0x3FA9] =	sst s8  }
0x11: {  	[smem:$0x3FAA] =	sst s9;
	s0 =	simm.s32 @!p0 $0x0  }
0x12: {  	s1 =	sld [smem:$0x3F90];
	s0 =	simm.s32 @p0 $0x1  }
0x13: {  	[smem:$0x3FAB] =	sst s0;
	s0 =	simm.s32 @!p1 $0x0  }
0x14: {  	s2 =	sld [smem:$0x3F8F];
	s0 =	simm.s32 @p1 $0x1  }
0x15: {  	[smem:$0x3FAC] =	sst s0;
	s0 =	simm.s32 @!p2 $0x0  }
0x16: {  	s3 =	sld [smem:$0x3FDB];
	s0 =	simm.s32 @p2 $0x1  }
0x17: {  	s4 =	simm.s32 $0x1BF5;
	[smem:$0x3FAE] =	sst s0  }
0x18: {  	s0 =	sld [smem:$0x3F91];
	_ =	swait.ge [sflag:s4], $0x0  }
0x19: {  	s7 =	sld [smem:$0x3F92]  }
0x1a: {  	s8 =	sadd.s32 $0xFFFFE003, lr  }
0x1b: {  	s9 =	sadd.s32 $0xFFFFFEF7, lr;
	s5 =	simm.s32 $0xFFFFFFFF;
	p2 =	slt.u32 s8, $0xFFFFF086  }
0x1c: {  	p1 =	slt.u32 s9, $0xF7A;
	s5 =	simm.s32 @!p2 $0x0  }
0x1d: {  	s5 =	simm.s32 @p1 $0x1;
	p0 =	seq.s32 s7, s2  }
0x1e: {  	s7 =	smul.u32 @!p0 $0xF7A, s2;
	p2 =	seq.s32 @!p0 s5, $0x0  }
0x1f: {  	s9 =	smul.u32 $0xF7A, s1;
	s8 =	simm.s32 @!p0 $0x1BF5;
	p2 =	por !p2, p0  }
0x20: {  	[sflag:s8] =	ssyncset.s32 @!p0 $0xFFFFF086;
	s6 =	sadd.s32 @!p0 s3, s7;
	s7 =	simm.s32 @!p0 $0x108  }
0x21: {  	s3 =	sadd.s32 s3, s9;
	s6 =	sadd.s32 @!p0 $0x88, s6;
	s7 =	simm.s32 @p2 $0x1082  }
0x22: {  	[simem:s7], [sflag:s8] =	dma.local @!p0 [hbm:s6], $0xF7A  }
0x23: {  	s9 =	sor.u32 $0xD0000000, s2;
	s6 =	simm.s32 $0x108;
	_ =	swait.ge @!p0 [sflag:s8], $0x0  }
0x24: {  	s3 =	sadd.s32 $0x88, s3;
	s6 =	simm.s32 @!p1 $0x1082;
	[sflag:s4] =	ssyncset.s32 $0xFFFFF086  }
0x25: {  	[simem:s6], [sflag:s4] =	dma.local [hbm:s3], $0xF7A  }
0x26: {  	[smem:$0x3F92] =	sst s1;
	(tag) =	ssettag s2;
	_ =	strace s9  }
0x27: {  	s1 =	sld [smem:$0x3FA2]  }
0x28: {  	s2 =	sld [smem:$0x3FA3]  }
0x29: {  	s4 =	sld [smem:$0x3FA5]  }
0x2a: {  	p0 =	seq.s32 s5, $0x0;
	s5 =	sld [smem:$0x3FA6]  }
0x2b: {  	s6 =	sld [smem:$0x3FA7]  }
0x2c: {  	s7 =	sld [smem:$0x3FA8]  }
0x2d: {  	s3 =	simm.s32 $0x108;
	s8 =	sld [smem:$0x3FA9]  }
0x2e: {  	s3 =	simm.s32 @!p0 $0x1082;
	s9 =	sld [smem:$0x3FAA]  }
0x2f: {  	lr =	sadd.s32 s0, s3;
	s0 =	sld [smem:$0x3FA1]  }
0x30: {  	s3 =	sld [smem:$0x3FA4]  }
0x31: {  	[smem:$0x3FAD] =	sst s10  }
0x32: {  	s10 =	sld [smem:$0x3FAB];
	_ =	sdelay $0x3  }
0x33: {  	p0 =	seq.s32 s10, $0x1;
	s10 =	sld [smem:$0x3FAD];
	_ =	sdelay $0x3  }
0x34: {  	[smem:$0x3FAD] =	sst s10  }
0x35: {  	s10 =	sld [smem:$0x3FAC];
	_ =	sdelay $0x3  }
0x36: {  	p1 =	seq.s32 s10, $0x1;
	s10 =	sld [smem:$0x3FAD];
	_ =	sdelay $0x3  }
0x37: {  	[smem:$0x3FAD] =	sst s10  }
0x38: {  	s10 =	sld [smem:$0x3FAE]  }
0x39: {  	_ = 	snop;
	(pc) =	sbr.ind lr, $3  }
0x3a: {  	_ = 	snop  }
0x3b: {  	_ = 	snop  }
0x3c: {  	p2 =	seq.s32 s10, $0x1;
	s10 =	sld [smem:$0x3FAD]  }
0x3d: {  	_ =	shalt  }
0x3e: {  	_ =	shalt  }
0x3f: {  	_ =	shalt  }
0x40: {  	_ =	shalt  }
0x41: {  	_ =	shalt  }
0x42: {  	_ =	shalt  }
0x43: {  	_ =	shalt  }
0x44: {  	_ =	shalt  }
0x45: {  	_ =	shalt  }
0x46: {  	_ =	shalt  }
0x47: {  	_ =	shalt  }
0x48: {  	_ =	shalt  }
0x49: {  	_ =	shalt  }
0x4a: {  	_ =	shalt  }
0x4b: {  	_ =	shalt  }
0x4c: {  	_ =	shalt  }
0x4d: {  	_ =	shalt  }
0x4e: {  	_ =	shalt  }
0x4f: {  	_ =	shalt  }
0x50: {  	_ =	shalt  }
0x51: {  	_ =	shalt  }
0x52: {  	_ =	shalt  }
0x53: {  	_ =	shalt  }
0x54: {  	_ =	shalt  }
0x55: {  	_ =	shalt  }
0x56: {  	_ =	shalt  }
0x57: {  	_ =	shalt  }
0x58: {  	_ =	shalt  }
0x59: {  	_ =	shalt  }
0x5a: {  	_ =	shalt  }
0x5b: {  	_ =	shalt  }
0x5c: {  	_ =	shalt  }
0x5d: {  	_ =	shalt  }
0x5e: {  	_ =	shalt  }
0x5f: {  	_ =	shalt  }
0x60: {  	_ =	shalt  }
0x61: {  	_ =	shalt  }
0x62: {  	_ =	shalt  }
0x63: {  	_ =	shalt  }
0x64: {  	_ =	shalt  }
0x65: {  	_ =	shalt  }
0x66: {  	_ =	shalt  }
0x67: {  	_ =	shalt  }
0x68: {  	_ =	shalt  }
0x69: {  	_ =	shalt  }
0x6a: {  	_ =	shalt  }
0x6b: {  	_ =	shalt  }
0x6c: {  	_ =	shalt  }
0x6d: {  	_ =	shalt  }
0x6e: {  	_ =	shalt  }
0x6f: {  	_ =	shalt  }
0x70: {  	_ =	shalt  }
0x71: {  	_ =	shalt  }
0x72: {  	_ =	shalt  }
0x73: {  	_ =	shalt  }
0x74: {  	_ =	shalt  }
0x75: {  	_ =	shalt  }
0x76: {  	_ =	shalt  }
0x77: {  	_ =	shalt  }
0x78: {  	_ =	shalt  }
0x79: {  	_ =	shalt  }
0x7a: {  	_ =	shalt  }
0x7b: {  	_ =	shalt  }
0x7c: {  	_ =	shalt  }
0x7d: {  	_ =	shalt  }
0x7e: {  	_ =	shalt  }
0x7f: {  	_ =	shalt  }
0x80: {  	_ =	shalt  }
0x81: {  	_ =	shalt  }
0x82: {  	_ =	shalt  }
0x83: {  	_ =	shalt  }
0x84: {  	_ =	shalt  }
0x85: {  	_ =	shalt  }
0x86: {  	_ =	shalt  }
0x87: {  	_ =	shalt  }
.Lfunc_end0:
.L_simem_size_0:
called_computation_lowered:
.L_overlay_start_0:
0x88: {  	s2 =	sld [smem:$0x3FD9]  }
0x89: {  	s3 =	sld [smem:$0x3FFE];
	_ =	sdelay $0x1  }
0x8a: {  	s1 =	srdreg.scid  }
0x8b: {  	s0 =	sand.u32 $0x1, s1  }
0x8c: {  	s17 =	sshll.u32 s0, $0xA;
	s2 =	sadd.s32 s3, s2  }
0x8d: {  	s2 =	sadd.s32 s2, s17  }
0x8e: {  	[smem:$0x3FB9] =	sst s2  }
0x8f: {  	_ = 	snop  }
0x90: {  	s2 =	sld [smem:$0x3FD0];
	(tm) =	ssettm $0x1  }
0x91: {  	s18 =	sld [smem:$0x3FFB];
	_ =	sdelay $0x3  }
0x92: {  	_ =	strace s18  }
0x93: {  	s3 =	sld [smem:$0x3FFC];
	_ =	sdelay $0x3  }
0x94: {  	_ =	strace s3  }
0x95: {  	s3 =	sld [smem:$0x3FFD];
	_ =	sdelay $0x3  }
0x96: {  	_ =	strace s3  }
0x97: {  	_ =	strace $0x8FFFFFFF  }
0x98: {  	s19 =	sld [smem:$0x3FDB];
	_ =	sdelay $0x1  }
0x99: {  	s4 =	simm.s32 $_scs_section_size  }
0x9a: {  	s5 =	simm.s32 $_size__tile_overlayer_lowered;
	s6 =	simm.s32 $_tile_overlayer_lowered  }
0x9b: {  	s22 =	simm.s32 $0x1BFF;
	s21 =	sshll.u32 s6, $0x1;
	s3 =	sadd.s32 s4, s19  }
0x9c: {  	s7 =	simm.s32 $0x0;
	s20 =	sshll.u32 s5, $0x1;
	s5 =	sadd.s32 s21, s3  }
0x9d: {  	[timem:s7], [sflag:s22] =	dma.local [hbm:s5], s20  }
0x9e: {  	_ =	swait.ge [sflag:s22], s20  }
0x9f: {  	s4 =	ssub.s32 $0x0, s20;
	[sflag:s22] =	ssyncset.done $0x0  }
0xa0: {  	[sflag:s22] =	ssyncadd.s32 s4;
	_ =	sdelay $0x1  }
0xa1: {  	s23 =	simm.s32 $0x1B8B  }
0xa2: {  	_ =	swait.ge [sflag:s23], $0x1  }
0xa3: {  	[sflag:s23] =	ssyncset.done $0x0  }
0xa4: {  	s25 =	simm.s32 $0x1B8E;
	s24 =	sld [smem:$0x3FFE];
	[sflag:s23] =	ssyncadd.s32 $0xFFFFFFFF  }
0xa5: {  	s26 =	simm.s32 $execute0_lowered;
	[smem:$0x3FD2] =	sst s25  }
0xa6: {  	s5 =	sshll.u32 s26, $0x1;
	_ =	strace $0x80000046;
	[dreg:$0x1] =	wrdreg $0xFFFFFFFF  }
0xa7: {  	s28 =	simm.s32 $_size_execute0_lowered;
	s3 =	sadd.s32 s3, s5;
	[dreg:$0x0] =	wrdreg $0x0  }
0xa8: {  	s5 =	sshll.u32 s28, $0x1;
	[dreg:$0x2] =	wrdreg s3  }
0xa9: {  	[dreg:$0x3] =	wrdreg s5  }
0xaa: {  	[dreg:$0x4] =	wrdreg $0xC0  }
0xab: {  	_ =	task [dreg:s7], $0x5FFFF  }
0xac: {  	[dreg:$0x1] =	wrdreg $0xFFFFFFFF  }
0xad: {  	[dreg:$0x0] =	wrdreg $0x60  }
0xae: {  	[dreg:$0x2] =	wrdreg s24  }
0xaf: {  	[dreg:$0x3] =	wrdreg s2  }
0xb0: {  	[dreg:$0x4] =	wrdreg $0x2C000  }
0xb1: {  	[dreg:$0x5] =	wrdreg $0x9  }
0xb2: {  	_ =	task.clear_ibuf [dreg:s7], $0x6FFFF;
	_ =	strace $0x90000046  }
0xb3: {  	s29 =	simm.s32 $0x9;
	_ =	strace $0x80000048  }
0xb4: {  	_ =	swait.ge [sflag:s29], $0x1  }
0xb5: {  	[sflag:s29] =	ssyncadd.s32 $0xFFFFFFFF  }
0xb6: {  	_ =	strace $0x90000048  }
0xb7: {  	_ =	sfence  }
0xb8: {  	s30 =	sld [smem:$0x0];
	_ =	sdelay $0x2  }
0xb9: {  	s31 =	sshll.u32 s1, $0xD;
	s1 =	sshrl.u32 s1, $0x2  }
0xba: {  	s3 =	sand.u32 $0x4000, s31;
	s1 =	sadd.s32 s1, s30  }
0xbb: {  	s0 =	sor.u32 s3, s0;
	s1 =	sshll.u32 s1, $0x11  }
0xbc: {  	s0 =	sor.u32 s1, s0  }
0xbd: {  	s0 =	sadd.s32 $0x8F2B, s0  }
0xbe: {  	[sflag:s0] =	ssyncadd.remote.s32 $0x1  }
0xbf: {  	_ =	sfence.sel $0xFFFF  }
0xc0: {  	[dreg:$0x0] =	wrdreg $0xFFFFFFFF;
	(pc) =	sbr.abs _section_cstart, $3  }
0xc1: {  	[dreg:$0x1] =	wrdreg $0xFFFFFFFF  }
0xc2: {  	_ =	task.clear_ibuf [dreg:s7], $0x2FFFF;
	_ =	strace $0x9FFFFFFF  }
0xc3: {  	(tm) =	ssettm $0x7FFFFFFF  }
tec
execute0_lowered:
.L_overlay_start_1:
0x0: {  	(tag) =	ssettag $0x1  }
0x1: {  	s6 =	rddreg [dreg:$0x0]  }
0x2: {  	s2 =	rddreg [dreg:$0x1]  }
0x3: {  	s3 =	rddreg [dreg:$0x2]  }
0x4: {  	s0 =	rddreg [dreg:$0x3]  }
0x5: {  	s4 =	srdreg.scid;
	s1 =	stileid.u32;
	s12 =	simm.s32 $0x2800  }
0x6: {  	s13 =	simm.s32 $0x80;
	s14 =	simm.s32 $0x100;
	s15 =	simm.s32 $0x180  }
0x7: {  	s16 =	simm.s32 $0x1;
	s17 =	simm.s32 $0x2;
	s18 =	simm.s32 $0x3  }
0x8: {  	s19 =	simm.s32 $0x4;
	s20 =	simm.s32 $0x0;
	s5 =	sand.u32 $0x1, s4  }
0x9: {  	s7 =	sshll.u32 s1, $0x1;
	s8 =	smul.u32 $0x1390, s1;
	s4 =	simm.s32 $0x0  }
0xa: {  	s31 =	sshll.u32 s1, $0x6;
	s7 =	sor.u32 s5, s7;
	s9 =	smul.u32 $0x13900, s5  }
0xb: {  	[smem:$0x7FF] =	sst s4;
	s10 =	ssub.s32 $0x2, s5;
	s5 =	sadd.s32 $0x3200, s6  }
0xc: {  	s7 =	smul.u32 $0x500, s7;
	_ =	strace $0x80000047;
	s9 =	sadd.s32 s8, s9  }
0xd: {  	s30 =	sshrl.u32 s10, $0x1;
	s11 =	sadd.s32 s8, s3;
	s9 =	sshrl.u32 s9, $0x3  }
0xe: {  	s10 =	ssub.s32 s10, s30;
	s7 =	sadd.s32 s7, s6;
	s9 =	sadd.s32 s9, s6  }
0xf: {  	s6 =	sor.u32 $0x1C05, s31;
	s7 =	sadd.s32 $0x3400, s7;
	s8 =	sadd.s32 $0xD400, s9  }
0x10: {  	s9 =	smax.u32 s10, $0x1;
	s10 =	sshrl.u32 s11, $0x3;
	s11 =	simm.s32 $0x5  }
.LBB2_1:
0x11: {  	[spmem:s10], [sflag:s6] =	dma.local [hbm:s2], $0x272  }
0x12: {  	_ =	swait.ge [sflag:s11], $0x272  }
0x13: {  	[sflag:s11] =	ssyncset.done $0x0  }
0x14: {  	[sflag:s11] =	ssyncadd.s32 $0xFFFFFD8E  }
0x15: {  	[tilespmem:s12], [sflag:$0x5] =	stream.linear.gather [hbm4b:s5+s4], $0x400, $0x38;
	[tilespmem:$0x3F90] =	vst v63  }
0x16: {  	_ =	swait.ge [sflag:s11], $0x400  }
0x17: {  	[sflag:s11] =	ssyncset.done $0x0  }
0x18: {  	[sflag:s11] =	ssyncadd.s32 $0xFFFFFC00  }
0x19: {  	[tilespmem:s4], [sflag:$0x5] =	stream.linear.gather [hbm4b:s7+s4], $0x2800, $0x38;
	[tilespmem:$0x3F90] =	vst v63  }
0x1a: {  	_ =	swait.ge [sflag:s11], $0x2800  }
0x1b: {  	[sflag:s11] =	ssyncset.done $0x0  }
0x1c: {  	[sflag:s11] =	ssyncadd.s32 $0xFFFFD800  }
0x1d: {  	[bflag:$0x0] =	sbarrier.arrive $0xFFFF  }
0x1e: {  	[spmem:s3] =	stream.indirect.scatter.add.f32 [tilespmem:s12], [sflag:$0x1], $0x8, s4, s13, $0xb8;
	[tilespmem:$0x3F90] =	vst v63  }
0x1f: {  	_ = 	snop  }
0x20: {  	[spmem:s3] =	stream.indirect.scatter.add.f32 [tilespmem:s12], [sflag:$0x2], $0x8, s13, s13, $0xb8;
	[tilespmem:$0x3F90] =	vst v63  }
0x21: {  	_ = 	snop  }
0x22: {  	[spmem:s3] =	stream.indirect.scatter.add.f32 [tilespmem:s12], [sflag:$0x3], $0x8, s14, s13, $0xb8;
	[tilespmem:$0x3F90] =	vst v63  }
0x23: {  	_ = 	snop  }
0x24: {  	[spmem:s3] =	stream.indirect.scatter.add.f32 [tilespmem:s12], [sflag:$0x4], $0x8, s15, s13, $0xb8;
	[tilespmem:$0x3F90] =	vst v63  }
0x25: {  	_ =	swait.ge [sflag:s16], $0x400  }
0x26: {  	[sflag:s16] =	ssyncset.done $0x0  }
0x27: {  	s21 =	simm.s32 $0x200;
	[sflag:s16] =	ssyncadd.s32 $0xFFFFFC00  }
0x28: {  	[spmem:s3] =	stream.indirect.scatter.add.f32 [tilespmem:s12], [sflag:$0x1], $0x8, s21, s13, $0xb8;
	[tilespmem:$0x3F90] =	vst v63  }
0x29: {  	_ =	swait.ge [sflag:s17], $0x400  }
0x2a: {  	[sflag:s17] =	ssyncset.done $0x0  }
0x2b: {  	s30 =	simm.s32 $0x280;
	[sflag:s17] =	ssyncadd.s32 $0xFFFFFC00  }
0x2c: {  	[spmem:s3] =	stream.indirect.scatter.add.f32 [tilespmem:s12], [sflag:$0x2], $0x8, s30, s13, $0xb8;
	[tilespmem:$0x3F90] =	vst v63  }
0x2d: {  	_ =	swait.ge [sflag:s18], $0x400  }
0x2e: {  	[sflag:s18] =	ssyncset.done $0x0  }
0x2f: {  	s31 =	simm.s32 $0x300;
	[sflag:s18] =	ssyncadd.s32 $0xFFFFFC00  }
0x30: {  	[spmem:s3] =	stream.indirect.scatter.add.f32 [tilespmem:s12], [sflag:$0x3], $0x8, s31, s13, $0xb8;
	[tilespmem:$0x3F90] =	vst v63  }
0x31: {  	_ =	swait.ge [sflag:s19], $0x400  }
0x32: {  	[sflag:s19] =	ssyncset.done $0x0  }
0x33: {  	s22 =	simm.s32 $0x380;
	s21 =	simm.s32 $0xFFFF7000;
	[sflag:s19] =	ssyncadd.s32 $0xFFFFFC00  }
.LBB2_2:
0x34: {  	[spmem:s3] =	stream.indirect.scatter.add.f32 [tilespmem:s12], [sflag:$0x4], $0x8, s22, s13, $0xb8;
	[tilespmem:$0x3F90] =	vst v63  }
0x35: {  	s22 =	smov.u32 s21  }
0x36: {  	p0 =	sne.s32 s21, $0xFFFFF800;
	s21 =	sadd.s32 $0x800, s21;
	_ =	swait.ge [sflag:s16], $0x400  }
0x37: {  	s22 =	sshra.s32 s22, $0x2;
	[sflag:s16] =	ssyncset.done $0x0  }
0x38: {  	s23 =	sadd.s32 $0x2800, s22;
	[sflag:s16] =	ssyncadd.s32 $0xFFFFFC00  }
0x39: {  	[spmem:s3] =	stream.indirect.scatter.add.f32 [tilespmem:s12], [sflag:$0x1], $0x8, s23, s13, $0xb8;
	[tilespmem:$0x3F90] =	vst v63  }
0x3a: {  	_ =	swait.ge [sflag:s17], $0x400  }
0x3b: {  	[sflag:s17] =	ssyncset.done $0x0  }
0x3c: {  	s23 =	sadd.s32 $0x2880, s22;
	[sflag:s17] =	ssyncadd.s32 $0xFFFFFC00  }
0x3d: {  	[spmem:s3] =	stream.indirect.scatter.add.f32 [tilespmem:s12], [sflag:$0x2], $0x8, s23, s13, $0xb8;
	[tilespmem:$0x3F90] =	vst v63  }
0x3e: {  	_ =	swait.ge [sflag:s18], $0x400  }
0x3f: {  	[sflag:s18] =	ssyncset.done $0x0  }
.Ltmp0:
0x40: {  	s23 =	sadd.s32 $0x2900, s22;
	[sflag:s18] =	ssyncadd.s32 $0xFFFFFC00;
	(pc) =	sbr.rel @p0 .LBB2_2-.Ltmp0, $4  }
0x41: {  	[spmem:s3] =	stream.indirect.scatter.add.f32 [tilespmem:s12], [sflag:$0x3], $0x8, s23, s13, $0xb8;
	[tilespmem:$0x3F90] =	vst v63  }
0x42: {  	_ =	swait.ge [sflag:s19], $0x400  }
0x43: {  	[sflag:s19] =	ssyncset.done $0x0  }
0x44: {  	s22 =	sadd.s32 $0x2980, s22;
	[sflag:s19] =	ssyncadd.s32 $0xFFFFFC00  }
0x45: {  	[spmem:s3] =	stream.indirect.scatter.add.f32 [tilespmem:s12], [sflag:$0x4], $0x8, s22, s13, $0xb8;
	[tilespmem:$0x3F90] =	vst v63  }
0x46: {  	_ =	swait.ge [sflag:s16], $0x400  }
0x47: {  	[sflag:s16] =	ssyncset.done $0x0  }
0x48: {  	[sflag:s16] =	ssyncadd.s32 $0xFFFFFC00  }
0x49: {  	_ =	swait.ge [sflag:s17], $0x400  }
0x4a: {  	[sflag:s17] =	ssyncset.done $0x0  }
0x4b: {  	[sflag:s17] =	ssyncadd.s32 $0xFFFFFC00  }
0x4c: {  	_ =	swait.ge [sflag:s18], $0x400  }
0x4d: {  	[sflag:s18] =	ssyncset.done $0x0  }
0x4e: {  	[sflag:s18] =	ssyncadd.s32 $0xFFFFFC00  }
0x4f: {  	_ =	swait.ge [sflag:s19], $0x400  }
0x50: {  	s20 =	sadd.s32 $0x1, s20;
	[sflag:s19] =	ssyncset.done $0x0  }
0x51: {  	p0 =	sne.s32 s20, s9;
	[sflag:s19] =	ssyncadd.s32 $0xFFFFFC00  }
.Ltmp1:
0x52: {  	[bflag:$0x0] =	sbarrier.arrive $0xFFFF;
	(pc) =	sbr.rel @p0 .LBB2_1-.Ltmp1, $4  }
0x53: {  	[hbm:s8], [sflag:s6] =	dma.local [spmem:s10], $0x272  }
0x54: {  	_ =	swait.ge [sflag:s11], $0x272  }
0x55: {  	[sflag:s11] =	ssyncset.done $0x0  }
0x56: {  	[sflag:s11] =	ssyncadd.s32 $0xFFFFFD8E  }
0x57: {  	_ =	sfence.sel $0x180000  }
0x58: {  	[bflag:$0x0] =	sbarrier.arrive $0xFFFF  }
0x59: {  	p0 =	sne.s32 s1, $0x0;
	_ =	strace $0x90000047  }
0x5a: {  	s0 =	sadd.s32 @!p0 $0x100000, s0;
	[bflag:$0x2] =	sbarrier.arrive $0xFFFF  }
0x5b: {  	[sflag:s0] =	ssyncadd.tile.s32 @!p0 $0x1;
	_ =	shalt  }
.Lfunc_end2:
_tile_overlayer_lowered:
.L_overlay_start_2:
0x5c: {  	(tag) =	ssettag $0x2  }
0x5d: {  	s0 =	rddreg [dreg:$0x0];
	s2 =	stileid.u32  }
0x5e: {  	s1 =	rddreg [dreg:$0x1];
	p0 =	sne.s32 s2, $0x0  }
0x5f: {  	s3 =	rddreg [dreg:$0x2];
	[bflag:$0x3] =	sbarrier.arrive $0xFFFF;
	s2 =	simm.s32 @!p0 $0x1C05  }
0x60: {  	[timem:s3], [sflag:s2] =	dma.local @!p0 [hbm:s0], s1  }
0x61: {  	s0 =	simm.s32 @!p0 $0x5  }
0x62: {  	_ =	swait.ge @!p0 [sflag:s0], s1  }
0x63: {  	s1 =	ssub.s32 @!p0 $0x0, s1;
	[sflag:s0] =	ssyncset.done @!p0 $0x0  }
0x64: {  	[sflag:s0] =	ssyncadd.s32 @!p0 s1  }
0x65: {  	[bflag:$0x3] =	sbarrier.arrive $0xFFFF  }
0x66: {  	_ =	shalt  }

// kernel: kernel.13.cloned.1.call-start
scs
__scs_entry_jumppad:
0x0: {  	(pc) =	sbr.rel $0x88, $3  }
0x1: {  	(tag) =	ssettag $0x0;
	lr =	simm.s32 $0x1  }
0x2: {  	[smem:$0x3F92] =	sst lr;
	_ =	strace $0xD0000000  }
0x3: {  	_ = 	snop  }
0x4: {  	_ = 	snop  }
0x5: {  	_ = 	snop  }
0x6: {  	_ = 	snop  }
0x7: {  	_ = 	snop  }
__scs_overlays_trampoline_lowered:
0x8: {  	[smem:$0x3FA1] =	sst s0  }
0x9: {  	[smem:$0x3FA2] =	sst s1  }
0xa: {  	[smem:$0x3FA3] =	sst s2  }
0xb: {  	[smem:$0x3FA4] =	sst s3  }
0xc: {  	[smem:$0x3FA5] =	sst s4  }
0xd: {  	[smem:$0x3FA6] =	sst s5  }
0xe: {  	[smem:$0x3FA7] =	sst s6  }
0xf: {  	[smem:$0x3FA8] =	sst s7  }
0x10: {  	[smem:$0x3FA9] =	sst s8  }
0x11: {  	[smem:$0x3FAA] =	sst s9;
	s0 =	simm.s32 @!p0 $0x0  }
0x12: {  	s1 =	sld [smem:$0x3F90];
	s0 =	simm.s32 @p0 $0x1  }
0x13: {  	[smem:$0x3FAB] =	sst s0;
	s0 =	simm.s32 @!p1 $0x0  }
0x14: {  	s2 =	sld [smem:$0x3F8F];
	s0 =	simm.s32 @p1 $0x1  }
0x15: {  	[smem:$0x3FAC] =	sst s0;
	s0 =	simm.s32 @!p2 $0x0  }
0x16: {  	s3 =	sld [smem:$0x3FDB];
	s0 =	simm.s32 @p2 $0x1  }
0x17: {  	s4 =	simm.s32 $0x1BF5;
	[smem:$0x3FAE] =	sst s0  }
0x18: {  	s0 =	sld [smem:$0x3F91];
	_ =	swait.ge [sflag:s4], $0x0  }
0x19: {  	s7 =	sld [smem:$0x3F92]  }
0x1a: {  	s8 =	sadd.s32 $0xFFFFE003, lr  }
0x1b: {  	s9 =	sadd.s32 $0xFFFFFEF7, lr;
	s5 =	simm.s32 $0xFFFFFFFF;
	p2 =	slt.u32 s8, $0xFFFFF086  }
0x1c: {  	p1 =	slt.u32 s9, $0xF7A;
	s5 =	simm.s32 @!p2 $0x0  }
0x1d: {  	s5 =	simm.s32 @p1 $0x1;
	p0 =	seq.s32 s7, s2  }
0x1e: {  	s7 =	smul.u32 @!p0 $0xF7A, s2;
	p2 =	seq.s32 @!p0 s5, $0x0  }
0x1f: {  	s9 =	smul.u32 $0xF7A, s1;
	s8 =	simm.s32 @!p0 $0x1BF5;
	p2 =	por !p2, p0  }
0x20: {  	[sflag:s8] =	ssyncset.s32 @!p0 $0xFFFFF086;
	s6 =	sadd.s32 @!p0 s3, s7;
	s7 =	simm.s32 @!p0 $0x108  }
0x21: {  	s3 =	sadd.s32 s3, s9;
	s6 =	sadd.s32 @!p0 $0x88, s6;
	s7 =	simm.s32 @p2 $0x1082  }
0x22: {  	[simem:s7], [sflag:s8] =	dma.local @!p0 [hbm:s6], $0xF7A  }
0x23: {  	s9 =	sor.u32 $0xD0000000, s2;
	s6 =	simm.s32 $0x108;
	_ =	swait.ge @!p0 [sflag:s8], $0x0  }
0x24: {  	s3 =	sadd.s32 $0x88, s3;
	s6 =	simm.s32 @!p1 $0x1082;
	[sflag:s4] =	ssyncset.s32 $0xFFFFF086  }
0x25: {  	[simem:s6], [sflag:s4] =	dma.local [hbm:s3], $0xF7A  }
0x26: {  	[smem:$0x3F92] =	sst s1;
	(tag) =	ssettag s2;
	_ =	strace s9  }
0x27: {  	s1 =	sld [smem:$0x3FA2]  }
0x28: {  	s2 =	sld [smem:$0x3FA3]  }
0x29: {  	s4 =	sld [smem:$0x3FA5]  }
0x2a: {  	p0 =	seq.s32 s5, $0x0;
	s5 =	sld [smem:$0x3FA6]  }
0x2b: {  	s6 =	sld [smem:$0x3FA7]  }
0x2c: {  	s7 =	sld [smem:$0x3FA8]  }
0x2d: {  	s3 =	simm.s32 $0x108;
	s8 =	sld [smem:$0x3FA9]  }
0x2e: {  	s3 =	simm.s32 @!p0 $0x1082;
	s9 =	sld [smem:$0x3FAA]  }
0x2f: {  	lr =	sadd.s32 s0, s3;
	s0 =	sld [smem:$0x3FA1]  }
0x30: {  	s3 =	sld [smem:$0x3FA4]  }
0x31: {  	[smem:$0x3FAD] =	sst s10  }
0x32: {  	s10 =	sld [smem:$0x3FAB];
	_ =	sdelay $0x3  }
0x33: {  	p0 =	seq.s32 s10, $0x1;
	s10 =	sld [smem:$0x3FAD];
	_ =	sdelay $0x3  }
0x34: {  	[smem:$0x3FAD] =	sst s10  }
0x35: {  	s10 =	sld [smem:$0x3FAC];
	_ =	sdelay $0x3  }
0x36: {  	p1 =	seq.s32 s10, $0x1;
	s10 =	sld [smem:$0x3FAD];
	_ =	sdelay $0x3  }
0x37: {  	[smem:$0x3FAD] =	sst s10  }
0x38: {  	s10 =	sld [smem:$0x3FAE]  }
0x39: {  	_ = 	snop;
	(pc) =	sbr.ind lr, $3  }
0x3a: {  	_ = 	snop  }
0x3b: {  	_ = 	snop  }
0x3c: {  	p2 =	seq.s32 s10, $0x1;
	s10 =	sld [smem:$0x3FAD]  }
0x3d: {  	_ =	shalt  }
0x3e: {  	_ =	shalt  }
0x3f: {  	_ =	shalt  }
0x40: {  	_ =	shalt  }
0x41: {  	_ =	shalt  }
0x42: {  	_ =	shalt  }
0x43: {  	_ =	shalt  }
0x44: {  	_ =	shalt  }
0x45: {  	_ =	shalt  }
0x46: {  	_ =	shalt  }
0x47: {  	_ =	shalt  }
0x48: {  	_ =	shalt  }
0x49: {  	_ =	shalt  }
0x4a: {  	_ =	shalt  }
0x4b: {  	_ =	shalt  }
0x4c: {  	_ =	shalt  }
0x4d: {  	_ =	shalt  }
0x4e: {  	_ =	shalt  }
0x4f: {  	_ =	shalt  }
0x50: {  	_ =	shalt  }
0x51: {  	_ =	shalt  }
0x52: {  	_ =	shalt  }
0x53: {  	_ =	shalt  }
0x54: {  	_ =	shalt  }
0x55: {  	_ =	shalt  }
0x56: {  	_ =	shalt  }
0x57: {  	_ =	shalt  }
0x58: {  	_ =	shalt  }
0x59: {  	_ =	shalt  }
0x5a: {  	_ =	shalt  }
0x5b: {  	_ =	shalt  }
0x5c: {  	_ =	shalt  }
0x5d: {  	_ =	shalt  }
0x5e: {  	_ =	shalt  }
0x5f: {  	_ =	shalt  }
0x60: {  	_ =	shalt  }
0x61: {  	_ =	shalt  }
0x62: {  	_ =	shalt  }
0x63: {  	_ =	shalt  }
0x64: {  	_ =	shalt  }
0x65: {  	_ =	shalt  }
0x66: {  	_ =	shalt  }
0x67: {  	_ =	shalt  }
0x68: {  	_ =	shalt  }
0x69: {  	_ =	shalt  }
0x6a: {  	_ =	shalt  }
0x6b: {  	_ =	shalt  }
0x6c: {  	_ =	shalt  }
0x6d: {  	_ =	shalt  }
0x6e: {  	_ =	shalt  }
0x6f: {  	_ =	shalt  }
0x70: {  	_ =	shalt  }
0x71: {  	_ =	shalt  }
0x72: {  	_ =	shalt  }
0x73: {  	_ =	shalt  }
0x74: {  	_ =	shalt  }
0x75: {  	_ =	shalt  }
0x76: {  	_ =	shalt  }
0x77: {  	_ =	shalt  }
0x78: {  	_ =	shalt  }
0x79: {  	_ =	shalt  }
0x7a: {  	_ =	shalt  }
0x7b: {  	_ =	shalt  }
0x7c: {  	_ =	shalt  }
0x7d: {  	_ =	shalt  }
0x7e: {  	_ =	shalt  }
0x7f: {  	_ =	shalt  }
0x80: {  	_ =	shalt  }
0x81: {  	_ =	shalt  }
0x82: {  	_ =	shalt  }
0x83: {  	_ =	shalt  }
0x84: {  	_ =	shalt  }
0x85: {  	_ =	shalt  }
0x86: {  	_ =	shalt  }
0x87: {  	_ =	shalt  }
.Lfunc_end0:
.L_simem_size_0:
called_computation.1_lowered:
.L_overlay_start_0:
0x88: {  	s2 =	sld [smem:$0x3FD9]  }
0x89: {  	s3 =	sld [smem:$0x3FFE];
	_ =	sdelay $0x1  }
0x8a: {  	s1 =	srdreg.scid  }
0x8b: {  	s0 =	sand.u32 $0x1, s1  }
0x8c: {  	s16 =	sshll.u32 s0, $0xA;
	s2 =	sadd.s32 s3, s2  }
0x8d: {  	s2 =	sadd.s32 s2, s16  }
0x8e: {  	[smem:$0x3FB9] =	sst s2  }
0x8f: {  	_ = 	snop  }
0x90: {  	(tm) =	ssettm $0x1  }
0x91: {  	s17 =	sld [smem:$0x3FFB];
	_ =	sdelay $0x3  }
0x92: {  	_ =	strace s17  }
0x93: {  	s2 =	sld [smem:$0x3FFC];
	_ =	sdelay $0x3  }
0x94: {  	_ =	strace s2  }
0x95: {  	s2 =	sld [smem:$0x3FFD];
	_ =	sdelay $0x3  }
0x96: {  	_ =	strace s2  }
0x97: {  	_ =	strace $0x8FFFFFFF  }
0x98: {  	s18 =	sld [smem:$0x3FDB];
	_ =	sdelay $0x1  }
0x99: {  	s19 =	simm.s32 $_scs_section_size  }
0x9a: {  	s4 =	simm.s32 $_size__tile_overlayer_lowered;
	s5 =	simm.s32 $_tile_overlayer_lowered  }
0x9b: {  	s22 =	simm.s32 $0x1BFF;
	s21 =	sshll.u32 s5, $0x1;
	s2 =	sadd.s32 s19, s18  }
0x9c: {  	s6 =	simm.s32 $0x0;
	s20 =	sshll.u32 s4, $0x1;
	s4 =	sadd.s32 s21, s2  }
0x9d: {  	[timem:s6], [sflag:s22] =	dma.local [hbm:s4], s20  }
0x9e: {  	_ =	swait.ge [sflag:s22], s20  }
0x9f: {  	s3 =	ssub.s32 $0x0, s20;
	[sflag:s22] =	ssyncset.done $0x0  }
0xa0: {  	[sflag:s22] =	ssyncadd.s32 s3;
	_ =	sdelay $0x1  }
0xa1: {  	s23 =	simm.s32 $0x1B8B  }
0xa2: {  	_ =	swait.ge [sflag:s23], $0x1  }
0xa3: {  	[sflag:s23] =	ssyncset.done $0x0  }
0xa4: {  	s25 =	simm.s32 $0x1B8E;
	s24 =	sld [smem:$0x3FFE];
	[sflag:s23] =	ssyncadd.s32 $0xFFFFFFFF  }
0xa5: {  	s26 =	simm.s32 $execute0_lowered;
	[smem:$0x3FD2] =	sst s25  }
0xa6: {  	s4 =	sshll.u32 s26, $0x1;
	_ =	strace $0x80000049;
	[dreg:$0x1] =	wrdreg $0xFFFFFFFF  }
0xa7: {  	s28 =	simm.s32 $_size_execute0_lowered;
	s2 =	sadd.s32 s2, s4;
	[dreg:$0x0] =	wrdreg $0x0  }
0xa8: {  	s4 =	sshll.u32 s28, $0x1;
	[dreg:$0x2] =	wrdreg s2  }
0xa9: {  	[dreg:$0x3] =	wrdreg s4  }
0xaa: {  	[dreg:$0x4] =	wrdreg $0xC0  }
0xab: {  	_ =	task [dreg:s6], $0x5FFFF  }
0xac: {  	[dreg:$0x1] =	wrdreg $0xFFFFFFFF  }
0xad: {  	[dreg:$0x0] =	wrdreg $0x60  }
0xae: {  	[dreg:$0x2] =	wrdreg s24  }
0xaf: {  	[dreg:$0x3] =	wrdreg $0xE0000  }
0xb0: {  	[dreg:$0x4] =	wrdreg $0x12E400  }
0xb1: {  	[dreg:$0x5] =	wrdreg $0x9  }
0xb2: {  	_ =	task.clear_ibuf [dreg:s6], $0x6FFFF;
	_ =	strace $0x90000049  }
0xb3: {  	s29 =	simm.s32 $0x9;
	_ =	strace $0x8000004B  }
0xb4: {  	_ =	swait.ge [sflag:s29], $0x1  }
0xb5: {  	[sflag:s29] =	ssyncadd.s32 $0xFFFFFFFF  }
0xb6: {  	_ =	strace $0x9000004B  }
0xb7: {  	_ =	sfence  }
0xb8: {  	s30 =	sld [smem:$0x0];
	_ =	sdelay $0x2  }
0xb9: {  	s31 =	sshll.u32 s1, $0xD;
	s1 =	sshrl.u32 s1, $0x2  }
0xba: {  	s3 =	sand.u32 $0x4000, s31;
	s1 =	sadd.s32 s1, s30  }
0xbb: {  	s0 =	sor.u32 s3, s0;
	s1 =	sshll.u32 s1, $0x11  }
0xbc: {  	s0 =	sor.u32 s1, s0  }
0xbd: {  	s0 =	sadd.s32 $0x8F2B, s0  }
0xbe: {  	[sflag:s0] =	ssyncadd.remote.s32 $0x1  }
0xbf: {  	_ =	sfence.sel $0xFFFF  }
0xc0: {  	[dreg:$0x0] =	wrdreg $0xFFFFFFFF;
	(pc) =	sbr.abs _section_cstart, $3  }
0xc1: {  	[dreg:$0x1] =	wrdreg $0xFFFFFFFF  }
0xc2: {  	_ =	task.clear_ibuf [dreg:s6], $0x2FFFF;
	_ =	strace $0x9FFFFFFF  }
0xc3: {  	(tm) =	ssettm $0x7FFFFFFF  }
tec
execute0_lowered:
.L_overlay_start_1:
0x0: {  	(tag) =	ssettag $0x1  }
0x1: {  	s0 =	rddreg [dreg:$0x0]  }
0x2: {  	s2 =	rddreg [dreg:$0x1]  }
0x3: {  	s3 =	rddreg [dreg:$0x2]  }
0x4: {  	s1 =	srdreg.scid;
	s11 =	stileid.u32  }
0x5: {  	s4 =	simm.s32 $0x0;
	s13 =	simm.s32 $0x9;
	s14 =	simm.s32 $0x5000  }
0x6: {  	s16 =	simm.s32 $0x1;
	s17 =	simm.s32 $0x4;
	s18 =	simm.s32 $0x8  }
0x7: {  	s19 =	simm.s32 $0x80;
	s29 =	simm.s32 $0x5;
	s5 =	smul.u32 $0x9C40, s11  }
0x8: {  	s31 =	simm.s32 $0x3;
	s28 =	simm.s32 $0x7;
	s7 =	smul.u32 $0xA00, s11  }
0x9: {  	s1 =	sand.u32 $0x1, s1;
	[smem:$0x7FF] =	sst s4;
	s8 =	smul.u32 $0x9C80, s11  }
0xa: {  	s21 =	smul.u32 $0x13900, s11;
	s22 =	sadd.s32 $0xD400, s0;
	s24 =	sshll.u32 s11, $0x6  }
0xb: {  	s11 =	smul.u32 $0x13880, s11;
	s6 =	sshll.u32 s1, $0x5;
	_ =	strace $0x8000004A  }
0xc: {  	s1 =	ssub.s32 $0x2, s1;
	[dreg:$0x4] =	wrdreg s22;
	s5 =	sor.u32 s6, s5  }
0xd: {  	s10 =	sadd.s32 s7, s0;
	s20 =	sor.u32 s6, s8;
	s23 =	sshrl.u32 s1, $0x1  }
0xe: {  	s7 =	sshrl.u32 s21, $0x2;
	s30 =	sshrl.u32 s11, $0x2;
	s21 =	simm.s32 $0xB000  }
0xf: {  	s5 =	sshrl.u32 s5, $0x3;
	s6 =	sshrl.u32 s20, $0x3;
	s1 =	ssub.s32 s1, s23  }
0x10: {  	s12 =	sadd.s32 s7, s2;
	s25 =	sadd.s32 $0x12400, s10;
	s26 =	sadd.s32 $0x3400, s10  }
0x11: {  	s15 =	sadd.s32 s30, s3;
	s20 =	simm.s32 $0xA000;
	s23 =	simm.s32 $0xC000  }
.Ltmp0:
0x12: {  	s9 =	sadd.s32 s5, s0;
	[dreg:$0x5] =	wrdreg s25;
	(pc) =	sbr.rel .LBB2_1-.Ltmp0, $4  }
0x13: {  	s0 =	sadd.s32 s6, s0;
	s6 =	sor.u32 $0x1C09, s24;
	[dreg:$0x6] =	wrdreg s26  }
0x14: {  	s11 =	smax.u32 s1, $0x1;
	s12 =	sshrl.u32 s12, $0x3;
	s15 =	sshrl.u32 s15, $0x3  }
0x15: {  	s25 =	simm.s32 $0xD000;
	s26 =	simm.s32 $0x2;
	s1 =	simm.s32 $0x6  }
0x16: {  	s9 =	sadd.s32 $0x6A800, s9;
	s10 =	sadd.s32 $0x7E200, s0;
	s0 =	simm.s32 $0x0  }
.LBB2_4:
0x17: {  	_ =	swait.ge [sflag:s18], $0x1000  }
0x18: {  	s0 =	sadd.s32 $0x1, s0;
	[sflag:s18] =	ssyncset.done $0x0  }
0x19: {  	p0 =	sne.s32 s0, s11;
	[sflag:s18] =	ssyncadd.s32 $0xFFFFF000  }
.Ltmp1:
0x1a: {  	[bflag:$0x0] =	sbarrier.arrive $0xFFFF;
	(pc) =	sbr.rel @!p0 .LBB2_5-.Ltmp1, $4  }
0x1b: {  	[hbm:s10@s18], [sflag:s6] =	dma.strided [spmem:s12@s17], $0x9C8, s16, $0x4   }
0x1c: {  	_ =	swait.ge [sflag:s13], $0x9C8  }
0x1d: {  	[sflag:s13] =	ssyncset.done $0x0  }
0x1e: {  	[sflag:s13] =	ssyncadd.s32 $0xFFFFF638  }
.LBB2_1:
0x1f: {  	s5 =	rddreg [dreg:$0x4]  }
0x20: {  	[spmem:s12], [sflag:s6] =	dma.local [hbm:s5], $0x9C8  }
0x21: {  	_ =	swait.ge [sflag:s13], $0x9C8  }
0x22: {  	[sflag:s13] =	ssyncset.done $0x0  }
0x23: {  	s7 =	rddreg [dreg:$0x5];
	[sflag:s13] =	ssyncadd.s32 $0xFFFFF638  }
0x24: {  	[tilespmem:s4], [sflag:$0x9] =	stream.linear.gather [hbm4b:s7+s4], $0x5000, $0x38;
	[tilespmem:$0x17C60] =	vst v63  }
0x25: {  	_ =	swait.ge [sflag:s13], $0x5000  }
0x26: {  	[sflag:s13] =	ssyncset.done $0x0  }
0x27: {  	s8 =	rddreg [dreg:$0x6];
	[sflag:s13] =	ssyncadd.s32 $0xFFFFB000  }
0x28: {  	[tilespmem:s14], [sflag:$0x9] =	stream.linear.gather [hbm4b:s8+s4], $0x5000, $0x38;
	[tilespmem:$0x17C60] =	vst v63  }
0x29: {  	_ =	swait.ge [sflag:s13], $0x5000  }
0x2a: {  	[sflag:s13] =	ssyncset.done $0x0  }
0x2b: {  	[sflag:s13] =	ssyncadd.s32 $0xFFFFB000  }
0x2c: {  	[spmem:s15@s17], [sflag:s6] =	dma.strided [hbm:s9@s18], $0x9C4, s16, $0x4   }
0x2d: {  	_ =	swait.ge [sflag:s13], $0x9C4  }
0x2e: {  	[sflag:s13] =	ssyncset.done $0x0  }
0x2f: {  	[sflag:s13] =	ssyncadd.s32 $0xFFFFF63C  }
0x30: {  	[bflag:$0x0] =	sbarrier.arrive $0xFFFF  }
0x31: {  	[tilespmem:s20], [sflag:$0x1] =	stream.indirect.gather [spmem:s3], $0x20, s4, s19, $0xb8;
	[tilespmem:$0x17C60] =	vst v63  }
0x32: {  	_ = 	snop  }
0x33: {  	[tilespmem:s21], [sflag:$0x2] =	stream.indirect.gather [spmem:s3], $0x20, s19, s19, $0xb8;
	[tilespmem:$0x17C60] =	vst v63  }
0x34: {  	s22 =	simm.s32 $0x100  }
0x35: {  	[tilespmem:s23], [sflag:$0x3] =	stream.indirect.gather [spmem:s3], $0x20, s22, s19, $0xb8;
	[tilespmem:$0x17C60] =	vst v63  }
0x36: {  	s24 =	simm.s32 $0x180  }
0x37: {  	[tilespmem:s25], [sflag:$0x4] =	stream.indirect.gather [spmem:s3], $0x20, s24, s19, $0xb8;
	[tilespmem:$0x17C60] =	vst v63  }
0x38: {  	_ =	swait.ge [sflag:s16], $0x1000  }
0x39: {  	[sflag:s16] =	ssyncset.done $0x0  }
0x3a: {  	[sflag:s16] =	ssyncadd.s32 $0xFFFFF000  }
0x3b: {  	[spmem:s2] =	stream.indirect.scatter.add.f32 [tilespmem:s20], [sflag:$0x5], $0x20, s14, s19, $0xb8;
	[tilespmem:$0x17C60] =	vst v63  }
0x3c: {  	_ =	swait.ge [sflag:s26], $0x1000  }
0x3d: {  	[sflag:s26] =	ssyncset.done $0x0  }
0x3e: {  	s30 =	simm.s32 $0x5080;
	[sflag:s26] =	ssyncadd.s32 $0xFFFFF000  }
0x3f: {  	[spmem:s2] =	stream.indirect.scatter.add.f32 [tilespmem:s21], [sflag:$0x6], $0x20, s30, s19, $0xb8;
	[tilespmem:$0x17C60] =	vst v63  }
0x40: {  	_ =	swait.ge [sflag:s29], $0x1000  }
0x41: {  	[sflag:s29] =	ssyncset.done $0x0  }
0x42: {  	s7 =	simm.s32 $0x200;
	[sflag:s29] =	ssyncadd.s32 $0xFFFFF000  }
0x43: {  	[tilespmem:s20], [sflag:$0x1] =	stream.indirect.gather [spmem:s3], $0x20, s7, s19, $0xb8;
	[tilespmem:$0x17C60] =	vst v63  }
0x44: {  	_ =	swait.ge [sflag:s31], $0x1000  }
0x45: {  	[sflag:s31] =	ssyncset.done $0x0  }
0x46: {  	s8 =	simm.s32 $0x5100;
	[sflag:s31] =	ssyncadd.s32 $0xFFFFF000  }
0x47: {  	[spmem:s2] =	stream.indirect.scatter.add.f32 [tilespmem:s23], [sflag:$0x7], $0x20, s8, s19, $0xb8;
	[tilespmem:$0x17C60] =	vst v63  }
0x48: {  	_ =	swait.ge [sflag:s1], $0x1000  }
0x49: {  	[sflag:s1] =	ssyncset.done $0x0  }
0x4a: {  	s22 =	simm.s32 $0x280;
	[sflag:s1] =	ssyncadd.s32 $0xFFFFF000  }
0x4b: {  	[tilespmem:s21], [sflag:$0x2] =	stream.indirect.gather [spmem:s3], $0x20, s22, s19, $0xb8;
	[tilespmem:$0x17C60] =	vst v63  }
0x4c: {  	_ =	swait.ge [sflag:s17], $0x1000  }
0x4d: {  	[sflag:s17] =	ssyncset.done $0x0  }
0x4e: {  	s24 =	simm.s32 $0x5180;
	[sflag:s17] =	ssyncadd.s32 $0xFFFFF000  }
0x4f: {  	[spmem:s2] =	stream.indirect.scatter.add.f32 [tilespmem:s25], [sflag:$0x8], $0x20, s24, s19, $0xb8;
	[tilespmem:$0x17C60] =	vst v63  }
0x50: {  	_ =	swait.ge [sflag:s28], $0x1000  }
0x51: {  	[sflag:s28] =	ssyncset.done $0x0  }
0x52: {  	s30 =	simm.s32 $0x300;
	s22 =	simm.s32 $0x0;
	[sflag:s28] =	ssyncadd.s32 $0xFFFFF000  }
0x53: {  	[tilespmem:s23], [sflag:$0x3] =	stream.indirect.gather [spmem:s3], $0x20, s30, s19, $0xb8;
	[tilespmem:$0x17C60] =	vst v63  }
.LBB2_2:
0x54: {  	_ =	swait.ge [sflag:s16], $0x1000  }
0x55: {  	s24 =	sshra.s32 s22, $0x2;
	[sflag:s16] =	ssyncset.done $0x0  }
0x56: {  	s30 =	sadd.s32 $0x5200, s24;
	[sflag:s16] =	ssyncadd.s32 $0xFFFFF000  }
0x57: {  	[spmem:s2] =	stream.indirect.scatter.add.f32 [tilespmem:s20], [sflag:$0x5], $0x20, s30, s19, $0xb8;
	[tilespmem:$0x17C60] =	vst v63  }
0x58: {  	_ =	swait.ge [sflag:s18], $0x1000  }
0x59: {  	[sflag:s18] =	ssyncset.done $0x0  }
0x5a: {  	s7 =	sadd.s32 $0x380, s24;
	[sflag:s18] =	ssyncadd.s32 $0xFFFFF000  }
0x5b: {  	[tilespmem:s25], [sflag:$0x4] =	stream.indirect.gather [spmem:s3], $0x20, s7, s19, $0xb8;
	[tilespmem:$0x17C60] =	vst v63  }
0x5c: {  	_ =	swait.ge [sflag:s26], $0x1000  }
0x5d: {  	[sflag:s26] =	ssyncset.done $0x0  }
0x5e: {  	s8 =	sadd.s32 $0x5280, s24;
	[sflag:s26] =	ssyncadd.s32 $0xFFFFF000  }
0x5f: {  	[spmem:s2] =	stream.indirect.scatter.add.f32 [tilespmem:s21], [sflag:$0x6], $0x20, s8, s19, $0xb8;
	[tilespmem:$0x17C60] =	vst v63  }
0x60: {  	_ =	swait.ge [sflag:s29], $0x1000  }
0x61: {  	p0 =	seq.s32 s22, $0x13000;
	[sflag:s29] =	ssyncset.done $0x0  }
0x62: {  	s30 =	simm.s32 @p0 $0x3;
	[sflag:s29] =	ssyncadd.s32 $0xFFFFF000  }
0x63: {  	_ =	swait.ge @p0 [sflag:s30], $0x1000  }
0x64: {  	[sflag:s30] =	ssyncset.done @p0 $0x0  }
0x65: {  	[sflag:s30] =	ssyncadd.s32 @p0 $0xFFFFF000;
	s30 =	sshra.s32 @p0 s22, $0x2  }
0x66: {  	s5 =	simm.s32 @p0 $0x80;
	s7 =	simm.s32 @p0 $0xC000;
	s30 =	sadd.s32 @p0 $0x5300, s30  }
0x67: {  	[spmem:s2] =	stream.indirect.scatter.add.f32 @p0 [tilespmem:s7], [sflag:$0x7], $0x20, s30, s5, $0xb8;
	[tilespmem:$0x17C60] =	vst v63  }
0x68: {  	s5 =	simm.s32 @p0 $0x6  }
0x69: {  	_ =	swait.ge @p0 [sflag:s5], $0x1000  }
0x6a: {  	[sflag:s5] =	ssyncset.done @p0 $0x0  }
0x6b: {  	[sflag:s5] =	ssyncadd.s32 @p0 $0xFFFFF000;
	s5 =	sshra.s32 @!p0 s22, $0x2  }
0x6c: {  	s8 =	simm.s32 @!p0 $0xA000;
	s30 =	simm.s32 @!p0 $0x80;
	s7 =	sadd.s32 @!p0 $0x400, s5  }
0x6d: {  	[tilespmem:s8], [sflag:$0x1] =	stream.indirect.gather @!p0 [spmem:s3], $0x20, s7, s30, $0xb8;
	[tilespmem:$0x17C60] =	vst v63  }
0x6e: {  	s7 =	simm.s32 @!p0 $0x3  }
0x6f: {  	_ =	swait.ge @!p0 [sflag:s7], $0x1000  }
0x70: {  	[sflag:s7] =	ssyncset.done @!p0 $0x0  }
0x71: {  	s8 =	simm.s32 @!p0 $0xC000;
	[sflag:s7] =	ssyncadd.s32 @!p0 $0xFFFFF000;
	s7 =	sadd.s32 @!p0 $0x5300, s5  }
0x72: {  	[spmem:s2] =	stream.indirect.scatter.add.f32 @!p0 [tilespmem:s8], [sflag:$0x7], $0x20, s7, s30, $0xb8;
	[tilespmem:$0x17C60] =	vst v63  }
0x73: {  	s7 =	simm.s32 @!p0 $0x6  }
0x74: {  	_ =	swait.ge @!p0 [sflag:s7], $0x1000  }
0x75: {  	[sflag:s7] =	ssyncset.done @!p0 $0x0  }
0x76: {  	s5 =	sadd.s32 @!p0 $0x480, s5;
	[sflag:s7] =	ssyncadd.s32 @!p0 $0xFFFFF000;
	s7 =	simm.s32 @!p0 $0xB000  }
0x77: {  	[tilespmem:s7], [sflag:$0x2] =	stream.indirect.gather @!p0 [spmem:s3], $0x20, s5, s30, $0xb8;
	[tilespmem:$0x17C60] =	vst v63  }
0x78: {  	_ =	swait.ge [sflag:s17], $0x1000  }
0x79: {  	[sflag:s17] =	ssyncset.done $0x0  }
.Ltmp2:
0x7a: {  	s30 =	sadd.s32 $0x5380, s24;
	[sflag:s17] =	ssyncadd.s32 $0xFFFFF000;
	(pc) =	sbr.rel @p0 .LBB2_4-.Ltmp2, $4  }
0x7b: {  	[spmem:s2] =	stream.indirect.scatter.add.f32 [tilespmem:s25], [sflag:$0x8], $0x20, s30, s19, $0xb8;
	[tilespmem:$0x17C60] =	vst v63  }
0x7c: {  	_ =	swait.ge [sflag:s28], $0x1000  }
0x7d: {  	[sflag:s28] =	ssyncset.done $0x0  }
0x7e: {  	[sflag:s28] =	ssyncadd.s32 $0xFFFFF000  }
.Ltmp3:
0x7f: {  	(pc) =	sbr.rel .LBB2_2-.Ltmp3, $3  }
0x80: {  	_ =	sdelay $0x1  }
0x81: {  	s5 =	sadd.s32 $0x500, s24;
	s22 =	sadd.s32 $0x800, s22  }
0x82: {  	[tilespmem:s23], [sflag:$0x3] =	stream.indirect.gather [spmem:s3], $0x20, s5, s19, $0xb8;
	[tilespmem:$0x17C60] =	vst v63  }
.LBB2_5:
0x83: {  	_ =	sfence.sel $0x180000  }
0x84: {  	[bflag:$0x0] =	sbarrier.arrive $0xFFFF  }
0x85: {  	_ =	strace $0x9000004A  }
0x86: {  	s0 =	stileid.u32;
	[bflag:$0x2] =	sbarrier.arrive $0xFFFF  }
0x87: {  	p0 =	sne.s32 s0, $0x0;
	s0 =	rddreg [dreg:$0x3]  }
0x88: {  	s0 =	sadd.s32 @!p0 $0x100000, s0  }
0x89: {  	[sflag:s0] =	ssyncadd.tile.s32 @!p0 $0x1;
	_ =	shalt  }
.Lfunc_end2:
_tile_overlayer_lowered:
.L_overlay_start_2:
0x8a: {  	(tag) =	ssettag $0x2  }
0x8b: {  	s0 =	rddreg [dreg:$0x0];
	s2 =	stileid.u32  }
0x8c: {  	s1 =	rddreg [dreg:$0x1];
	p0 =	sne.s32 s2, $0x0  }
0x8d: {  	s3 =	rddreg [dreg:$0x2];
	[bflag:$0x3] =	sbarrier.arrive $0xFFFF;
	s2 =	simm.s32 @!p0 $0x1C09  }
0x8e: {  	[timem:s3], [sflag:s2] =	dma.local @!p0 [hbm:s0], s1  }
0x8f: {  	s0 =	simm.s32 @!p0 $0x9  }
0x90: {  	_ =	swait.ge @!p0 [sflag:s0], s1  }
0x91: {  	s1 =	ssub.s32 @!p0 $0x0, s1;
	[sflag:s0] =	ssyncset.done @!p0 $0x0  }
0x92: {  	[sflag:s0] =	ssyncadd.s32 @!p0 s1  }
0x93: {  	[bflag:$0x3] =	sbarrier.arrive $0xFFFF  }
0x94: {  	_ =	shalt  }

// kernel: kernel.16.cloned.1.call-start
scs
__scs_entry_jumppad:
0x0: {  	(pc) =	sbr.rel $0x88, $3  }
0x1: {  	(tag) =	ssettag $0x0;
	lr =	simm.s32 $0x1  }
0x2: {  	[smem:$0x3F92] =	sst lr;
	_ =	strace $0xD0000000  }
0x3: {  	_ = 	snop  }
0x4: {  	_ = 	snop  }
0x5: {  	_ = 	snop  }
0x6: {  	_ = 	snop  }
0x7: {  	_ = 	snop  }
__scs_overlays_trampoline_lowered:
0x8: {  	[smem:$0x3FA1] =	sst s0  }
0x9: {  	[smem:$0x3FA2] =	sst s1  }
0xa: {  	[smem:$0x3FA3] =	sst s2  }
0xb: {  	[smem:$0x3FA4] =	sst s3  }
0xc: {  	[smem:$0x3FA5] =	sst s4  }
0xd: {  	[smem:$0x3FA6] =	sst s5  }
0xe: {  	[smem:$0x3FA7] =	sst s6  }
0xf: {  	[smem:$0x3FA8] =	sst s7  }
0x10: {  	[smem:$0x3FA9] =	sst s8  }
0x11: {  	[smem:$0x3FAA] =	sst s9;
	s0 =	simm.s32 @!p0 $0x0  }
0x12: {  	s1 =	sld [smem:$0x3F90];
	s0 =	simm.s32 @p0 $0x1  }
0x13: {  	[smem:$0x3FAB] =	sst s0;
	s0 =	simm.s32 @!p1 $0x0  }
0x14: {  	s2 =	sld [smem:$0x3F8F];
	s0 =	simm.s32 @p1 $0x1  }
0x15: {  	[smem:$0x3FAC] =	sst s0;
	s0 =	simm.s32 @!p2 $0x0  }
0x16: {  	s3 =	sld [smem:$0x3FDB];
	s0 =	simm.s32 @p2 $0x1  }
0x17: {  	s4 =	simm.s32 $0x1BF5;
	[smem:$0x3FAE] =	sst s0  }
0x18: {  	s0 =	sld [smem:$0x3F91];
	_ =	swait.ge [sflag:s4], $0x0  }
0x19: {  	s7 =	sld [smem:$0x3F92]  }
0x1a: {  	s8 =	sadd.s32 $0xFFFFE003, lr  }
0x1b: {  	s9 =	sadd.s32 $0xFFFFFEF7, lr;
	s5 =	simm.s32 $0xFFFFFFFF;
	p2 =	slt.u32 s8, $0xFFFFF086  }
0x1c: {  	p1 =	slt.u32 s9, $0xF7A;
	s5 =	simm.s32 @!p2 $0x0  }
0x1d: {  	s5 =	simm.s32 @p1 $0x1;
	p0 =	seq.s32 s7, s2  }
0x1e: {  	s7 =	smul.u32 @!p0 $0xF7A, s2;
	p2 =	seq.s32 @!p0 s5, $0x0  }
0x1f: {  	s9 =	smul.u32 $0xF7A, s1;
	s8 =	simm.s32 @!p0 $0x1BF5;
	p2 =	por !p2, p0  }
0x20: {  	[sflag:s8] =	ssyncset.s32 @!p0 $0xFFFFF086;
	s6 =	sadd.s32 @!p0 s3, s7;
	s7 =	simm.s32 @!p0 $0x108  }
0x21: {  	s3 =	sadd.s32 s3, s9;
	s6 =	sadd.s32 @!p0 $0x88, s6;
	s7 =	simm.s32 @p2 $0x1082  }
0x22: {  	[simem:s7], [sflag:s8] =	dma.local @!p0 [hbm:s6], $0xF7A  }
0x23: {  	s9 =	sor.u32 $0xD0000000, s2;
	s6 =	simm.s32 $0x108;
	_ =	swait.ge @!p0 [sflag:s8], $0x0  }
0x24: {  	s3 =	sadd.s32 $0x88, s3;
	s6 =	simm.s32 @!p1 $0x1082;
	[sflag:s4] =	ssyncset.s32 $0xFFFFF086  }
0x25: {  	[simem:s6], [sflag:s4] =	dma.local [hbm:s3], $0xF7A  }
0x26: {  	[smem:$0x3F92] =	sst s1;
	(tag) =	ssettag s2;
	_ =	strace s9  }
0x27: {  	s1 =	sld [smem:$0x3FA2]  }
0x28: {  	s2 =	sld [smem:$0x3FA3]  }
0x29: {  	s4 =	sld [smem:$0x3FA5]  }
0x2a: {  	p0 =	seq.s32 s5, $0x0;
	s5 =	sld [smem:$0x3FA6]  }
0x2b: {  	s6 =	sld [smem:$0x3FA7]  }
0x2c: {  	s7 =	sld [smem:$0x3FA8]  }
0x2d: {  	s3 =	simm.s32 $0x108;
	s8 =	sld [smem:$0x3FA9]  }
0x2e: {  	s3 =	simm.s32 @!p0 $0x1082;
	s9 =	sld [smem:$0x3FAA]  }
0x2f: {  	lr =	sadd.s32 s0, s3;
	s0 =	sld [smem:$0x3FA1]  }
0x30: {  	s3 =	sld [smem:$0x3FA4]  }
0x31: {  	[smem:$0x3FAD] =	sst s10  }
0x32: {  	s10 =	sld [smem:$0x3FAB];
	_ =	sdelay $0x3  }
0x33: {  	p0 =	seq.s32 s10, $0x1;
	s10 =	sld [smem:$0x3FAD];
	_ =	sdelay $0x3  }
0x34: {  	[smem:$0x3FAD] =	sst s10  }
0x35: {  	s10 =	sld [smem:$0x3FAC];
	_ =	sdelay $0x3  }
0x36: {  	p1 =	seq.s32 s10, $0x1;
	s10 =	sld [smem:$0x3FAD];
	_ =	sdelay $0x3  }
0x37: {  	[smem:$0x3FAD] =	sst s10  }
0x38: {  	s10 =	sld [smem:$0x3FAE]  }
0x39: {  	_ = 	snop;
	(pc) =	sbr.ind lr, $3  }
0x3a: {  	_ = 	snop  }
0x3b: {  	_ = 	snop  }
0x3c: {  	p2 =	seq.s32 s10, $0x1;
	s10 =	sld [smem:$0x3FAD]  }
0x3d: {  	_ =	shalt  }
0x3e: {  	_ =	shalt  }
0x3f: {  	_ =	shalt  }
0x40: {  	_ =	shalt  }
0x41: {  	_ =	shalt  }
0x42: {  	_ =	shalt  }
0x43: {  	_ =	shalt  }
0x44: {  	_ =	shalt  }
0x45: {  	_ =	shalt  }
0x46: {  	_ =	shalt  }
0x47: {  	_ =	shalt  }
0x48: {  	_ =	shalt  }
0x49: {  	_ =	shalt  }
0x4a: {  	_ =	shalt  }
0x4b: {  	_ =	shalt  }
0x4c: {  	_ =	shalt  }
0x4d: {  	_ =	shalt  }
0x4e: {  	_ =	shalt  }
0x4f: {  	_ =	shalt  }
0x50: {  	_ =	shalt  }
0x51: {  	_ =	shalt  }
0x52: {  	_ =	shalt  }
0x53: {  	_ =	shalt  }
0x54: {  	_ =	shalt  }
0x55: {  	_ =	shalt  }
0x56: {  	_ =	shalt  }
0x57: {  	_ =	shalt  }
0x58: {  	_ =	shalt  }
0x59: {  	_ =	shalt  }
0x5a: {  	_ =	shalt  }
0x5b: {  	_ =	shalt  }
0x5c: {  	_ =	shalt  }
0x5d: {  	_ =	shalt  }
0x5e: {  	_ =	shalt  }
0x5f: {  	_ =	shalt  }
0x60: {  	_ =	shalt  }
0x61: {  	_ =	shalt  }
0x62: {  	_ =	shalt  }
0x63: {  	_ =	shalt  }
0x64: {  	_ =	shalt  }
0x65: {  	_ =	shalt  }
0x66: {  	_ =	shalt  }
0x67: {  	_ =	shalt  }
0x68: {  	_ =	shalt  }
0x69: {  	_ =	shalt  }
0x6a: {  	_ =	shalt  }
0x6b: {  	_ =	shalt  }
0x6c: {  	_ =	shalt  }
0x6d: {  	_ =	shalt  }
0x6e: {  	_ =	shalt  }
0x6f: {  	_ =	shalt  }
0x70: {  	_ =	shalt  }
0x71: {  	_ =	shalt  }
0x72: {  	_ =	shalt  }
0x73: {  	_ =	shalt  }
0x74: {  	_ =	shalt  }
0x75: {  	_ =	shalt  }
0x76: {  	_ =	shalt  }
0x77: {  	_ =	shalt  }
0x78: {  	_ =	shalt  }
0x79: {  	_ =	shalt  }
0x7a: {  	_ =	shalt  }
0x7b: {  	_ =	shalt  }
0x7c: {  	_ =	shalt  }
0x7d: {  	_ =	shalt  }
0x7e: {  	_ =	shalt  }
0x7f: {  	_ =	shalt  }
0x80: {  	_ =	shalt  }
0x81: {  	_ =	shalt  }
0x82: {  	_ =	shalt  }
0x83: {  	_ =	shalt  }
0x84: {  	_ =	shalt  }
0x85: {  	_ =	shalt  }
0x86: {  	_ =	shalt  }
0x87: {  	_ =	shalt  }
.Lfunc_end0:
.L_simem_size_0:
called_computation.2_lowered:
.L_overlay_start_0:
0x88: {  	s2 =	sld [smem:$0x3FD9]  }
0x89: {  	s3 =	sld [smem:$0x3FFE];
	_ =	sdelay $0x1  }
0x8a: {  	s1 =	srdreg.scid  }
0x8b: {  	s0 =	sand.u32 $0x1, s1  }
0x8c: {  	s16 =	sshll.u32 s0, $0xA;
	s2 =	sadd.s32 s3, s2  }
0x8d: {  	s2 =	sadd.s32 s2, s16  }
0x8e: {  	[smem:$0x3FB9] =	sst s2  }
0x8f: {  	_ = 	snop  }
0x90: {  	(tm) =	ssettm $0x1  }
0x91: {  	s17 =	sld [smem:$0x3FFB];
	_ =	sdelay $0x3  }
0x92: {  	_ =	strace s17  }
0x93: {  	s2 =	sld [smem:$0x3FFC];
	_ =	sdelay $0x3  }
0x94: {  	_ =	strace s2  }
0x95: {  	s2 =	sld [smem:$0x3FFD];
	_ =	sdelay $0x3  }
0x96: {  	_ =	strace s2  }
0x97: {  	_ =	strace $0x8FFFFFFF  }
0x98: {  	s18 =	sld [smem:$0x3FDB];
	_ =	sdelay $0x1  }
0x99: {  	s19 =	simm.s32 $_scs_section_size  }
0x9a: {  	s4 =	simm.s32 $_size__tile_overlayer_lowered;
	s5 =	simm.s32 $_tile_overlayer_lowered  }
0x9b: {  	s22 =	simm.s32 $0x1BFF;
	s21 =	sshll.u32 s5, $0x1;
	s2 =	sadd.s32 s19, s18  }
0x9c: {  	s6 =	simm.s32 $0x0;
	s20 =	sshll.u32 s4, $0x1;
	s4 =	sadd.s32 s21, s2  }
0x9d: {  	[timem:s6], [sflag:s22] =	dma.local [hbm:s4], s20  }
0x9e: {  	_ =	swait.ge [sflag:s22], s20  }
0x9f: {  	s3 =	ssub.s32 $0x0, s20;
	[sflag:s22] =	ssyncset.done $0x0  }
0xa0: {  	[sflag:s22] =	ssyncadd.s32 s3;
	_ =	sdelay $0x1  }
0xa1: {  	s23 =	simm.s32 $0x1B8B  }
0xa2: {  	_ =	swait.ge [sflag:s23], $0x1  }
0xa3: {  	[sflag:s23] =	ssyncset.done $0x0  }
0xa4: {  	s25 =	simm.s32 $0x1B8E;
	s24 =	sld [smem:$0x3FFE];
	[sflag:s23] =	ssyncadd.s32 $0xFFFFFFFF  }
0xa5: {  	s26 =	simm.s32 $execute0_lowered;
	[smem:$0x3FD2] =	sst s25  }
0xa6: {  	s4 =	sshll.u32 s26, $0x1;
	_ =	strace $0x8000004C;
	[dreg:$0x1] =	wrdreg $0xFFFFFFFF  }
0xa7: {  	s28 =	simm.s32 $_size_execute0_lowered;
	s2 =	sadd.s32 s2, s4;
	[dreg:$0x0] =	wrdreg $0x0  }
0xa8: {  	s4 =	sshll.u32 s28, $0x1;
	[dreg:$0x2] =	wrdreg s2  }
0xa9: {  	[dreg:$0x3] =	wrdreg s4  }
0xaa: {  	[dreg:$0x4] =	wrdreg $0xC0  }
0xab: {  	_ =	task [dreg:s6], $0x5FFFF  }
0xac: {  	[dreg:$0x1] =	wrdreg $0xFFFFFFFF  }
0xad: {  	[dreg:$0x0] =	wrdreg $0x60  }
0xae: {  	[dreg:$0x2] =	wrdreg s24  }
0xaf: {  	[dreg:$0x3] =	wrdreg $0xE0000  }
0xb0: {  	[dreg:$0x4] =	wrdreg $0x12E400  }
0xb1: {  	[dreg:$0x5] =	wrdreg $0x9  }
0xb2: {  	_ =	task.clear_ibuf [dreg:s6], $0x6FFFF;
	_ =	strace $0x9000004C  }
0xb3: {  	s29 =	simm.s32 $0x9;
	_ =	strace $0x8000004E  }
0xb4: {  	_ =	swait.ge [sflag:s29], $0x1  }
0xb5: {  	[sflag:s29] =	ssyncadd.s32 $0xFFFFFFFF  }
0xb6: {  	_ =	strace $0x9000004E  }
0xb7: {  	_ =	sfence  }
0xb8: {  	s30 =	sld [smem:$0x0];
	_ =	sdelay $0x2  }
0xb9: {  	s31 =	sshll.u32 s1, $0xD;
	s1 =	sshrl.u32 s1, $0x2  }
0xba: {  	s3 =	sand.u32 $0x4000, s31;
	s1 =	sadd.s32 s1, s30  }
0xbb: {  	s0 =	sor.u32 s3, s0;
	s1 =	sshll.u32 s1, $0x11  }
0xbc: {  	s0 =	sor.u32 s1, s0  }
0xbd: {  	s0 =	sadd.s32 $0x8F2B, s0  }
0xbe: {  	[sflag:s0] =	ssyncadd.remote.s32 $0x1  }
0xbf: {  	_ =	sfence.sel $0xFFFF  }
0xc0: {  	[dreg:$0x0] =	wrdreg $0xFFFFFFFF;
	(pc) =	sbr.abs _section_cstart, $3  }
0xc1: {  	[dreg:$0x1] =	wrdreg $0xFFFFFFFF  }
0xc2: {  	_ =	task.clear_ibuf [dreg:s6], $0x2FFFF;
	_ =	strace $0x9FFFFFFF  }
0xc3: {  	(tm) =	ssettm $0x7FFFFFFF  }
tec
execute0_lowered:
.L_overlay_start_1:
0x0: {  	(tag) =	ssettag $0x1  }
0x1: {  	s0 =	rddreg [dreg:$0x0]  }
0x2: {  	s2 =	rddreg [dreg:$0x1]  }
0x3: {  	s3 =	rddreg [dreg:$0x2]  }
0x4: {  	s1 =	srdreg.scid;
	s11 =	stileid.u32  }
0x5: {  	s4 =	simm.s32 $0x0;
	s13 =	simm.s32 $0x9;
	s14 =	simm.s32 $0x5000  }
0x6: {  	s16 =	simm.s32 $0x1;
	s17 =	simm.s32 $0x4;
	s18 =	simm.s32 $0x8  }
0x7: {  	s19 =	simm.s32 $0x80;
	s29 =	simm.s32 $0x5;
	s5 =	smul.u32 $0x9C40, s11  }
0x8: {  	s31 =	simm.s32 $0x3;
	s28 =	simm.s32 $0x7;
	s7 =	smul.u32 $0xA00, s11  }
0x9: {  	s1 =	sand.u32 $0x1, s1;
	[smem:$0x7FF] =	sst s4;
	s8 =	smul.u32 $0x9C80, s11  }
0xa: {  	s21 =	smul.u32 $0x13900, s11;
	s22 =	sadd.s32 $0xD400, s0;
	s24 =	sshll.u32 s11, $0x6  }
0xb: {  	s11 =	smul.u32 $0x13880, s11;
	s6 =	sshll.u32 s1, $0x5;
	_ =	strace $0x8000004D  }
0xc: {  	s1 =	ssub.s32 $0x2, s1;
	[dreg:$0x4] =	wrdreg s22;
	s5 =	sor.u32 s6, s5  }
0xd: {  	s10 =	sadd.s32 s7, s0;
	s20 =	sor.u32 s6, s8;
	s23 =	sshrl.u32 s1, $0x1  }
0xe: {  	s7 =	sshrl.u32 s21, $0x2;
	s30 =	sshrl.u32 s11, $0x2;
	s21 =	simm.s32 $0xB000  }
0xf: {  	s5 =	sshrl.u32 s5, $0x3;
	s6 =	sshrl.u32 s20, $0x3;
	s1 =	ssub.s32 s1, s23  }
0x10: {  	s12 =	sadd.s32 s7, s2;
	s25 =	sadd.s32 $0x12400, s10;
	s26 =	sadd.s32 $0x3400, s10  }
0x11: {  	s15 =	sadd.s32 s30, s3;
	s20 =	simm.s32 $0xA000;
	s23 =	simm.s32 $0xC000  }
.Ltmp0:
0x12: {  	s9 =	sadd.s32 s5, s0;
	[dreg:$0x5] =	wrdreg s25;
	(pc) =	sbr.rel .LBB2_1-.Ltmp0, $4  }
0x13: {  	s0 =	sadd.s32 s6, s0;
	s6 =	sor.u32 $0x1C09, s24;
	[dreg:$0x6] =	wrdreg s26  }
0x14: {  	s11 =	smax.u32 s1, $0x1;
	s12 =	sshrl.u32 s12, $0x3;
	s15 =	sshrl.u32 s15, $0x3  }
0x15: {  	s25 =	simm.s32 $0xD000;
	s26 =	simm.s32 $0x2;
	s1 =	simm.s32 $0x6  }
0x16: {  	s9 =	sadd.s32 $0x6A800, s9;
	s10 =	sadd.s32 $0x7E200, s0;
	s0 =	simm.s32 $0x0  }
.LBB2_4:
0x17: {  	_ =	swait.ge [sflag:s18], $0x1000  }
0x18: {  	s0 =	sadd.s32 $0x1, s0;
	[sflag:s18] =	ssyncset.done $0x0  }
0x19: {  	p0 =	sne.s32 s0, s11;
	[sflag:s18] =	ssyncadd.s32 $0xFFFFF000  }
.Ltmp1:
0x1a: {  	[bflag:$0x0] =	sbarrier.arrive $0xFFFF;
	(pc) =	sbr.rel @!p0 .LBB2_5-.Ltmp1, $4  }
0x1b: {  	[hbm:s10@s18], [sflag:s6] =	dma.strided [spmem:s12@s17], $0x9C8, s16, $0x4   }
0x1c: {  	_ =	swait.ge [sflag:s13], $0x9C8  }
0x1d: {  	[sflag:s13] =	ssyncset.done $0x0  }
0x1e: {  	[sflag:s13] =	ssyncadd.s32 $0xFFFFF638  }
.LBB2_1:
0x1f: {  	s5 =	rddreg [dreg:$0x4]  }
0x20: {  	[spmem:s12], [sflag:s6] =	dma.local [hbm:s5], $0x9C8  }
0x21: {  	_ =	swait.ge [sflag:s13], $0x9C8  }
0x22: {  	[sflag:s13] =	ssyncset.done $0x0  }
0x23: {  	s7 =	rddreg [dreg:$0x5];
	[sflag:s13] =	ssyncadd.s32 $0xFFFFF638  }
0x24: {  	[tilespmem:s4], [sflag:$0x9] =	stream.linear.gather [hbm4b:s7+s4], $0x5000, $0x38;
	[tilespmem:$0x17C60] =	vst v63  }
0x25: {  	_ =	swait.ge [sflag:s13], $0x5000  }
0x26: {  	[sflag:s13] =	ssyncset.done $0x0  }
0x27: {  	s8 =	rddreg [dreg:$0x6];
	[sflag:s13] =	ssyncadd.s32 $0xFFFFB000  }
0x28: {  	[tilespmem:s14], [sflag:$0x9] =	stream.linear.gather [hbm4b:s8+s4], $0x5000, $0x38;
	[tilespmem:$0x17C60] =	vst v63  }
0x29: {  	_ =	swait.ge [sflag:s13], $0x5000  }
0x2a: {  	[sflag:s13] =	ssyncset.done $0x0  }
0x2b: {  	[sflag:s13] =	ssyncadd.s32 $0xFFFFB000  }
0x2c: {  	[spmem:s15@s17], [sflag:s6] =	dma.strided [hbm:s9@s18], $0x9C4, s16, $0x4   }
0x2d: {  	_ =	swait.ge [sflag:s13], $0x9C4  }
0x2e: {  	[sflag:s13] =	ssyncset.done $0x0  }
0x2f: {  	[sflag:s13] =	ssyncadd.s32 $0xFFFFF63C  }
0x30: {  	[bflag:$0x0] =	sbarrier.arrive $0xFFFF  }
0x31: {  	[tilespmem:s20], [sflag:$0x1] =	stream.indirect.gather [spmem:s3], $0x20, s4, s19, $0xb8;
	[tilespmem:$0x17C60] =	vst v63  }
0x32: {  	_ = 	snop  }
0x33: {  	[tilespmem:s21], [sflag:$0x2] =	stream.indirect.gather [spmem:s3], $0x20, s19, s19, $0xb8;
	[tilespmem:$0x17C60] =	vst v63  }
0x34: {  	s22 =	simm.s32 $0x100  }
0x35: {  	[tilespmem:s23], [sflag:$0x3] =	stream.indirect.gather [spmem:s3], $0x20, s22, s19, $0xb8;
	[tilespmem:$0x17C60] =	vst v63  }
0x36: {  	s24 =	simm.s32 $0x180  }
0x37: {  	[tilespmem:s25], [sflag:$0x4] =	stream.indirect.gather [spmem:s3], $0x20, s24, s19, $0xb8;
	[tilespmem:$0x17C60] =	vst v63  }
0x38: {  	_ =	swait.ge [sflag:s16], $0x1000  }
0x39: {  	[sflag:s16] =	ssyncset.done $0x0  }
0x3a: {  	[sflag:s16] =	ssyncadd.s32 $0xFFFFF000  }
0x3b: {  	[spmem:s2] =	stream.indirect.scatter.add.f32 [tilespmem:s20], [sflag:$0x5], $0x20, s14, s19, $0xb8;
	[tilespmem:$0x17C60] =	vst v63  }
0x3c: {  	_ =	swait.ge [sflag:s26], $0x1000  }
0x3d: {  	[sflag:s26] =	ssyncset.done $0x0  }
0x3e: {  	s30 =	simm.s32 $0x5080;
	[sflag:s26] =	ssyncadd.s32 $0xFFFFF000  }
0x3f: {  	[spmem:s2] =	stream.indirect.scatter.add.f32 [tilespmem:s21], [sflag:$0x6], $0x20, s30, s19, $0xb8;
	[tilespmem:$0x17C60] =	vst v63  }
0x40: {  	_ =	swait.ge [sflag:s29], $0x1000  }
0x41: {  	[sflag:s29] =	ssyncset.done $0x0  }
0x42: {  	s7 =	simm.s32 $0x200;
	[sflag:s29] =	ssyncadd.s32 $0xFFFFF000  }
0x43: {  	[tilespmem:s20], [sflag:$0x1] =	stream.indirect.gather [spmem:s3], $0x20, s7, s19, $0xb8;
	[tilespmem:$0x17C60] =	vst v63  }
0x44: {  	_ =	swait.ge [sflag:s31], $0x1000  }
0x45: {  	[sflag:s31] =	ssyncset.done $0x0  }
0x46: {  	s8 =	simm.s32 $0x5100;
	[sflag:s31] =	ssyncadd.s32 $0xFFFFF000  }
0x47: {  	[spmem:s2] =	stream.indirect.scatter.add.f32 [tilespmem:s23], [sflag:$0x7], $0x20, s8, s19, $0xb8;
	[tilespmem:$0x17C60] =	vst v63  }
0x48: {  	_ =	swait.ge [sflag:s1], $0x1000  }
0x49: {  	[sflag:s1] =	ssyncset.done $0x0  }
0x4a: {  	s22 =	simm.s32 $0x280;
	[sflag:s1] =	ssyncadd.s32 $0xFFFFF000  }
0x4b: {  	[tilespmem:s21], [sflag:$0x2] =	stream.indirect.gather [spmem:s3], $0x20, s22, s19, $0xb8;
	[tilespmem:$0x17C60] =	vst v63  }
0x4c: {  	_ =	swait.ge [sflag:s17], $0x1000  }
0x4d: {  	[sflag:s17] =	ssyncset.done $0x0  }
0x4e: {  	s24 =	simm.s32 $0x5180;
	[sflag:s17] =	ssyncadd.s32 $0xFFFFF000  }
0x4f: {  	[spmem:s2] =	stream.indirect.scatter.add.f32 [tilespmem:s25], [sflag:$0x8], $0x20, s24, s19, $0xb8;
	[tilespmem:$0x17C60] =	vst v63  }
0x50: {  	_ =	swait.ge [sflag:s28], $0x1000  }
0x51: {  	[sflag:s28] =	ssyncset.done $0x0  }
0x52: {  	s30 =	simm.s32 $0x300;
	s22 =	simm.s32 $0x0;
	[sflag:s28] =	ssyncadd.s32 $0xFFFFF000  }
0x53: {  	[tilespmem:s23], [sflag:$0x3] =	stream.indirect.gather [spmem:s3], $0x20, s30, s19, $0xb8;
	[tilespmem:$0x17C60] =	vst v63  }
.LBB2_2:
0x54: {  	_ =	swait.ge [sflag:s16], $0x1000  }
0x55: {  	s24 =	sshra.s32 s22, $0x2;
	[sflag:s16] =	ssyncset.done $0x0  }
0x56: {  	s30 =	sadd.s32 $0x5200, s24;
	[sflag:s16] =	ssyncadd.s32 $0xFFFFF000  }
0x57: {  	[spmem:s2] =	stream.indirect.scatter.add.f32 [tilespmem:s20], [sflag:$0x5], $0x20, s30, s19, $0xb8;
	[tilespmem:$0x17C60] =	vst v63  }
0x58: {  	_ =	swait.ge [sflag:s18], $0x1000  }
0x59: {  	[sflag:s18] =	ssyncset.done $0x0  }
0x5a: {  	s7 =	sadd.s32 $0x380, s24;
	[sflag:s18] =	ssyncadd.s32 $0xFFFFF000  }
0x5b: {  	[tilespmem:s25], [sflag:$0x4] =	stream.indirect.gather [spmem:s3], $0x20, s7, s19, $0xb8;
	[tilespmem:$0x17C60] =	vst v63  }
0x5c: {  	_ =	swait.ge [sflag:s26], $0x1000  }
0x5d: {  	[sflag:s26] =	ssyncset.done $0x0  }
0x5e: {  	s8 =	sadd.s32 $0x5280, s24;
	[sflag:s26] =	ssyncadd.s32 $0xFFFFF000  }
0x5f: {  	[spmem:s2] =	stream.indirect.scatter.add.f32 [tilespmem:s21], [sflag:$0x6], $0x20, s8, s19, $0xb8;
	[tilespmem:$0x17C60] =	vst v63  }
0x60: {  	_ =	swait.ge [sflag:s29], $0x1000  }
0x61: {  	p0 =	seq.s32 s22, $0x13000;
	[sflag:s29] =	ssyncset.done $0x0  }
0x62: {  	s30 =	simm.s32 @p0 $0x3;
	[sflag:s29] =	ssyncadd.s32 $0xFFFFF000  }
0x63: {  	_ =	swait.ge @p0 [sflag:s30], $0x1000  }
0x64: {  	[sflag:s30] =	ssyncset.done @p0 $0x0  }
0x65: {  	[sflag:s30] =	ssyncadd.s32 @p0 $0xFFFFF000;
	s30 =	sshra.s32 @p0 s22, $0x2  }
0x66: {  	s5 =	simm.s32 @p0 $0x80;
	s7 =	simm.s32 @p0 $0xC000;
	s30 =	sadd.s32 @p0 $0x5300, s30  }
0x67: {  	[spmem:s2] =	stream.indirect.scatter.add.f32 @p0 [tilespmem:s7], [sflag:$0x7], $0x20, s30, s5, $0xb8;
	[tilespmem:$0x17C60] =	vst v63  }
0x68: {  	s5 =	simm.s32 @p0 $0x6  }
0x69: {  	_ =	swait.ge @p0 [sflag:s5], $0x1000  }
0x6a: {  	[sflag:s5] =	ssyncset.done @p0 $0x0  }
0x6b: {  	[sflag:s5] =	ssyncadd.s32 @p0 $0xFFFFF000;
	s5 =	sshra.s32 @!p0 s22, $0x2  }
0x6c: {  	s8 =	simm.s32 @!p0 $0xA000;
	s30 =	simm.s32 @!p0 $0x80;
	s7 =	sadd.s32 @!p0 $0x400, s5  }
0x6d: {  	[tilespmem:s8], [sflag:$0x1] =	stream.indirect.gather @!p0 [spmem:s3], $0x20, s7, s30, $0xb8;
	[tilespmem:$0x17C60] =	vst v63  }
0x6e: {  	s7 =	simm.s32 @!p0 $0x3  }
0x6f: {  	_ =	swait.ge @!p0 [sflag:s7], $0x1000  }
0x70: {  	[sflag:s7] =	ssyncset.done @!p0 $0x0  }
0x71: {  	s8 =	simm.s32 @!p0 $0xC000;
	[sflag:s7] =	ssyncadd.s32 @!p0 $0xFFFFF000;
	s7 =	sadd.s32 @!p0 $0x5300, s5  }
0x72: {  	[spmem:s2] =	stream.indirect.scatter.add.f32 @!p0 [tilespmem:s8], [sflag:$0x7], $0x20, s7, s30, $0xb8;
	[tilespmem:$0x17C60] =	vst v63  }
0x73: {  	s7 =	simm.s32 @!p0 $0x6  }
0x74: {  	_ =	swait.ge @!p0 [sflag:s7], $0x1000  }
0x75: {  	[sflag:s7] =	ssyncset.done @!p0 $0x0  }
0x76: {  	s5 =	sadd.s32 @!p0 $0x480, s5;
	[sflag:s7] =	ssyncadd.s32 @!p0 $0xFFFFF000;
	s7 =	simm.s32 @!p0 $0xB000  }
0x77: {  	[tilespmem:s7], [sflag:$0x2] =	stream.indirect.gather @!p0 [spmem:s3], $0x20, s5, s30, $0xb8;
	[tilespmem:$0x17C60] =	vst v63  }
0x78: {  	_ =	swait.ge [sflag:s17], $0x1000  }
0x79: {  	[sflag:s17] =	ssyncset.done $0x0  }
.Ltmp2:
0x7a: {  	s30 =	sadd.s32 $0x5380, s24;
	[sflag:s17] =	ssyncadd.s32 $0xFFFFF000;
	(pc) =	sbr.rel @p0 .LBB2_4-.Ltmp2, $4  }
0x7b: {  	[spmem:s2] =	stream.indirect.scatter.add.f32 [tilespmem:s25], [sflag:$0x8], $0x20, s30, s19, $0xb8;
	[tilespmem:$0x17C60] =	vst v63  }
0x7c: {  	_ =	swait.ge [sflag:s28], $0x1000  }
0x7d: {  	[sflag:s28] =	ssyncset.done $0x0  }
0x7e: {  	[sflag:s28] =	ssyncadd.s32 $0xFFFFF000  }
.Ltmp3:
0x7f: {  	(pc) =	sbr.rel .LBB2_2-.Ltmp3, $3  }
0x80: {  	_ =	sdelay $0x1  }
0x81: {  	s5 =	sadd.s32 $0x500, s24;
	s22 =	sadd.s32 $0x800, s22  }
0x82: {  	[tilespmem:s23], [sflag:$0x3] =	stream.indirect.gather [spmem:s3], $0x20, s5, s19, $0xb8;
	[tilespmem:$0x17C60] =	vst v63  }
.LBB2_5:
0x83: {  	_ =	sfence.sel $0x180000  }
0x84: {  	[bflag:$0x0] =	sbarrier.arrive $0xFFFF  }
0x85: {  	_ =	strace $0x9000004D  }
0x86: {  	s0 =	stileid.u32;
	[bflag:$0x2] =	sbarrier.arrive $0xFFFF  }
0x87: {  	p0 =	sne.s32 s0, $0x0;
	s0 =	rddreg [dreg:$0x3]  }
0x88: {  	s0 =	sadd.s32 @!p0 $0x100000, s0  }
0x89: {  	[sflag:s0] =	ssyncadd.tile.s32 @!p0 $0x1;
	_ =	shalt  }
.Lfunc_end2:
_tile_overlayer_lowered:
.L_overlay_start_2:
0x8a: {  	(tag) =	ssettag $0x2  }
0x8b: {  	s0 =	rddreg [dreg:$0x0];
	s2 =	stileid.u32  }
0x8c: {  	s1 =	rddreg [dreg:$0x1];
	p0 =	sne.s32 s2, $0x0  }
0x8d: {  	s3 =	rddreg [dreg:$0x2];
	[bflag:$0x3] =	sbarrier.arrive $0xFFFF;
	s2 =	simm.s32 @!p0 $0x1C09  }
0x8e: {  	[timem:s3], [sflag:s2] =	dma.local @!p0 [hbm:s0], s1  }
0x8f: {  	s0 =	simm.s32 @!p0 $0x9  }
0x90: {  	_ =	swait.ge @!p0 [sflag:s0], s1  }
0x91: {  	s1 =	ssub.s32 @!p0 $0x0, s1;
	[sflag:s0] =	ssyncset.done @!p0 $0x0  }
0x92: {  	[sflag:s0] =	ssyncadd.s32 @!p0 s1  }
0x93: {  	[bflag:$0x3] =	sbarrier.arrive $0xFFFF  }
0x94: {  	_ =	shalt  }

// kernel: kernel.19.cloned.1.call-start
scs
__scs_entry_jumppad:
0x0: {  	(pc) =	sbr.rel $0x88, $3  }
0x1: {  	(tag) =	ssettag $0x0;
	lr =	simm.s32 $0x1  }
0x2: {  	[smem:$0x3F92] =	sst lr;
	_ =	strace $0xD0000000  }
0x3: {  	_ = 	snop  }
0x4: {  	_ = 	snop  }
0x5: {  	_ = 	snop  }
0x6: {  	_ = 	snop  }
0x7: {  	_ = 	snop  }
__scs_overlays_trampoline_lowered:
0x8: {  	[smem:$0x3FA1] =	sst s0  }
0x9: {  	[smem:$0x3FA2] =	sst s1  }
0xa: {  	[smem:$0x3FA3] =	sst s2  }
0xb: {  	[smem:$0x3FA4] =	sst s3  }
0xc: {  	[smem:$0x3FA5] =	sst s4  }
0xd: {  	[smem:$0x3FA6] =	sst s5  }
0xe: {  	[smem:$0x3FA7] =	sst s6  }
0xf: {  	[smem:$0x3FA8] =	sst s7  }
0x10: {  	[smem:$0x3FA9] =	sst s8  }
0x11: {  	[smem:$0x3FAA] =	sst s9;
	s0 =	simm.s32 @!p0 $0x0  }
0x12: {  	s1 =	sld [smem:$0x3F90];
	s0 =	simm.s32 @p0 $0x1  }
0x13: {  	[smem:$0x3FAB] =	sst s0;
	s0 =	simm.s32 @!p1 $0x0  }
0x14: {  	s2 =	sld [smem:$0x3F8F];
	s0 =	simm.s32 @p1 $0x1  }
0x15: {  	[smem:$0x3FAC] =	sst s0;
	s0 =	simm.s32 @!p2 $0x0  }
0x16: {  	s3 =	sld [smem:$0x3FDB];
	s0 =	simm.s32 @p2 $0x1  }
0x17: {  	s4 =	simm.s32 $0x1BF5;
	[smem:$0x3FAE] =	sst s0  }
0x18: {  	s0 =	sld [smem:$0x3F91];
	_ =	swait.ge [sflag:s4], $0x0  }
0x19: {  	s7 =	sld [smem:$0x3F92]  }
0x1a: {  	s8 =	sadd.s32 $0xFFFFE003, lr  }
0x1b: {  	s9 =	sadd.s32 $0xFFFFFEF7, lr;
	s5 =	simm.s32 $0xFFFFFFFF;
	p2 =	slt.u32 s8, $0xFFFFF086  }
0x1c: {  	p1 =	slt.u32 s9, $0xF7A;
	s5 =	simm.s32 @!p2 $0x0  }
0x1d: {  	s5 =	simm.s32 @p1 $0x1;
	p0 =	seq.s32 s7, s2  }
0x1e: {  	s7 =	smul.u32 @!p0 $0xF7A, s2;
	p2 =	seq.s32 @!p0 s5, $0x0  }
0x1f: {  	s9 =	smul.u32 $0xF7A, s1;
	s8 =	simm.s32 @!p0 $0x1BF5;
	p2 =	por !p2, p0  }
0x20: {  	[sflag:s8] =	ssyncset.s32 @!p0 $0xFFFFF086;
	s6 =	sadd.s32 @!p0 s3, s7;
	s7 =	simm.s32 @!p0 $0x108  }
0x21: {  	s3 =	sadd.s32 s3, s9;
	s6 =	sadd.s32 @!p0 $0x88, s6;
	s7 =	simm.s32 @p2 $0x1082  }
0x22: {  	[simem:s7], [sflag:s8] =	dma.local @!p0 [hbm:s6], $0xF7A  }
0x23: {  	s9 =	sor.u32 $0xD0000000, s2;
	s6 =	simm.s32 $0x108;
	_ =	swait.ge @!p0 [sflag:s8], $0x0  }
0x24: {  	s3 =	sadd.s32 $0x88, s3;
	s6 =	simm.s32 @!p1 $0x1082;
	[sflag:s4] =	ssyncset.s32 $0xFFFFF086  }
0x25: {  	[simem:s6], [sflag:s4] =	dma.local [hbm:s3], $0xF7A  }
0x26: {  	[smem:$0x3F92] =	sst s1;
	(tag) =	ssettag s2;
	_ =	strace s9  }
0x27: {  	s1 =	sld [smem:$0x3FA2]  }
0x28: {  	s2 =	sld [smem:$0x3FA3]  }
0x29: {  	s4 =	sld [smem:$0x3FA5]  }
0x2a: {  	p0 =	seq.s32 s5, $0x0;
	s5 =	sld [smem:$0x3FA6]  }
0x2b: {  	s6 =	sld [smem:$0x3FA7]  }
0x2c: {  	s7 =	sld [smem:$0x3FA8]  }
0x2d: {  	s3 =	simm.s32 $0x108;
	s8 =	sld [smem:$0x3FA9]  }
0x2e: {  	s3 =	simm.s32 @!p0 $0x1082;
	s9 =	sld [smem:$0x3FAA]  }
0x2f: {  	lr =	sadd.s32 s0, s3;
	s0 =	sld [smem:$0x3FA1]  }
0x30: {  	s3 =	sld [smem:$0x3FA4]  }
0x31: {  	[smem:$0x3FAD] =	sst s10  }
0x32: {  	s10 =	sld [smem:$0x3FAB];
	_ =	sdelay $0x3  }
0x33: {  	p0 =	seq.s32 s10, $0x1;
	s10 =	sld [smem:$0x3FAD];
	_ =	sdelay $0x3  }
0x34: {  	[smem:$0x3FAD] =	sst s10  }
0x35: {  	s10 =	sld [smem:$0x3FAC];
	_ =	sdelay $0x3  }
0x36: {  	p1 =	seq.s32 s10, $0x1;
	s10 =	sld [smem:$0x3FAD];
	_ =	sdelay $0x3  }
0x37: {  	[smem:$0x3FAD] =	sst s10  }
0x38: {  	s10 =	sld [smem:$0x3FAE]  }
0x39: {  	_ = 	snop;
	(pc) =	sbr.ind lr, $3  }
0x3a: {  	_ = 	snop  }
0x3b: {  	_ = 	snop  }
0x3c: {  	p2 =	seq.s32 s10, $0x1;
	s10 =	sld [smem:$0x3FAD]  }
0x3d: {  	_ =	shalt  }
0x3e: {  	_ =	shalt  }
0x3f: {  	_ =	shalt  }
0x40: {  	_ =	shalt  }
0x41: {  	_ =	shalt  }
0x42: {  	_ =	shalt  }
0x43: {  	_ =	shalt  }
0x44: {  	_ =	shalt  }
0x45: {  	_ =	shalt  }
0x46: {  	_ =	shalt  }
0x47: {  	_ =	shalt  }
0x48: {  	_ =	shalt  }
0x49: {  	_ =	shalt  }
0x4a: {  	_ =	shalt  }
0x4b: {  	_ =	shalt  }
0x4c: {  	_ =	shalt  }
0x4d: {  	_ =	shalt  }
0x4e: {  	_ =	shalt  }
0x4f: {  	_ =	shalt  }
0x50: {  	_ =	shalt  }
0x51: {  	_ =	shalt  }
0x52: {  	_ =	shalt  }
0x53: {  	_ =	shalt  }
0x54: {  	_ =	shalt  }
0x55: {  	_ =	shalt  }
0x56: {  	_ =	shalt  }
0x57: {  	_ =	shalt  }
0x58: {  	_ =	shalt  }
0x59: {  	_ =	shalt  }
0x5a: {  	_ =	shalt  }
0x5b: {  	_ =	shalt  }
0x5c: {  	_ =	shalt  }
0x5d: {  	_ =	shalt  }
0x5e: {  	_ =	shalt  }
0x5f: {  	_ =	shalt  }
0x60: {  	_ =	shalt  }
0x61: {  	_ =	shalt  }
0x62: {  	_ =	shalt  }
0x63: {  	_ =	shalt  }
0x64: {  	_ =	shalt  }
0x65: {  	_ =	shalt  }
0x66: {  	_ =	shalt  }
0x67: {  	_ =	shalt  }
0x68: {  	_ =	shalt  }
0x69: {  	_ =	shalt  }
0x6a: {  	_ =	shalt  }
0x6b: {  	_ =	shalt  }
0x6c: {  	_ =	shalt  }
0x6d: {  	_ =	shalt  }
0x6e: {  	_ =	shalt  }
0x6f: {  	_ =	shalt  }
0x70: {  	_ =	shalt  }
0x71: {  	_ =	shalt  }
0x72: {  	_ =	shalt  }
0x73: {  	_ =	shalt  }
0x74: {  	_ =	shalt  }
0x75: {  	_ =	shalt  }
0x76: {  	_ =	shalt  }
0x77: {  	_ =	shalt  }
0x78: {  	_ =	shalt  }
0x79: {  	_ =	shalt  }
0x7a: {  	_ =	shalt  }
0x7b: {  	_ =	shalt  }
0x7c: {  	_ =	shalt  }
0x7d: {  	_ =	shalt  }
0x7e: {  	_ =	shalt  }
0x7f: {  	_ =	shalt  }
0x80: {  	_ =	shalt  }
0x81: {  	_ =	shalt  }
0x82: {  	_ =	shalt  }
0x83: {  	_ =	shalt  }
0x84: {  	_ =	shalt  }
0x85: {  	_ =	shalt  }
0x86: {  	_ =	shalt  }
0x87: {  	_ =	shalt  }
.Lfunc_end0:
.L_simem_size_0:
called_computation.3_lowered:
.L_overlay_start_0:
0x88: {  	s2 =	sld [smem:$0x3FD9]  }
0x89: {  	s3 =	sld [smem:$0x3FFE];
	_ =	sdelay $0x1  }
0x8a: {  	s1 =	srdreg.scid  }
0x8b: {  	s0 =	sand.u32 $0x1, s1  }
0x8c: {  	s16 =	sshll.u32 s0, $0xA;
	s2 =	sadd.s32 s3, s2  }
0x8d: {  	s2 =	sadd.s32 s2, s16  }
0x8e: {  	[smem:$0x3FB9] =	sst s2  }
0x8f: {  	_ = 	snop  }
0x90: {  	(tm) =	ssettm $0x1  }
0x91: {  	s17 =	sld [smem:$0x3FFB];
	_ =	sdelay $0x3  }
0x92: {  	_ =	strace s17  }
0x93: {  	s2 =	sld [smem:$0x3FFC];
	_ =	sdelay $0x3  }
0x94: {  	_ =	strace s2  }
0x95: {  	s2 =	sld [smem:$0x3FFD];
	_ =	sdelay $0x3  }
0x96: {  	_ =	strace s2  }
0x97: {  	_ =	strace $0x8FFFFFFF  }
0x98: {  	s18 =	sld [smem:$0x3FDB];
	_ =	sdelay $0x1  }
0x99: {  	s19 =	simm.s32 $_scs_section_size  }
0x9a: {  	s4 =	simm.s32 $_size__tile_overlayer_lowered;
	s5 =	simm.s32 $_tile_overlayer_lowered  }
0x9b: {  	s22 =	simm.s32 $0x1BFF;
	s21 =	sshll.u32 s5, $0x1;
	s2 =	sadd.s32 s19, s18  }
0x9c: {  	s6 =	simm.s32 $0x0;
	s20 =	sshll.u32 s4, $0x1;
	s4 =	sadd.s32 s21, s2  }
0x9d: {  	[timem:s6], [sflag:s22] =	dma.local [hbm:s4], s20  }
0x9e: {  	_ =	swait.ge [sflag:s22], s20  }
0x9f: {  	s3 =	ssub.s32 $0x0, s20;
	[sflag:s22] =	ssyncset.done $0x0  }
0xa0: {  	[sflag:s22] =	ssyncadd.s32 s3;
	_ =	sdelay $0x1  }
0xa1: {  	s23 =	simm.s32 $0x1B8B  }
0xa2: {  	_ =	swait.ge [sflag:s23], $0x1  }
0xa3: {  	[sflag:s23] =	ssyncset.done $0x0  }
0xa4: {  	s25 =	simm.s32 $0x1B8E;
	s24 =	sld [smem:$0x3FFE];
	[sflag:s23] =	ssyncadd.s32 $0xFFFFFFFF  }
0xa5: {  	s26 =	simm.s32 $execute0_lowered;
	[smem:$0x3FD2] =	sst s25  }
0xa6: {  	s4 =	sshll.u32 s26, $0x1;
	_ =	strace $0x8000004F;
	[dreg:$0x1] =	wrdreg $0xFFFFFFFF  }
0xa7: {  	s28 =	simm.s32 $_size_execute0_lowered;
	s2 =	sadd.s32 s2, s4;
	[dreg:$0x0] =	wrdreg $0x0  }
0xa8: {  	s4 =	sshll.u32 s28, $0x1;
	[dreg:$0x2] =	wrdreg s2  }
0xa9: {  	[dreg:$0x3] =	wrdreg s4  }
0xaa: {  	[dreg:$0x4] =	wrdreg $0xC0  }
0xab: {  	_ =	task [dreg:s6], $0x5FFFF  }
0xac: {  	[dreg:$0x1] =	wrdreg $0xFFFFFFFF  }
0xad: {  	[dreg:$0x0] =	wrdreg $0x60  }
0xae: {  	[dreg:$0x2] =	wrdreg s24  }
0xaf: {  	[dreg:$0x3] =	wrdreg $0xE0000  }
0xb0: {  	[dreg:$0x4] =	wrdreg $0x12E400  }
0xb1: {  	[dreg:$0x5] =	wrdreg $0x9  }
0xb2: {  	_ =	task.clear_ibuf [dreg:s6], $0x6FFFF;
	_ =	strace $0x9000004F  }
0xb3: {  	s29 =	simm.s32 $0x9;
	_ =	strace $0x80000051  }
0xb4: {  	_ =	swait.ge [sflag:s29], $0x1  }
0xb5: {  	[sflag:s29] =	ssyncadd.s32 $0xFFFFFFFF  }
0xb6: {  	_ =	strace $0x90000051  }
0xb7: {  	_ =	sfence  }
0xb8: {  	s30 =	sld [smem:$0x0];
	_ =	sdelay $0x2  }
0xb9: {  	s31 =	sshll.u32 s1, $0xD;
	s1 =	sshrl.u32 s1, $0x2  }
0xba: {  	s3 =	sand.u32 $0x4000, s31;
	s1 =	sadd.s32 s1, s30  }
0xbb: {  	s0 =	sor.u32 s3, s0;
	s1 =	sshll.u32 s1, $0x11  }
0xbc: {  	s0 =	sor.u32 s1, s0  }
0xbd: {  	s0 =	sadd.s32 $0x8F2B, s0  }
0xbe: {  	[sflag:s0] =	ssyncadd.remote.s32 $0x1  }
0xbf: {  	_ =	sfence.sel $0xFFFF  }
0xc0: {  	[dreg:$0x0] =	wrdreg $0xFFFFFFFF;
	(pc) =	sbr.abs _section_cstart, $3  }
0xc1: {  	[dreg:$0x1] =	wrdreg $0xFFFFFFFF  }
0xc2: {  	_ =	task.clear_ibuf [dreg:s6], $0x2FFFF;
	_ =	strace $0x9FFFFFFF  }
0xc3: {  	(tm) =	ssettm $0x7FFFFFFF  }
tec
execute0_lowered:
.L_overlay_start_1:
0x0: {  	(tag) =	ssettag $0x1  }
0x1: {  	s0 =	rddreg [dreg:$0x0]  }
0x2: {  	s2 =	rddreg [dreg:$0x1]  }
0x3: {  	s3 =	rddreg [dreg:$0x2]  }
0x4: {  	s1 =	srdreg.scid;
	s11 =	stileid.u32  }
0x5: {  	s4 =	simm.s32 $0x0;
	s13 =	simm.s32 $0x9;
	s14 =	simm.s32 $0x5000  }
0x6: {  	s16 =	simm.s32 $0x1;
	s17 =	simm.s32 $0x4;
	s18 =	simm.s32 $0x8  }
0x7: {  	s19 =	simm.s32 $0x80;
	s29 =	simm.s32 $0x5;
	s5 =	smul.u32 $0x9C40, s11  }
0x8: {  	s31 =	simm.s32 $0x3;
	s28 =	simm.s32 $0x7;
	s7 =	smul.u32 $0xA00, s11  }
0x9: {  	s1 =	sand.u32 $0x1, s1;
	[smem:$0x7FF] =	sst s4;
	s8 =	smul.u32 $0x9C80, s11  }
0xa: {  	s21 =	smul.u32 $0x13900, s11;
	s22 =	sadd.s32 $0xD400, s0;
	s24 =	sshll.u32 s11, $0x6  }
0xb: {  	s11 =	smul.u32 $0x13880, s11;
	s6 =	sshll.u32 s1, $0x5;
	_ =	strace $0x80000050  }
0xc: {  	s1 =	ssub.s32 $0x2, s1;
	[dreg:$0x4] =	wrdreg s22;
	s5 =	sor.u32 s6, s5  }
0xd: {  	s10 =	sadd.s32 s7, s0;
	s20 =	sor.u32 s6, s8;
	s23 =	sshrl.u32 s1, $0x1  }
0xe: {  	s7 =	sshrl.u32 s21, $0x2;
	s30 =	sshrl.u32 s11, $0x2;
	s21 =	simm.s32 $0xB000  }
0xf: {  	s5 =	sshrl.u32 s5, $0x3;
	s6 =	sshrl.u32 s20, $0x3;
	s1 =	ssub.s32 s1, s23  }
0x10: {  	s12 =	sadd.s32 s7, s2;
	s25 =	sadd.s32 $0x12400, s10;
	s26 =	sadd.s32 $0x3400, s10  }
0x11: {  	s15 =	sadd.s32 s30, s3;
	s20 =	simm.s32 $0xA000;
	s23 =	simm.s32 $0xC000  }
.Ltmp0:
0x12: {  	s9 =	sadd.s32 s5, s0;
	[dreg:$0x5] =	wrdreg s25;
	(pc) =	sbr.rel .LBB2_1-.Ltmp0, $4  }
0x13: {  	s0 =	sadd.s32 s6, s0;
	s6 =	sor.u32 $0x1C09, s24;
	[dreg:$0x6] =	wrdreg s26  }
0x14: {  	s11 =	smax.u32 s1, $0x1;
	s12 =	sshrl.u32 s12, $0x3;
	s15 =	sshrl.u32 s15, $0x3  }
0x15: {  	s25 =	simm.s32 $0xD000;
	s26 =	simm.s32 $0x2;
	s1 =	simm.s32 $0x6  }
0x16: {  	s9 =	sadd.s32 $0x6A800, s9;
	s10 =	sadd.s32 $0x7E200, s0;
	s0 =	simm.s32 $0x0  }
.LBB2_4:
0x17: {  	_ =	swait.ge [sflag:s18], $0x1000  }
0x18: {  	s0 =	sadd.s32 $0x1, s0;
	[sflag:s18] =	ssyncset.done $0x0  }
0x19: {  	p0 =	sne.s32 s0, s11;
	[sflag:s18] =	ssyncadd.s32 $0xFFFFF000  }
.Ltmp1:
0x1a: {  	[bflag:$0x0] =	sbarrier.arrive $0xFFFF;
	(pc) =	sbr.rel @!p0 .LBB2_5-.Ltmp1, $4  }
0x1b: {  	[hbm:s10@s18], [sflag:s6] =	dma.strided [spmem:s12@s17], $0x9C8, s16, $0x4   }
0x1c: {  	_ =	swait.ge [sflag:s13], $0x9C8  }
0x1d: {  	[sflag:s13] =	ssyncset.done $0x0  }
0x1e: {  	[sflag:s13] =	ssyncadd.s32 $0xFFFFF638  }
.LBB2_1:
0x1f: {  	s5 =	rddreg [dreg:$0x4]  }
0x20: {  	[spmem:s12], [sflag:s6] =	dma.local [hbm:s5], $0x9C8  }
0x21: {  	_ =	swait.ge [sflag:s13], $0x9C8  }
0x22: {  	[sflag:s13] =	ssyncset.done $0x0  }
0x23: {  	s7 =	rddreg [dreg:$0x5];
	[sflag:s13] =	ssyncadd.s32 $0xFFFFF638  }
0x24: {  	[tilespmem:s4], [sflag:$0x9] =	stream.linear.gather [hbm4b:s7+s4], $0x5000, $0x38;
	[tilespmem:$0x17C60] =	vst v63  }
0x25: {  	_ =	swait.ge [sflag:s13], $0x5000  }
0x26: {  	[sflag:s13] =	ssyncset.done $0x0  }
0x27: {  	s8 =	rddreg [dreg:$0x6];
	[sflag:s13] =	ssyncadd.s32 $0xFFFFB000  }
0x28: {  	[tilespmem:s14], [sflag:$0x9] =	stream.linear.gather [hbm4b:s8+s4], $0x5000, $0x38;
	[tilespmem:$0x17C60] =	vst v63  }
0x29: {  	_ =	swait.ge [sflag:s13], $0x5000  }
0x2a: {  	[sflag:s13] =	ssyncset.done $0x0  }
0x2b: {  	[sflag:s13] =	ssyncadd.s32 $0xFFFFB000  }
0x2c: {  	[spmem:s15@s17], [sflag:s6] =	dma.strided [hbm:s9@s18], $0x9C4, s16, $0x4   }
0x2d: {  	_ =	swait.ge [sflag:s13], $0x9C4  }
0x2e: {  	[sflag:s13] =	ssyncset.done $0x0  }
0x2f: {  	[sflag:s13] =	ssyncadd.s32 $0xFFFFF63C  }
0x30: {  	[bflag:$0x0] =	sbarrier.arrive $0xFFFF  }
0x31: {  	[tilespmem:s20], [sflag:$0x1] =	stream.indirect.gather [spmem:s3], $0x20, s4, s19, $0xb8;
	[tilespmem:$0x17C60] =	vst v63  }
0x32: {  	_ = 	snop  }
0x33: {  	[tilespmem:s21], [sflag:$0x2] =	stream.indirect.gather [spmem:s3], $0x20, s19, s19, $0xb8;
	[tilespmem:$0x17C60] =	vst v63  }
0x34: {  	s22 =	simm.s32 $0x100  }
0x35: {  	[tilespmem:s23], [sflag:$0x3] =	stream.indirect.gather [spmem:s3], $0x20, s22, s19, $0xb8;
	[tilespmem:$0x17C60] =	vst v63  }
0x36: {  	s24 =	simm.s32 $0x180  }
0x37: {  	[tilespmem:s25], [sflag:$0x4] =	stream.indirect.gather [spmem:s3], $0x20, s24, s19, $0xb8;
	[tilespmem:$0x17C60] =	vst v63  }
0x38: {  	_ =	swait.ge [sflag:s16], $0x1000  }
0x39: {  	[sflag:s16] =	ssyncset.done $0x0  }
0x3a: {  	[sflag:s16] =	ssyncadd.s32 $0xFFFFF000  }
0x3b: {  	[spmem:s2] =	stream.indirect.scatter.add.f32 [tilespmem:s20], [sflag:$0x5], $0x20, s14, s19, $0xb8;
	[tilespmem:$0x17C60] =	vst v63  }
0x3c: {  	_ =	swait.ge [sflag:s26], $0x1000  }
0x3d: {  	[sflag:s26] =	ssyncset.done $0x0  }
0x3e: {  	s30 =	simm.s32 $0x5080;
	[sflag:s26] =	ssyncadd.s32 $0xFFFFF000  }
0x3f: {  	[spmem:s2] =	stream.indirect.scatter.add.f32 [tilespmem:s21], [sflag:$0x6], $0x20, s30, s19, $0xb8;
	[tilespmem:$0x17C60] =	vst v63  }
0x40: {  	_ =	swait.ge [sflag:s29], $0x1000  }
0x41: {  	[sflag:s29] =	ssyncset.done $0x0  }
0x42: {  	s7 =	simm.s32 $0x200;
	[sflag:s29] =	ssyncadd.s32 $0xFFFFF000  }
0x43: {  	[tilespmem:s20], [sflag:$0x1] =	stream.indirect.gather [spmem:s3], $0x20, s7, s19, $0xb8;
	[tilespmem:$0x17C60] =	vst v63  }
0x44: {  	_ =	swait.ge [sflag:s31], $0x1000  }
0x45: {  	[sflag:s31] =	ssyncset.done $0x0  }
0x46: {  	s8 =	simm.s32 $0x5100;
	[sflag:s31] =	ssyncadd.s32 $0xFFFFF000  }
0x47: {  	[spmem:s2] =	stream.indirect.scatter.add.f32 [tilespmem:s23], [sflag:$0x7], $0x20, s8, s19, $0xb8;
	[tilespmem:$0x17C60] =	vst v63  }
0x48: {  	_ =	swait.ge [sflag:s1], $0x1000  }
0x49: {  	[sflag:s1] =	ssyncset.done $0x0  }
0x4a: {  	s22 =	simm.s32 $0x280;
	[sflag:s1] =	ssyncadd.s32 $0xFFFFF000  }
0x4b: {  	[tilespmem:s21], [sflag:$0x2] =	stream.indirect.gather [spmem:s3], $0x20, s22, s19, $0xb8;
	[tilespmem:$0x17C60] =	vst v63  }
0x4c: {  	_ =	swait.ge [sflag:s17], $0x1000  }
0x4d: {  	[sflag:s17] =	ssyncset.done $0x0  }
0x4e: {  	s24 =	simm.s32 $0x5180;
	[sflag:s17] =	ssyncadd.s32 $0xFFFFF000  }
0x4f: {  	[spmem:s2] =	stream.indirect.scatter.add.f32 [tilespmem:s25], [sflag:$0x8], $0x20, s24, s19, $0xb8;
	[tilespmem:$0x17C60] =	vst v63  }
0x50: {  	_ =	swait.ge [sflag:s28], $0x1000  }
0x51: {  	[sflag:s28] =	ssyncset.done $0x0  }
0x52: {  	s30 =	simm.s32 $0x300;
	s22 =	simm.s32 $0x0;
	[sflag:s28] =	ssyncadd.s32 $0xFFFFF000  }
0x53: {  	[tilespmem:s23], [sflag:$0x3] =	stream.indirect.gather [spmem:s3], $0x20, s30, s19, $0xb8;
	[tilespmem:$0x17C60] =	vst v63  }
.LBB2_2:
0x54: {  	_ =	swait.ge [sflag:s16], $0x1000  }
0x55: {  	s24 =	sshra.s32 s22, $0x2;
	[sflag:s16] =	ssyncset.done $0x0  }
0x56: {  	s30 =	sadd.s32 $0x5200, s24;
	[sflag:s16] =	ssyncadd.s32 $0xFFFFF000  }
0x57: {  	[spmem:s2] =	stream.indirect.scatter.add.f32 [tilespmem:s20], [sflag:$0x5], $0x20, s30, s19, $0xb8;
	[tilespmem:$0x17C60] =	vst v63  }
0x58: {  	_ =	swait.ge [sflag:s18], $0x1000  }
0x59: {  	[sflag:s18] =	ssyncset.done $0x0  }
0x5a: {  	s7 =	sadd.s32 $0x380, s24;
	[sflag:s18] =	ssyncadd.s32 $0xFFFFF000  }
0x5b: {  	[tilespmem:s25], [sflag:$0x4] =	stream.indirect.gather [spmem:s3], $0x20, s7, s19, $0xb8;
	[tilespmem:$0x17C60] =	vst v63  }
0x5c: {  	_ =	swait.ge [sflag:s26], $0x1000  }
0x5d: {  	[sflag:s26] =	ssyncset.done $0x0  }
0x5e: {  	s8 =	sadd.s32 $0x5280, s24;
	[sflag:s26] =	ssyncadd.s32 $0xFFFFF000  }
0x5f: {  	[spmem:s2] =	stream.indirect.scatter.add.f32 [tilespmem:s21], [sflag:$0x6], $0x20, s8, s19, $0xb8;
	[tilespmem:$0x17C60] =	vst v63  }
0x60: {  	_ =	swait.ge [sflag:s29], $0x1000  }
0x61: {  	p0 =	seq.s32 s22, $0x13000;
	[sflag:s29] =	ssyncset.done $0x0  }
0x62: {  	s30 =	simm.s32 @p0 $0x3;
	[sflag:s29] =	ssyncadd.s32 $0xFFFFF000  }
0x63: {  	_ =	swait.ge @p0 [sflag:s30], $0x1000  }
0x64: {  	[sflag:s30] =	ssyncset.done @p0 $0x0  }
0x65: {  	[sflag:s30] =	ssyncadd.s32 @p0 $0xFFFFF000;
	s30 =	sshra.s32 @p0 s22, $0x2  }
0x66: {  	s5 =	simm.s32 @p0 $0x80;
	s7 =	simm.s32 @p0 $0xC000;
	s30 =	sadd.s32 @p0 $0x5300, s30  }
0x67: {  	[spmem:s2] =	stream.indirect.scatter.add.f32 @p0 [tilespmem:s7], [sflag:$0x7], $0x20, s30, s5, $0xb8;
	[tilespmem:$0x17C60] =	vst v63  }
0x68: {  	s5 =	simm.s32 @p0 $0x6  }
0x69: {  	_ =	swait.ge @p0 [sflag:s5], $0x1000  }
0x6a: {  	[sflag:s5] =	ssyncset.done @p0 $0x0  }
0x6b: {  	[sflag:s5] =	ssyncadd.s32 @p0 $0xFFFFF000;
	s5 =	sshra.s32 @!p0 s22, $0x2  }
0x6c: {  	s8 =	simm.s32 @!p0 $0xA000;
	s30 =	simm.s32 @!p0 $0x80;
	s7 =	sadd.s32 @!p0 $0x400, s5  }
0x6d: {  	[tilespmem:s8], [sflag:$0x1] =	stream.indirect.gather @!p0 [spmem:s3], $0x20, s7, s30, $0xb8;
	[tilespmem:$0x17C60] =	vst v63  }
0x6e: {  	s7 =	simm.s32 @!p0 $0x3  }
0x6f: {  	_ =	swait.ge @!p0 [sflag:s7], $0x1000  }
0x70: {  	[sflag:s7] =	ssyncset.done @!p0 $0x0  }
0x71: {  	s8 =	simm.s32 @!p0 $0xC000;
	[sflag:s7] =	ssyncadd.s32 @!p0 $0xFFFFF000;
	s7 =	sadd.s32 @!p0 $0x5300, s5  }
0x72: {  	[spmem:s2] =	stream.indirect.scatter.add.f32 @!p0 [tilespmem:s8], [sflag:$0x7], $0x20, s7, s30, $0xb8;
	[tilespmem:$0x17C60] =	vst v63  }
0x73: {  	s7 =	simm.s32 @!p0 $0x6  }
0x74: {  	_ =	swait.ge @!p0 [sflag:s7], $0x1000  }
0x75: {  	[sflag:s7] =	ssyncset.done @!p0 $0x0  }
0x76: {  	s5 =	sadd.s32 @!p0 $0x480, s5;
	[sflag:s7] =	ssyncadd.s32 @!p0 $0xFFFFF000;
	s7 =	simm.s32 @!p0 $0xB000  }
0x77: {  	[tilespmem:s7], [sflag:$0x2] =	stream.indirect.gather @!p0 [spmem:s3], $0x20, s5, s30, $0xb8;
	[tilespmem:$0x17C60] =	vst v63  }
0x78: {  	_ =	swait.ge [sflag:s17], $0x1000  }
0x79: {  	[sflag:s17] =	ssyncset.done $0x0  }
.Ltmp2:
0x7a: {  	s30 =	sadd.s32 $0x5380, s24;
	[sflag:s17] =	ssyncadd.s32 $0xFFFFF000;
	(pc) =	sbr.rel @p0 .LBB2_4-.Ltmp2, $4  }
0x7b: {  	[spmem:s2] =	stream.indirect.scatter.add.f32 [tilespmem:s25], [sflag:$0x8], $0x20, s30, s19, $0xb8;
	[tilespmem:$0x17C60] =	vst v63  }
0x7c: {  	_ =	swait.ge [sflag:s28], $0x1000  }
0x7d: {  	[sflag:s28] =	ssyncset.done $0x0  }
0x7e: {  	[sflag:s28] =	ssyncadd.s32 $0xFFFFF000  }
.Ltmp3:
0x7f: {  	(pc) =	sbr.rel .LBB2_2-.Ltmp3, $3  }
0x80: {  	_ =	sdelay $0x1  }
0x81: {  	s5 =	sadd.s32 $0x500, s24;
	s22 =	sadd.s32 $0x800, s22  }
0x82: {  	[tilespmem:s23], [sflag:$0x3] =	stream.indirect.gather [spmem:s3], $0x20, s5, s19, $0xb8;
	[tilespmem:$0x17C60] =	vst v63  }
.LBB2_5:
0x83: {  	_ =	sfence.sel $0x180000  }
0x84: {  	[bflag:$0x0] =	sbarrier.arrive $0xFFFF  }
0x85: {  	_ =	strace $0x90000050  }
0x86: {  	s0 =	stileid.u32;
	[bflag:$0x2] =	sbarrier.arrive $0xFFFF  }
0x87: {  	p0 =	sne.s32 s0, $0x0;
	s0 =	rddreg [dreg:$0x3]  }
0x88: {  	s0 =	sadd.s32 @!p0 $0x100000, s0  }
0x89: {  	[sflag:s0] =	ssyncadd.tile.s32 @!p0 $0x1;
	_ =	shalt  }
.Lfunc_end2:
_tile_overlayer_lowered:
.L_overlay_start_2:
0x8a: {  	(tag) =	ssettag $0x2  }
0x8b: {  	s0 =	rddreg [dreg:$0x0];
	s2 =	stileid.u32  }
0x8c: {  	s1 =	rddreg [dreg:$0x1];
	p0 =	sne.s32 s2, $0x0  }
0x8d: {  	s3 =	rddreg [dreg:$0x2];
	[bflag:$0x3] =	sbarrier.arrive $0xFFFF;
	s2 =	simm.s32 @!p0 $0x1C09  }
0x8e: {  	[timem:s3], [sflag:s2] =	dma.local @!p0 [hbm:s0], s1  }
0x8f: {  	s0 =	simm.s32 @!p0 $0x9  }
0x90: {  	_ =	swait.ge @!p0 [sflag:s0], s1  }
0x91: {  	s1 =	ssub.s32 @!p0 $0x0, s1;
	[sflag:s0] =	ssyncset.done @!p0 $0x0  }
0x92: {  	[sflag:s0] =	ssyncadd.s32 @!p0 s1  }
0x93: {  	[bflag:$0x3] =	sbarrier.arrive $0xFFFF  }
0x94: {  	_ =	shalt  }

</sc_bundles>
